<compile_context>
chip_gen: v7x
topology: tpu7x:2x2x1
jax: 0.10.2.dev20260603
libtpu: 0.0.44.dev20260713+nightly
codegen_flags: <defaults>
</compile_context>

<pallas_src>
import functools

import jax
import jax.numpy as jnp
from jax import lax
from jax.experimental import pallas as pl
from jax.experimental.pallas import tpu as pltpu
from jax.experimental.pallas import tpu_sc as plsc

H, W, KS = 2048, 2048, 8
N = 65536
E = H * W * KS
VE = N * KS
NC, NS, L = 2, 16, 16
CHUNK = 1048576
NCHUNK = E // CHUNK
CPS = NCHUNK // NC
SSZ = CHUNK // NS
PTS = N // NS
ZROWS = 8192
G = 128
TRASH = CHUNK

_mesh = plsc.VectorSubcoreMesh(
    core_axis_name="c", subcore_axis_name="s", num_cores=NC, num_subcores=NS
)


def _scalar(v16, i):
    return lax.squeeze(lax.slice(v16, (i,), (i + 1,)), (0,))


@functools.partial(
    pl.kernel,
    out_type=jax.ShapeDtypeStruct((E,), jnp.float32),
    mesh=_mesh,
    scratch_types=[
        pltpu.VMEM((PTS,), jnp.int32),
        pltpu.VMEM((PTS,), jnp.int32),
        pltpu.VMEM((PTS,), jnp.int32),
        pltpu.VMEM((PTS,), jnp.int32),
        pltpu.VMEM((PTS,), jnp.int32),
        pltpu.VMEM((CPS * L,), jnp.int32),
        pltpu.VMEM((CPS + L,), jnp.int32),
        pltpu.VMEM((G,), jnp.int32),
        pltpu.VMEM((G,), jnp.int32),
        pltpu.VMEM((KS, G), jnp.float32),
        pltpu.VMEM((ZROWS,), jnp.float32),
        pltpu.VMEM_SHARED((CHUNK + NS * 1024,), jnp.float32),
        pltpu.SemaphoreType.DMA,
        pltpu.SemaphoreType.DMA,
        pltpu.SemaphoreType.DMA,
        pltpu.SemaphoreType.DMA,
    ],
    compiler_params=pltpu.CompilerParams(needs_layout_passes=False),
)
def _scatter_kernel(xcol, ycol, vals1, out1, xs_v, ys_v, eb_v, vb_v, bli,
                    roff, binst, eidx, vidx, crows, zbuf, acc,
                    gsem, ssem, zsem, wsem):
    c = lax.axis_index("c")
    s = lax.axis_index("s")
    iota = lax.iota(jnp.int32, L)
    zero_i = jnp.zeros((L,), jnp.int32)
    zero_f = jnp.zeros((L,), jnp.float32)

    pltpu.sync_copy(xcol.at[pl.ds(s * PTS, PTS)], xs_v)
    pltpu.sync_copy(ycol.at[pl.ds(s * PTS, PTS)], ys_v)

    def zh(i, _):
        plsc.store_scatter(roff, [iota + i * L], zero_i)
        return 0

    lax.fori_loop(0, CPS, zh, 0)

    cb0 = c * CPS * CHUNK

    def mk_base(i, _):
        lanes = iota + i * L
        xs = plsc.load_gather(xs_v, [lanes])
        ys = plsc.load_gather(ys_v, [lanes])
        eb = xs * (W * KS) + ((ys >> 7) << 10) + (ys & 127)
        plsc.store_scatter(eb_v, [lanes], eb)
        p = lanes + s * PTS
        plsc.store_scatter(vb_v, [lanes], ((p >> 7) << 10) + (p & 127))
        cid = (eb - cb0) >> 20
        m = (cid >= 0) & (cid < CPS)
        hidx = (cid << 4) + iota
        h = plsc.load_gather(roff, [hidx], mask=m)
        plsc.store_scatter(roff, [hidx], h + 1, mask=m)
        return 0

    lax.fori_loop(0, PTS // L, mk_base, 0)

    base = jnp.int32(0)
    for b in range(CPS):
        plsc.store_scatter(binst, [zero_i + b], zero_i + base,
                           mask=(iota == 0))
        row = plsc.load_gather(roff, [zero_i + (b << 4) + iota])
        cs = plsc.cumsum(row)
        plsc.store_scatter(roff, [zero_i + (b << 4) + iota],
                           base + cs - row)
        base = base + _scalar(cs, L - 1)
    plsc.store_scatter(binst, [zero_i + CPS], zero_i + base,
                       mask=(iota == 0))

    def binify(i, _):
        lanes = iota + i * L
        eb = plsc.load_gather(eb_v, [lanes])
        cid = (eb - cb0) >> 20
        m = (cid >= 0) & (cid < CPS)
        hidx = (cid << 4) + iota
        pos = plsc.load_gather(roff, [hidx], mask=m)
        plsc.store_scatter(roff, [hidx], pos + 1, mask=m)
        plsc.store_scatter(bli, [pos], lanes, mask=m)
        return 0

    lax.fori_loop(0, PTS // L, binify, 0)

    def mk_zero(i, _):
        plsc.store_scatter(zbuf, [iota + i * L], zero_f)
        return 0

    lax.fori_loop(0, ZROWS // L, mk_zero, 0)

    def z0(j, _):
        pltpu.sync_copy(zbuf, acc.at[pl.ds(s * SSZ + j * ZROWS, ZROWS)])
        return 0

    lax.fori_loop(0, SSZ // ZROWS, z0, 0)

    pltpu.async_copy(acc.at[pl.ds(s * SSZ, SSZ)],
                     out1.at[pl.ds(cb0 + s * SSZ, SSZ)], wsem)

    ACCL = CHUNK + NS * 1024
    KPAD = (KS - 1) * G

    def expand(start, end, cb, g):
        for j in range(G // L):
            lanes = start + g * G + j * L + iota
            valid = lanes < end
            li = plsc.load_gather(bli, [lanes], mask=valid)
            e16 = plsc.load_gather(eb_v, [li], mask=valid) - cb
            v16 = plsc.load_gather(vb_v, [li], mask=valid)
            e16 = jnp.where(valid, e16, TRASH + s * 1024)
            v16 = jnp.where(valid, v16, s * (PTS * KS))
            plsc.store_scatter(eidx, [j * L + iota], e16)
            plsc.store_scatter(vidx, [j * L + iota], v16)

    def chunk_body(lc, _):
        cb = cb0 + lc * CHUNK
        st16 = plsc.load_gather(binst, [zero_i + lc])
        en16 = plsc.load_gather(binst, [zero_i + lc + 1])
        start, end = _scalar(st16, 0), _scalar(en16, 0)
        lcp = jnp.maximum(lc - 1, 0)
        pst16 = plsc.load_gather(binst, [zero_i + lcp])
        pen16 = plsc.load_gather(binst, [zero_i + lcp + 1])
        pstart, pend = _scalar(pst16, 0), _scalar(pen16, 0)
        pcnt = jnp.where(lc > 0, pend - pstart, 0)

        pltpu.make_async_copy(acc.at[pl.ds(s * SSZ, SSZ)],
                              out1.at[pl.ds(s * SSZ, SSZ)], wsem).wait()
        plsc.subcore_barrier()

        def zt(g, _):
            expand(pstart, pend, cb - CHUNK, g)
            for k in range(KS):
                pltpu.async_copy(
                    zbuf.at[pl.ds(0, G)],
                    acc.at[pl.ds(k * G, ACCL - KPAD)].at[eidx], zsem)
            for k in range(KS):
                pltpu.make_async_copy(
                    zbuf.at[pl.ds(0, G)],
                    acc.at[pl.ds(k * G, ACCL - KPAD)].at[eidx], zsem).wait()
            return 0

        lax.fori_loop(0, (pcnt + G - 1) >> 7, zt, 0)

        plsc.subcore_barrier()

        def accum(g, _):
            expand(start, end, cb, g)
            for k in range(KS):
                pltpu.async_copy(
                    vals1.at[pl.ds(k * G, VE - KPAD)].at[vidx],
                    crows.at[k], gsem)
            for k in range(KS):
                pltpu.make_async_copy(
                    vals1.at[pl.ds(k * G, VE - KPAD)].at[vidx],
                    crows.at[k], gsem).wait()
            for k in range(KS):
                pltpu.async_copy(
                    crows.at[k],
                    acc.at[pl.ds(k * G, ACCL - KPAD)].at[eidx], ssem,
                    add=True)
            for k in range(KS):
                pltpu.make_async_copy(
                    crows.at[k],
                    acc.at[pl.ds(k * G, ACCL - KPAD)].at[eidx], ssem).wait()
            return 0

        lax.fori_loop(0, (end - start + G - 1) >> 7, accum, 0)

        plsc.subcore_barrier()

        pltpu.async_copy(acc.at[pl.ds(s * SSZ, SSZ)],
                         out1.at[pl.ds(cb + s * SSZ, SSZ)], wsem)
        return 0

    lax.fori_loop(0, CPS, chunk_body, 0)

    pltpu.make_async_copy(acc.at[pl.ds(s * SSZ, SSZ)],
                          out1.at[pl.ds(s * SSZ, SSZ)], wsem).wait()


def kernel(coords, vals):
    xcol = coords[:, 0]
    ycol = coords[:, 1]
    vals1 = vals.reshape(N // 128, 128, KS).transpose(0, 2, 1).reshape(VE)
    out1 = _scatter_kernel(xcol, ycol, vals1)
    return out1.reshape(H, W // 128, KS, 128).transpose(0, 1, 3, 2).reshape(
        H, W, KS)

# --- scband reference (transcript-rebuilt; emitter-appended) ---
"""Pipeline reference for scband-sparse-kernel-44186623541442 (READ-ONLY COPY).

The authoritative reference and input builder live on the scoring server;
editing this copy changes nothing except your own understanding.
"""

import jax, jax.numpy as jnp
import numpy as np

H, W, KS = 2048, 2048, 8
N = 65536


def setup_inputs(seed: int = 0) -> dict:
    key = jax.random.key(seed)
    k1, k2 = jax.random.split(key, 2)
    coords = jax.random.randint(k1, (N, 2), 0, H, dtype=jnp.int32)
    vals = jax.random.normal(k2, (N, KS), dtype=jnp.float32)
    return {"coords": coords, "vals": vals}


def reference(coords, vals):
    # SparseKernel.to_dense(): dense = zeros(size); dense.view(-1, ks).index_add_(0, flat_idx, vals)
    flat_idx = coords[:, 0] * W + coords[:, 1]
    dense = jnp.zeros((H * W, KS), dtype=vals.dtype)
    dense = dense.at[flat_idx].add(vals)
    return dense.reshape(H, W, KS)

if __name__ == "__main__":
    import jax
    _d = setup_inputs()
    print(jax.jit(kernel)(*tuple(_d.values())))

</pallas_src>

<mosaic_0001>
#map = affine_map<(d0, d1) -> (0)>
module attributes {stable_mosaic.version = 14 : i64} {
  func.func @_scatter_kernel(%arg0: i32, %arg1: i32, %arg2: memref<65536xi32, #tpu.memory_space<hbm>>, %arg3: memref<65536xi32, #tpu.memory_space<hbm>>, %arg4: memref<524288xf32, #tpu.memory_space<hbm>>, %arg5: memref<33554432xf32, #tpu.memory_space<hbm>>, %arg6: memref<4096xi32, #tpu.memory_space<vmem>>, %arg7: memref<4096xi32, #tpu.memory_space<vmem>>, %arg8: memref<4096xi32, #tpu.memory_space<vmem>>, %arg9: memref<4096xi32, #tpu.memory_space<vmem>>, %arg10: memref<4096xi32, #tpu.memory_space<vmem>>, %arg11: memref<256xi32, #tpu.memory_space<vmem>>, %arg12: memref<32xi32, #tpu.memory_space<vmem>>, %arg13: memref<128xi32, #tpu.memory_space<vmem>>, %arg14: memref<128xi32, #tpu.memory_space<vmem>>, %arg15: memref<8x128xf32, #tpu.memory_space<vmem>>, %arg16: memref<8192xf32, #tpu.memory_space<vmem>>, %arg17: memref<1064960xf32, #tpu.memory_space<vmem_shared>>, %arg18: memref<!tpu.dma_semaphore, #tpu.memory_space<semaphore_mem>>, %arg19: memref<!tpu.dma_semaphore, #tpu.memory_space<semaphore_mem>>, %arg20: memref<!tpu.dma_semaphore, #tpu.memory_space<semaphore_mem>>, %arg21: memref<!tpu.dma_semaphore, #tpu.memory_space<semaphore_mem>>) attributes {dimension_semantics = [#tpu.dimension_semantics<core_parallel>, #tpu.dimension_semantics<subcore_parallel>], iteration_bounds = array<i64: 2, 16>, scalar_prefetch = 0 : i64, scratch_operands = 16 : i64, tpu.core_type = #tpu.core_type<sc_vector_subcore>, window_params = [{transform_indices = #map}, {transform_indices = #map}, {transform_indices = #map}, {transform_indices = #map}]} {
    %iota3A = tpu.iota {dimensions = array<i32: 0>} : vector<16xi32>
    %broadcast_in_dim3A = arith.constant 0 : i32
    %broadcast_in_dim3A_0 = vector.broadcast %broadcast_in_dim3A : i32 to vector<16xi32>
    %broadcast_in_dim3A_1 = arith.constant 0.000000e+00 : f32
    %broadcast_in_dim3A_2 = vector.broadcast %broadcast_in_dim3A_1 : f32 to vector<16xf32>
    %mul3A = arith.constant 4096 : i32
    %mul3A_3 = arith.muli %arg1, %mul3A : i32
    "tpu.region"() ({
      %run_scoped3A = tpu.sem_alloc : memref<!tpu.dma_semaphore, #tpu.memory_space<semaphore_mem>>
      %dma_start3A_482 = tpu.memref_slice %arg2[%mul3A_3] : memref<65536xi32, #tpu.memory_space<hbm>> -> memref<4096xi32, #tpu.memory_space<hbm>>
      %dma_start3A_483 = tpu.memref_slice %arg2[%mul3A_3] : memref<65536xi32, #tpu.memory_space<hbm>> -> memref<4096xi32, #tpu.memory_space<hbm>>
      tpu.enqueue_dma source(%dma_start3A_483 : memref<4096xi32, #tpu.memory_space<hbm>>) target(%arg6 : memref<4096xi32, #tpu.memory_space<vmem>>) target_semaphore(%run_scoped3A : memref<!tpu.dma_semaphore, #tpu.memory_space<semaphore_mem>>)
      %dma_wait3A_484 = tpu.memref_slice %arg2[%mul3A_3] : memref<65536xi32, #tpu.memory_space<hbm>> -> memref<4096xi32, #tpu.memory_space<hbm>>
      %dma_wait3A_485 = tpu.memref_slice %arg2[%mul3A_3] : memref<65536xi32, #tpu.memory_space<hbm>> -> memref<4096xi32, #tpu.memory_space<hbm>>
      tpu.wait_dma2 semaphore(%run_scoped3A : memref<!tpu.dma_semaphore, #tpu.memory_space<semaphore_mem>>) src(%dma_wait3A_485 : memref<4096xi32, #tpu.memory_space<hbm>>) dst(%arg6 : memref<4096xi32, #tpu.memory_space<vmem>>)
      tpu.yield
    }) : () -> ()
    %mul3A_4 = arith.constant 4096 : i32
    %mul3A_5 = arith.muli %arg1, %mul3A_4 : i32
    "tpu.region"() ({
      %run_scoped3A = tpu.sem_alloc : memref<!tpu.dma_semaphore, #tpu.memory_space<semaphore_mem>>
      %dma_start3A_482 = tpu.memref_slice %arg3[%mul3A_5] : memref<65536xi32, #tpu.memory_space<hbm>> -> memref<4096xi32, #tpu.memory_space<hbm>>
      %dma_start3A_483 = tpu.memref_slice %arg3[%mul3A_5] : memref<65536xi32, #tpu.memory_space<hbm>> -> memref<4096xi32, #tpu.memory_space<hbm>>
      tpu.enqueue_dma source(%dma_start3A_483 : memref<4096xi32, #tpu.memory_space<hbm>>) target(%arg7 : memref<4096xi32, #tpu.memory_space<vmem>>) target_semaphore(%run_scoped3A : memref<!tpu.dma_semaphore, #tpu.memory_space<semaphore_mem>>)
      %dma_wait3A_484 = tpu.memref_slice %arg3[%mul3A_5] : memref<65536xi32, #tpu.memory_space<hbm>> -> memref<4096xi32, #tpu.memory_space<hbm>>
      %dma_wait3A_485 = tpu.memref_slice %arg3[%mul3A_5] : memref<65536xi32, #tpu.memory_space<hbm>> -> memref<4096xi32, #tpu.memory_space<hbm>>
      tpu.wait_dma2 semaphore(%run_scoped3A : memref<!tpu.dma_semaphore, #tpu.memory_space<semaphore_mem>>) src(%dma_wait3A_485 : memref<4096xi32, #tpu.memory_space<hbm>>) dst(%arg7 : memref<4096xi32, #tpu.memory_space<vmem>>)
      tpu.yield
    }) : () -> ()
    %scan3A = arith.constant 0 : i32
    %scan3A_6 = arith.constant 0 : i32
    %scan3A_7 = arith.constant 16 : i32
    %scan3A_8 = arith.addi %scan3A_6, %scan3A_7 : i32
    %scan3A_9 = arith.constant 1 : i32
    %scan3A_10 = scf.for %scan3A_482 = %scan3A_6 to %scan3A_8 step %scan3A_9 iter_args(%scan3A_483 = %scan3A) -> (i32)  : i32 {
      %mul3A_484 = arith.constant 16 : i32
      %mul3A_485 = arith.muli %scan3A_482, %mul3A_484 : i32
      %add3A_486 = vector.broadcast %mul3A_485 : i32 to vector<16xi32>
      %add3A_487 = arith.addi %iota3A, %add3A_486 : vector<16xi32>
      tpu.vector_store_idx %arg11[%add3A_487], %broadcast_in_dim3A_0 : memref<256xi32, #tpu.memory_space<vmem>>[vector<16xi32>], vector<16xi32>,
      %scan3A_488 = arith.constant 0 : i32
      scf.yield %scan3A_488 : i32
    }
    %scan3A_11 = arith.constant 16 : i32
    %mul3A_12 = arith.constant 16 : i32
    %mul3A_13 = arith.muli %arg0, %mul3A_12 : i32
    %mul3A_14 = arith.constant 1048576 : i32
    %mul3A_15 = arith.muli %mul3A_13, %mul3A_14 : i32
    %scan3A_16 = arith.constant 0 : i32
    %scan3A_17 = arith.constant 0 : i32
    %scan3A_18 = arith.constant 256 : i32
    %scan3A_19 = arith.addi %scan3A_17, %scan3A_18 : i32
    %scan3A_20 = arith.constant 1 : i32
    %scan3A_21 = scf.for %scan3A_482 = %scan3A_17 to %scan3A_19 step %scan3A_20 iter_args(%scan3A_483 = %scan3A_16) -> (i32)  : i32 {
      %mul3A_484 = arith.constant 16 : i32
      %mul3A_485 = arith.muli %scan3A_482, %mul3A_484 : i32
      %add3A_486 = vector.broadcast %mul3A_485 : i32 to vector<16xi32>
      %add3A_487 = arith.addi %iota3A, %add3A_486 : vector<16xi32>
      %gather3A_488 = tpu.vector_load_idx %arg6[%add3A_487] : memref<4096xi32, #tpu.memory_space<vmem>>[vector<16xi32>], vector<16xi32>,
      %gather3A_489 = tpu.vector_load_idx %arg7[%add3A_487] : memref<4096xi32, #tpu.memory_space<vmem>>[vector<16xi32>], vector<16xi32>,
      %mul3A_490 = arith.constant 16384 : i32
      %mul3A_491 = vector.broadcast %mul3A_490 : i32 to vector<16xi32>
      %mul3A_492 = arith.muli %gather3A_488, %mul3A_491 : vector<16xi32>
      %shift_right_arithmetic3A = arith.constant 7 : i32
      %shift_right_arithmetic3A_493 = vector.broadcast %shift_right_arithmetic3A : i32 to vector<16xi32>
      %shift_right_arithmetic3A_494 = arith.shrsi %gather3A_489, %shift_right_arithmetic3A_493 : vector<16xi32>
      %shift_left3A = arith.constant 10 : i32
      %shift_left3A_495 = vector.broadcast %shift_left3A : i32 to vector<16xi32>
      %shift_left3A_496 = arith.shli %shift_right_arithmetic3A_494, %shift_left3A_495 : vector<16xi32>
      %add3A_497 = arith.addi %mul3A_492, %shift_left3A_496 : vector<16xi32>
      %and3A = arith.constant 127 : i32
      %and3A_498 = vector.broadcast %and3A : i32 to vector<16xi32>
      %and3A_499 = arith.andi %gather3A_489, %and3A_498 : vector<16xi32>
      %add3A_500 = arith.addi %add3A_497, %and3A_499 : vector<16xi32>
      tpu.vector_store_idx %arg8[%add3A_487], %add3A_500 : memref<4096xi32, #tpu.memory_space<vmem>>[vector<16xi32>], vector<16xi32>,
      %mul3A_501 = arith.constant 4096 : i32
      %mul3A_502 = arith.muli %arg1, %mul3A_501 : i32
      %add3A_503 = vector.broadcast %mul3A_502 : i32 to vector<16xi32>
      %add3A_504 = arith.addi %add3A_487, %add3A_503 : vector<16xi32>
      %shift_right_arithmetic3A_505 = arith.constant 7 : i32
      %shift_right_arithmetic3A_506 = vector.broadcast %shift_right_arithmetic3A_505 : i32 to vector<16xi32>
      %shift_right_arithmetic3A_507 = arith.shrsi %add3A_504, %shift_right_arithmetic3A_506 : vector<16xi32>
      %shift_left3A_508 = arith.constant 10 : i32
      %shift_left3A_509 = vector.broadcast %shift_left3A_508 : i32 to vector<16xi32>
      %shift_left3A_510 = arith.shli %shift_right_arithmetic3A_507, %shift_left3A_509 : vector<16xi32>
      %and3A_511 = arith.constant 127 : i32
      %and3A_512 = vector.broadcast %and3A_511 : i32 to vector<16xi32>
      %and3A_513 = arith.andi %add3A_504, %and3A_512 : vector<16xi32>
      %add3A_514 = arith.addi %shift_left3A_510, %and3A_513 : vector<16xi32>
      tpu.vector_store_idx %arg9[%add3A_487], %add3A_514 : memref<4096xi32, #tpu.memory_space<vmem>>[vector<16xi32>], vector<16xi32>,
      %sub3A_515 = vector.broadcast %mul3A_15 : i32 to vector<16xi32>
      %sub3A_516 = arith.subi %add3A_500, %sub3A_515 : vector<16xi32>
      %shift_right_arithmetic3A_517 = arith.constant 20 : i32
      %shift_right_arithmetic3A_518 = vector.broadcast %shift_right_arithmetic3A_517 : i32 to vector<16xi32>
      %shift_right_arithmetic3A_519 = arith.shrsi %sub3A_516, %shift_right_arithmetic3A_518 : vector<16xi32>
      %ge3A = arith.constant 0 : i32
      %ge3A_520 = vector.broadcast %ge3A : i32 to vector<16xi32>
      %ge3A_521 = arith.cmpi sge, %shift_right_arithmetic3A_519, %ge3A_520 : vector<16xi32>
      %lt3A = arith.constant 16 : i32
      %lt3A_522 = vector.broadcast %lt3A : i32 to vector<16xi32>
      %lt3A_523 = arith.cmpi slt, %shift_right_arithmetic3A_519, %lt3A_522 : vector<16xi32>
      %and3A_524 = arith.andi %ge3A_521, %lt3A_523 : vector<16xi1>
      %shift_left3A_525 = arith.constant 4 : i32
      %shift_left3A_526 = vector.broadcast %shift_left3A_525 : i32 to vector<16xi32>
      %shift_left3A_527 = arith.shli %shift_right_arithmetic3A_519, %shift_left3A_526 : vector<16xi32>
      %add3A_528 = arith.addi %shift_left3A_527, %iota3A : vector<16xi32>
      %gather3A_529 = tpu.vector_load_idx %arg11[%add3A_528] masked %and3A_524 : memref<256xi32, #tpu.memory_space<vmem>>[vector<16xi32>], vector<16xi32>, vector<16xi1>
      %add3A_530 = arith.constant 1 : i32
      %add3A_531 = vector.broadcast %add3A_530 : i32 to vector<16xi32>
      %add3A_532 = arith.addi %gather3A_529, %add3A_531 : vector<16xi32>
      tpu.vector_store_idx %arg11[%add3A_528], %add3A_532 masked %and3A_524 : memref<256xi32, #tpu.memory_space<vmem>>[vector<16xi32>], vector<16xi32>, vector<16xi1>
      %scan3A_533 = arith.constant 0 : i32
      scf.yield %scan3A_533 : i32
    }
    %scan3A_22 = arith.constant 256 : i32
    %add3A = arith.constant 0 : i32
    %add3A_23 = vector.broadcast %add3A : i32 to vector<16xi32>
    %add3A_24 = arith.addi %broadcast_in_dim3A_0, %add3A_23 : vector<16xi32>
    %add3A_25 = arith.constant 0 : i32
    %add3A_26 = vector.broadcast %add3A_25 : i32 to vector<16xi32>
    %add3A_27 = arith.addi %broadcast_in_dim3A_0, %add3A_26 : vector<16xi32>
    %eq3A = arith.constant 0 : i32
    %eq3A_28 = vector.broadcast %eq3A : i32 to vector<16xi32>
    %eq3A_29 = arith.cmpi eq, %iota3A, %eq3A_28 : vector<16xi32>
    tpu.vector_store_idx %arg12[%add3A_24], %add3A_27 masked %eq3A_29 : memref<32xi32, #tpu.memory_space<vmem>>[vector<16xi32>], vector<16xi32>, vector<16xi1>
    %add3A_30 = arith.constant 0 : i32
    %add3A_31 = vector.broadcast %add3A_30 : i32 to vector<16xi32>
    %add3A_32 = arith.addi %broadcast_in_dim3A_0, %add3A_31 : vector<16xi32>
    %add3A_33 = arith.addi %add3A_32, %iota3A : vector<16xi32>
    %gather3A = tpu.vector_load_idx %arg11[%add3A_33] : memref<256xi32, #tpu.memory_space<vmem>>[vector<16xi32>], vector<16xi32>,
    %broadcast_in_dim3A_34 = arith.constant true
    %broadcast_in_dim3A_35 = vector.broadcast %broadcast_in_dim3A_34 : i1 to vector<16xi1>
    %masked_cumsum3A = tpu.scan <sum>, %gather3A masked %broadcast_in_dim3A_35 : vector<16xi32>, vector<16xi1> -> vector<16xi32>
    %add3A_36 = arith.constant 0 : i32
    %add3A_37 = vector.broadcast %add3A_36 : i32 to vector<16xi32>
    %add3A_38 = arith.addi %broadcast_in_dim3A_0, %add3A_37 : vector<16xi32>
    %add3A_39 = arith.addi %add3A_38, %iota3A : vector<16xi32>
    %add3A_40 = arith.constant 0 : i32
    %add3A_41 = vector.broadcast %add3A_40 : i32 to vector<16xi32>
    %add3A_42 = arith.addi %add3A_41, %masked_cumsum3A : vector<16xi32>
    %sub3A = arith.subi %add3A_42, %gather3A : vector<16xi32>
    tpu.vector_store_idx %arg11[%add3A_39], %sub3A : memref<256xi32, #tpu.memory_space<vmem>>[vector<16xi32>], vector<16xi32>,
    %slice3A = vector.extract_strided_slice %masked_cumsum3A {offsets = [15], sizes = [1], strides = [1]} : vector<16xi32> to vector<1xi32>
    %squeeze3A = vector.extract %slice3A[0] : i32 from vector<1xi32>
    %add3A_43 = arith.constant 0 : i32
    %add3A_44 = arith.addi %add3A_43, %squeeze3A : i32
    %add3A_45 = arith.constant 1 : i32
    %add3A_46 = vector.broadcast %add3A_45 : i32 to vector<16xi32>
    %add3A_47 = arith.addi %broadcast_in_dim3A_0, %add3A_46 : vector<16xi32>
    %add3A_48 = vector.broadcast %add3A_44 : i32 to vector<16xi32>
    %add3A_49 = arith.addi %broadcast_in_dim3A_0, %add3A_48 : vector<16xi32>
    %eq3A_50 = arith.constant 0 : i32
    %eq3A_51 = vector.broadcast %eq3A_50 : i32 to vector<16xi32>
    %eq3A_52 = arith.cmpi eq, %iota3A, %eq3A_51 : vector<16xi32>
    tpu.vector_store_idx %arg12[%add3A_47], %add3A_49 masked %eq3A_52 : memref<32xi32, #tpu.memory_space<vmem>>[vector<16xi32>], vector<16xi32>, vector<16xi1>
    %add3A_53 = arith.constant 16 : i32
    %add3A_54 = vector.broadcast %add3A_53 : i32 to vector<16xi32>
    %add3A_55 = arith.addi %broadcast_in_dim3A_0, %add3A_54 : vector<16xi32>
    %add3A_56 = arith.addi %add3A_55, %iota3A : vector<16xi32>
    %gather3A_57 = tpu.vector_load_idx %arg11[%add3A_56] : memref<256xi32, #tpu.memory_space<vmem>>[vector<16xi32>], vector<16xi32>,
    %broadcast_in_dim3A_58 = arith.constant true
    %broadcast_in_dim3A_59 = vector.broadcast %broadcast_in_dim3A_58 : i1 to vector<16xi1>
    %masked_cumsum3A_60 = tpu.scan <sum>, %gather3A_57 masked %broadcast_in_dim3A_59 : vector<16xi32>, vector<16xi1> -> vector<16xi32>
    %add3A_61 = arith.constant 16 : i32
    %add3A_62 = vector.broadcast %add3A_61 : i32 to vector<16xi32>
    %add3A_63 = arith.addi %broadcast_in_dim3A_0, %add3A_62 : vector<16xi32>
    %add3A_64 = arith.addi %add3A_63, %iota3A : vector<16xi32>
    %add3A_65 = vector.broadcast %add3A_44 : i32 to vector<16xi32>
    %add3A_66 = arith.addi %add3A_65, %masked_cumsum3A_60 : vector<16xi32>
    %sub3A_67 = arith.subi %add3A_66, %gather3A_57 : vector<16xi32>
    tpu.vector_store_idx %arg11[%add3A_64], %sub3A_67 : memref<256xi32, #tpu.memory_space<vmem>>[vector<16xi32>], vector<16xi32>,
    %slice3A_68 = vector.extract_strided_slice %masked_cumsum3A_60 {offsets = [15], sizes = [1], strides = [1]} : vector<16xi32> to vector<1xi32>
    %squeeze3A_69 = vector.extract %slice3A_68[0] : i32 from vector<1xi32>
    %add3A_70 = arith.addi %add3A_44, %squeeze3A_69 : i32
    %add3A_71 = arith.constant 2 : i32
    %add3A_72 = vector.broadcast %add3A_71 : i32 to vector<16xi32>
    %add3A_73 = arith.addi %broadcast_in_dim3A_0, %add3A_72 : vector<16xi32>
    %add3A_74 = vector.broadcast %add3A_70 : i32 to vector<16xi32>
    %add3A_75 = arith.addi %broadcast_in_dim3A_0, %add3A_74 : vector<16xi32>
    %eq3A_76 = arith.constant 0 : i32
    %eq3A_77 = vector.broadcast %eq3A_76 : i32 to vector<16xi32>
    %eq3A_78 = arith.cmpi eq, %iota3A, %eq3A_77 : vector<16xi32>
    tpu.vector_store_idx %arg12[%add3A_73], %add3A_75 masked %eq3A_78 : memref<32xi32, #tpu.memory_space<vmem>>[vector<16xi32>], vector<16xi32>, vector<16xi1>
    %add3A_79 = arith.constant 32 : i32
    %add3A_80 = vector.broadcast %add3A_79 : i32 to vector<16xi32>
    %add3A_81 = arith.addi %broadcast_in_dim3A_0, %add3A_80 : vector<16xi32>
    %add3A_82 = arith.addi %add3A_81, %iota3A : vector<16xi32>
    %gather3A_83 = tpu.vector_load_idx %arg11[%add3A_82] : memref<256xi32, #tpu.memory_space<vmem>>[vector<16xi32>], vector<16xi32>,
    %broadcast_in_dim3A_84 = arith.constant true
    %broadcast_in_dim3A_85 = vector.broadcast %broadcast_in_dim3A_84 : i1 to vector<16xi1>
    %masked_cumsum3A_86 = tpu.scan <sum>, %gather3A_83 masked %broadcast_in_dim3A_85 : vector<16xi32>, vector<16xi1> -> vector<16xi32>
    %add3A_87 = arith.constant 32 : i32
    %add3A_88 = vector.broadcast %add3A_87 : i32 to vector<16xi32>
    %add3A_89 = arith.addi %broadcast_in_dim3A_0, %add3A_88 : vector<16xi32>
    %add3A_90 = arith.addi %add3A_89, %iota3A : vector<16xi32>
    %add3A_91 = vector.broadcast %add3A_70 : i32 to vector<16xi32>
    %add3A_92 = arith.addi %add3A_91, %masked_cumsum3A_86 : vector<16xi32>
    %sub3A_93 = arith.subi %add3A_92, %gather3A_83 : vector<16xi32>
    tpu.vector_store_idx %arg11[%add3A_90], %sub3A_93 : memref<256xi32, #tpu.memory_space<vmem>>[vector<16xi32>], vector<16xi32>,
    %slice3A_94 = vector.extract_strided_slice %masked_cumsum3A_86 {offsets = [15], sizes = [1], strides = [1]} : vector<16xi32> to vector<1xi32>
    %squeeze3A_95 = vector.extract %slice3A_94[0] : i32 from vector<1xi32>
    %add3A_96 = arith.addi %add3A_70, %squeeze3A_95 : i32
    %add3A_97 = arith.constant 3 : i32
    %add3A_98 = vector.broadcast %add3A_97 : i32 to vector<16xi32>
    %add3A_99 = arith.addi %broadcast_in_dim3A_0, %add3A_98 : vector<16xi32>
    %add3A_100 = vector.broadcast %add3A_96 : i32 to vector<16xi32>
    %add3A_101 = arith.addi %broadcast_in_dim3A_0, %add3A_100 : vector<16xi32>
    %eq3A_102 = arith.constant 0 : i32
    %eq3A_103 = vector.broadcast %eq3A_102 : i32 to vector<16xi32>
    %eq3A_104 = arith.cmpi eq, %iota3A, %eq3A_103 : vector<16xi32>
    tpu.vector_store_idx %arg12[%add3A_99], %add3A_101 masked %eq3A_104 : memref<32xi32, #tpu.memory_space<vmem>>[vector<16xi32>], vector<16xi32>, vector<16xi1>
    %add3A_105 = arith.constant 48 : i32
    %add3A_106 = vector.broadcast %add3A_105 : i32 to vector<16xi32>
    %add3A_107 = arith.addi %broadcast_in_dim3A_0, %add3A_106 : vector<16xi32>
    %add3A_108 = arith.addi %add3A_107, %iota3A : vector<16xi32>
    %gather3A_109 = tpu.vector_load_idx %arg11[%add3A_108] : memref<256xi32, #tpu.memory_space<vmem>>[vector<16xi32>], vector<16xi32>,
    %broadcast_in_dim3A_110 = arith.constant true
    %broadcast_in_dim3A_111 = vector.broadcast %broadcast_in_dim3A_110 : i1 to vector<16xi1>
    %masked_cumsum3A_112 = tpu.scan <sum>, %gather3A_109 masked %broadcast_in_dim3A_111 : vector<16xi32>, vector<16xi1> -> vector<16xi32>
    %add3A_113 = arith.constant 48 : i32
    %add3A_114 = vector.broadcast %add3A_113 : i32 to vector<16xi32>
    %add3A_115 = arith.addi %broadcast_in_dim3A_0, %add3A_114 : vector<16xi32>
    %add3A_116 = arith.addi %add3A_115, %iota3A : vector<16xi32>
    %add3A_117 = vector.broadcast %add3A_96 : i32 to vector<16xi32>
    %add3A_118 = arith.addi %add3A_117, %masked_cumsum3A_112 : vector<16xi32>
    %sub3A_119 = arith.subi %add3A_118, %gather3A_109 : vector<16xi32>
    tpu.vector_store_idx %arg11[%add3A_116], %sub3A_119 : memref<256xi32, #tpu.memory_space<vmem>>[vector<16xi32>], vector<16xi32>,
    %slice3A_120 = vector.extract_strided_slice %masked_cumsum3A_112 {offsets = [15], sizes = [1], strides = [1]} : vector<16xi32> to vector<1xi32>
    %squeeze3A_121 = vector.extract %slice3A_120[0] : i32 from vector<1xi32>
    %add3A_122 = arith.addi %add3A_96, %squeeze3A_121 : i32
    %add3A_123 = arith.constant 4 : i32
    %add3A_124 = vector.broadcast %add3A_123 : i32 to vector<16xi32>
    %add3A_125 = arith.addi %broadcast_in_dim3A_0, %add3A_124 : vector<16xi32>
    %add3A_126 = vector.broadcast %add3A_122 : i32 to vector<16xi32>
    %add3A_127 = arith.addi %broadcast_in_dim3A_0, %add3A_126 : vector<16xi32>
    %eq3A_128 = arith.constant 0 : i32
    %eq3A_129 = vector.broadcast %eq3A_128 : i32 to vector<16xi32>
    %eq3A_130 = arith.cmpi eq, %iota3A, %eq3A_129 : vector<16xi32>
    tpu.vector_store_idx %arg12[%add3A_125], %add3A_127 masked %eq3A_130 : memref<32xi32, #tpu.memory_space<vmem>>[vector<16xi32>], vector<16xi32>, vector<16xi1>
    %add3A_131 = arith.constant 64 : i32
    %add3A_132 = vector.broadcast %add3A_131 : i32 to vector<16xi32>
    %add3A_133 = arith.addi %broadcast_in_dim3A_0, %add3A_132 : vector<16xi32>
    %add3A_134 = arith.addi %add3A_133, %iota3A : vector<16xi32>
    %gather3A_135 = tpu.vector_load_idx %arg11[%add3A_134] : memref<256xi32, #tpu.memory_space<vmem>>[vector<16xi32>], vector<16xi32>,
    %broadcast_in_dim3A_136 = arith.constant true
    %broadcast_in_dim3A_137 = vector.broadcast %broadcast_in_dim3A_136 : i1 to vector<16xi1>
    %masked_cumsum3A_138 = tpu.scan <sum>, %gather3A_135 masked %broadcast_in_dim3A_137 : vector<16xi32>, vector<16xi1> -> vector<16xi32>
    %add3A_139 = arith.constant 64 : i32
    %add3A_140 = vector.broadcast %add3A_139 : i32 to vector<16xi32>
    %add3A_141 = arith.addi %broadcast_in_dim3A_0, %add3A_140 : vector<16xi32>
    %add3A_142 = arith.addi %add3A_141, %iota3A : vector<16xi32>
    %add3A_143 = vector.broadcast %add3A_122 : i32 to vector<16xi32>
    %add3A_144 = arith.addi %add3A_143, %masked_cumsum3A_138 : vector<16xi32>
    %sub3A_145 = arith.subi %add3A_144, %gather3A_135 : vector<16xi32>
    tpu.vector_store_idx %arg11[%add3A_142], %sub3A_145 : memref<256xi32, #tpu.memory_space<vmem>>[vector<16xi32>], vector<16xi32>,
    %slice3A_146 = vector.extract_strided_slice %masked_cumsum3A_138 {offsets = [15], sizes = [1], strides = [1]} : vector<16xi32> to vector<1xi32>
    %squeeze3A_147 = vector.extract %slice3A_146[0] : i32 from vector<1xi32>
    %add3A_148 = arith.addi %add3A_122, %squeeze3A_147 : i32
    %add3A_149 = arith.constant 5 : i32
    %add3A_150 = vector.broadcast %add3A_149 : i32 to vector<16xi32>
    %add3A_151 = arith.addi %broadcast_in_dim3A_0, %add3A_150 : vector<16xi32>
    %add3A_152 = vector.broadcast %add3A_148 : i32 to vector<16xi32>
    %add3A_153 = arith.addi %broadcast_in_dim3A_0, %add3A_152 : vector<16xi32>
    %eq3A_154 = arith.constant 0 : i32
    %eq3A_155 = vector.broadcast %eq3A_154 : i32 to vector<16xi32>
    %eq3A_156 = arith.cmpi eq, %iota3A, %eq3A_155 : vector<16xi32>
    tpu.vector_store_idx %arg12[%add3A_151], %add3A_153 masked %eq3A_156 : memref<32xi32, #tpu.memory_space<vmem>>[vector<16xi32>], vector<16xi32>, vector<16xi1>
    %add3A_157 = arith.constant 80 : i32
    %add3A_158 = vector.broadcast %add3A_157 : i32 to vector<16xi32>
    %add3A_159 = arith.addi %broadcast_in_dim3A_0, %add3A_158 : vector<16xi32>
    %add3A_160 = arith.addi %add3A_159, %iota3A : vector<16xi32>
    %gather3A_161 = tpu.vector_load_idx %arg11[%add3A_160] : memref<256xi32, #tpu.memory_space<vmem>>[vector<16xi32>], vector<16xi32>,
    %broadcast_in_dim3A_162 = arith.constant true
    %broadcast_in_dim3A_163 = vector.broadcast %broadcast_in_dim3A_162 : i1 to vector<16xi1>
    %masked_cumsum3A_164 = tpu.scan <sum>, %gather3A_161 masked %broadcast_in_dim3A_163 : vector<16xi32>, vector<16xi1> -> vector<16xi32>
    %add3A_165 = arith.constant 80 : i32
    %add3A_166 = vector.broadcast %add3A_165 : i32 to vector<16xi32>
    %add3A_167 = arith.addi %broadcast_in_dim3A_0, %add3A_166 : vector<16xi32>
    %add3A_168 = arith.addi %add3A_167, %iota3A : vector<16xi32>
    %add3A_169 = vector.broadcast %add3A_148 : i32 to vector<16xi32>
    %add3A_170 = arith.addi %add3A_169, %masked_cumsum3A_164 : vector<16xi32>
    %sub3A_171 = arith.subi %add3A_170, %gather3A_161 : vector<16xi32>
    tpu.vector_store_idx %arg11[%add3A_168], %sub3A_171 : memref<256xi32, #tpu.memory_space<vmem>>[vector<16xi32>], vector<16xi32>,
    %slice3A_172 = vector.extract_strided_slice %masked_cumsum3A_164 {offsets = [15], sizes = [1], strides = [1]} : vector<16xi32> to vector<1xi32>
    %squeeze3A_173 = vector.extract %slice3A_172[0] : i32 from vector<1xi32>
    %add3A_174 = arith.addi %add3A_148, %squeeze3A_173 : i32
    %add3A_175 = arith.constant 6 : i32
    %add3A_176 = vector.broadcast %add3A_175 : i32 to vector<16xi32>
    %add3A_177 = arith.addi %broadcast_in_dim3A_0, %add3A_176 : vector<16xi32>
    %add3A_178 = vector.broadcast %add3A_174 : i32 to vector<16xi32>
    %add3A_179 = arith.addi %broadcast_in_dim3A_0, %add3A_178 : vector<16xi32>
    %eq3A_180 = arith.constant 0 : i32
    %eq3A_181 = vector.broadcast %eq3A_180 : i32 to vector<16xi32>
    %eq3A_182 = arith.cmpi eq, %iota3A, %eq3A_181 : vector<16xi32>
    tpu.vector_store_idx %arg12[%add3A_177], %add3A_179 masked %eq3A_182 : memref<32xi32, #tpu.memory_space<vmem>>[vector<16xi32>], vector<16xi32>, vector<16xi1>
    %add3A_183 = arith.constant 96 : i32
    %add3A_184 = vector.broadcast %add3A_183 : i32 to vector<16xi32>
    %add3A_185 = arith.addi %broadcast_in_dim3A_0, %add3A_184 : vector<16xi32>
    %add3A_186 = arith.addi %add3A_185, %iota3A : vector<16xi32>
    %gather3A_187 = tpu.vector_load_idx %arg11[%add3A_186] : memref<256xi32, #tpu.memory_space<vmem>>[vector<16xi32>], vector<16xi32>,
    %broadcast_in_dim3A_188 = arith.constant true
    %broadcast_in_dim3A_189 = vector.broadcast %broadcast_in_dim3A_188 : i1 to vector<16xi1>
    %masked_cumsum3A_190 = tpu.scan <sum>, %gather3A_187 masked %broadcast_in_dim3A_189 : vector<16xi32>, vector<16xi1> -> vector<16xi32>
    %add3A_191 = arith.constant 96 : i32
    %add3A_192 = vector.broadcast %add3A_191 : i32 to vector<16xi32>
    %add3A_193 = arith.addi %broadcast_in_dim3A_0, %add3A_192 : vector<16xi32>
    %add3A_194 = arith.addi %add3A_193, %iota3A : vector<16xi32>
    %add3A_195 = vector.broadcast %add3A_174 : i32 to vector<16xi32>
    %add3A_196 = arith.addi %add3A_195, %masked_cumsum3A_190 : vector<16xi32>
    %sub3A_197 = arith.subi %add3A_196, %gather3A_187 : vector<16xi32>
    tpu.vector_store_idx %arg11[%add3A_194], %sub3A_197 : memref<256xi32, #tpu.memory_space<vmem>>[vector<16xi32>], vector<16xi32>,
    %slice3A_198 = vector.extract_strided_slice %masked_cumsum3A_190 {offsets = [15], sizes = [1], strides = [1]} : vector<16xi32> to vector<1xi32>
    %squeeze3A_199 = vector.extract %slice3A_198[0] : i32 from vector<1xi32>
    %add3A_200 = arith.addi %add3A_174, %squeeze3A_199 : i32
    %add3A_201 = arith.constant 7 : i32
    %add3A_202 = vector.broadcast %add3A_201 : i32 to vector<16xi32>
    %add3A_203 = arith.addi %broadcast_in_dim3A_0, %add3A_202 : vector<16xi32>
    %add3A_204 = vector.broadcast %add3A_200 : i32 to vector<16xi32>
    %add3A_205 = arith.addi %broadcast_in_dim3A_0, %add3A_204 : vector<16xi32>
    %eq3A_206 = arith.constant 0 : i32
    %eq3A_207 = vector.broadcast %eq3A_206 : i32 to vector<16xi32>
    %eq3A_208 = arith.cmpi eq, %iota3A, %eq3A_207 : vector<16xi32>
    tpu.vector_store_idx %arg12[%add3A_203], %add3A_205 masked %eq3A_208 : memref<32xi32, #tpu.memory_space<vmem>>[vector<16xi32>], vector<16xi32>, vector<16xi1>
    %add3A_209 = arith.constant 112 : i32
    %add3A_210 = vector.broadcast %add3A_209 : i32 to vector<16xi32>
    %add3A_211 = arith.addi %broadcast_in_dim3A_0, %add3A_210 : vector<16xi32>
    %add3A_212 = arith.addi %add3A_211, %iota3A : vector<16xi32>
    %gather3A_213 = tpu.vector_load_idx %arg11[%add3A_212] : memref<256xi32, #tpu.memory_space<vmem>>[vector<16xi32>], vector<16xi32>,
    %broadcast_in_dim3A_214 = arith.constant true
    %broadcast_in_dim3A_215 = vector.broadcast %broadcast_in_dim3A_214 : i1 to vector<16xi1>
    %masked_cumsum3A_216 = tpu.scan <sum>, %gather3A_213 masked %broadcast_in_dim3A_215 : vector<16xi32>, vector<16xi1> -> vector<16xi32>
    %add3A_217 = arith.constant 112 : i32
    %add3A_218 = vector.broadcast %add3A_217 : i32 to vector<16xi32>
    %add3A_219 = arith.addi %broadcast_in_dim3A_0, %add3A_218 : vector<16xi32>
    %add3A_220 = arith.addi %add3A_219, %iota3A : vector<16xi32>
    %add3A_221 = vector.broadcast %add3A_200 : i32 to vector<16xi32>
    %add3A_222 = arith.addi %add3A_221, %masked_cumsum3A_216 : vector<16xi32>
    %sub3A_223 = arith.subi %add3A_222, %gather3A_213 : vector<16xi32>
    tpu.vector_store_idx %arg11[%add3A_220], %sub3A_223 : memref<256xi32, #tpu.memory_space<vmem>>[vector<16xi32>], vector<16xi32>,
    %slice3A_224 = vector.extract_strided_slice %masked_cumsum3A_216 {offsets = [15], sizes = [1], strides = [1]} : vector<16xi32> to vector<1xi32>
    %squeeze3A_225 = vector.extract %slice3A_224[0] : i32 from vector<1xi32>
    %add3A_226 = arith.addi %add3A_200, %squeeze3A_225 : i32
    %add3A_227 = arith.constant 8 : i32
    %add3A_228 = vector.broadcast %add3A_227 : i32 to vector<16xi32>
    %add3A_229 = arith.addi %broadcast_in_dim3A_0, %add3A_228 : vector<16xi32>
    %add3A_230 = vector.broadcast %add3A_226 : i32 to vector<16xi32>
    %add3A_231 = arith.addi %broadcast_in_dim3A_0, %add3A_230 : vector<16xi32>
    %eq3A_232 = arith.constant 0 : i32
    %eq3A_233 = vector.broadcast %eq3A_232 : i32 to vector<16xi32>
    %eq3A_234 = arith.cmpi eq, %iota3A, %eq3A_233 : vector<16xi32>
    tpu.vector_store_idx %arg12[%add3A_229], %add3A_231 masked %eq3A_234 : memref<32xi32, #tpu.memory_space<vmem>>[vector<16xi32>], vector<16xi32>, vector<16xi1>
    %add3A_235 = arith.constant 128 : i32
    %add3A_236 = vector.broadcast %add3A_235 : i32 to vector<16xi32>
    %add3A_237 = arith.addi %broadcast_in_dim3A_0, %add3A_236 : vector<16xi32>
    %add3A_238 = arith.addi %add3A_237, %iota3A : vector<16xi32>
    %gather3A_239 = tpu.vector_load_idx %arg11[%add3A_238] : memref<256xi32, #tpu.memory_space<vmem>>[vector<16xi32>], vector<16xi32>,
    %broadcast_in_dim3A_240 = arith.constant true
    %broadcast_in_dim3A_241 = vector.broadcast %broadcast_in_dim3A_240 : i1 to vector<16xi1>
    %masked_cumsum3A_242 = tpu.scan <sum>, %gather3A_239 masked %broadcast_in_dim3A_241 : vector<16xi32>, vector<16xi1> -> vector<16xi32>
    %add3A_243 = arith.constant 128 : i32
    %add3A_244 = vector.broadcast %add3A_243 : i32 to vector<16xi32>
    %add3A_245 = arith.addi %broadcast_in_dim3A_0, %add3A_244 : vector<16xi32>
    %add3A_246 = arith.addi %add3A_245, %iota3A : vector<16xi32>
    %add3A_247 = vector.broadcast %add3A_226 : i32 to vector<16xi32>
    %add3A_248 = arith.addi %add3A_247, %masked_cumsum3A_242 : vector<16xi32>
    %sub3A_249 = arith.subi %add3A_248, %gather3A_239 : vector<16xi32>
    tpu.vector_store_idx %arg11[%add3A_246], %sub3A_249 : memref<256xi32, #tpu.memory_space<vmem>>[vector<16xi32>], vector<16xi32>,
    %slice3A_250 = vector.extract_strided_slice %masked_cumsum3A_242 {offsets = [15], sizes = [1], strides = [1]} : vector<16xi32> to vector<1xi32>
    %squeeze3A_251 = vector.extract %slice3A_250[0] : i32 from vector<1xi32>
    %add3A_252 = arith.addi %add3A_226, %squeeze3A_251 : i32
    %add3A_253 = arith.constant 9 : i32
    %add3A_254 = vector.broadcast %add3A_253 : i32 to vector<16xi32>
    %add3A_255 = arith.addi %broadcast_in_dim3A_0, %add3A_254 : vector<16xi32>
    %add3A_256 = vector.broadcast %add3A_252 : i32 to vector<16xi32>
    %add3A_257 = arith.addi %broadcast_in_dim3A_0, %add3A_256 : vector<16xi32>
    %eq3A_258 = arith.constant 0 : i32
    %eq3A_259 = vector.broadcast %eq3A_258 : i32 to vector<16xi32>
    %eq3A_260 = arith.cmpi eq, %iota3A, %eq3A_259 : vector<16xi32>
    tpu.vector_store_idx %arg12[%add3A_255], %add3A_257 masked %eq3A_260 : memref<32xi32, #tpu.memory_space<vmem>>[vector<16xi32>], vector<16xi32>, vector<16xi1>
    %add3A_261 = arith.constant 144 : i32
    %add3A_262 = vector.broadcast %add3A_261 : i32 to vector<16xi32>
    %add3A_263 = arith.addi %broadcast_in_dim3A_0, %add3A_262 : vector<16xi32>
    %add3A_264 = arith.addi %add3A_263, %iota3A : vector<16xi32>
    %gather3A_265 = tpu.vector_load_idx %arg11[%add3A_264] : memref<256xi32, #tpu.memory_space<vmem>>[vector<16xi32>], vector<16xi32>,
    %broadcast_in_dim3A_266 = arith.constant true
    %broadcast_in_dim3A_267 = vector.broadcast %broadcast_in_dim3A_266 : i1 to vector<16xi1>
    %masked_cumsum3A_268 = tpu.scan <sum>, %gather3A_265 masked %broadcast_in_dim3A_267 : vector<16xi32>, vector<16xi1> -> vector<16xi32>
    %add3A_269 = arith.constant 144 : i32
    %add3A_270 = vector.broadcast %add3A_269 : i32 to vector<16xi32>
    %add3A_271 = arith.addi %broadcast_in_dim3A_0, %add3A_270 : vector<16xi32>
    %add3A_272 = arith.addi %add3A_271, %iota3A : vector<16xi32>
    %add3A_273 = vector.broadcast %add3A_252 : i32 to vector<16xi32>
    %add3A_274 = arith.addi %add3A_273, %masked_cumsum3A_268 : vector<16xi32>
    %sub3A_275 = arith.subi %add3A_274, %gather3A_265 : vector<16xi32>
    tpu.vector_store_idx %arg11[%add3A_272], %sub3A_275 : memref<256xi32, #tpu.memory_space<vmem>>[vector<16xi32>], vector<16xi32>,
    %slice3A_276 = vector.extract_strided_slice %masked_cumsum3A_268 {offsets = [15], sizes = [1], strides = [1]} : vector<16xi32> to vector<1xi32>
    %squeeze3A_277 = vector.extract %slice3A_276[0] : i32 from vector<1xi32>
    %add3A_278 = arith.addi %add3A_252, %squeeze3A_277 : i32
    %add3A_279 = arith.constant 10 : i32
    %add3A_280 = vector.broadcast %add3A_279 : i32 to vector<16xi32>
    %add3A_281 = arith.addi %broadcast_in_dim3A_0, %add3A_280 : vector<16xi32>
    %add3A_282 = vector.broadcast %add3A_278 : i32 to vector<16xi32>
    %add3A_283 = arith.addi %broadcast_in_dim3A_0, %add3A_282 : vector<16xi32>
    %eq3A_284 = arith.constant 0 : i32
    %eq3A_285 = vector.broadcast %eq3A_284 : i32 to vector<16xi32>
    %eq3A_286 = arith.cmpi eq, %iota3A, %eq3A_285 : vector<16xi32>
    tpu.vector_store_idx %arg12[%add3A_281], %add3A_283 masked %eq3A_286 : memref<32xi32, #tpu.memory_space<vmem>>[vector<16xi32>], vector<16xi32>, vector<16xi1>
    %add3A_287 = arith.constant 160 : i32
    %add3A_288 = vector.broadcast %add3A_287 : i32 to vector<16xi32>
    %add3A_289 = arith.addi %broadcast_in_dim3A_0, %add3A_288 : vector<16xi32>
    %add3A_290 = arith.addi %add3A_289, %iota3A : vector<16xi32>
    %gather3A_291 = tpu.vector_load_idx %arg11[%add3A_290] : memref<256xi32, #tpu.memory_space<vmem>>[vector<16xi32>], vector<16xi32>,
    %broadcast_in_dim3A_292 = arith.constant true
    %broadcast_in_dim3A_293 = vector.broadcast %broadcast_in_dim3A_292 : i1 to vector<16xi1>
    %masked_cumsum3A_294 = tpu.scan <sum>, %gather3A_291 masked %broadcast_in_dim3A_293 : vector<16xi32>, vector<16xi1> -> vector<16xi32>
    %add3A_295 = arith.constant 160 : i32
    %add3A_296 = vector.broadcast %add3A_295 : i32 to vector<16xi32>
    %add3A_297 = arith.addi %broadcast_in_dim3A_0, %add3A_296 : vector<16xi32>
    %add3A_298 = arith.addi %add3A_297, %iota3A : vector<16xi32>
    %add3A_299 = vector.broadcast %add3A_278 : i32 to vector<16xi32>
    %add3A_300 = arith.addi %add3A_299, %masked_cumsum3A_294 : vector<16xi32>
    %sub3A_301 = arith.subi %add3A_300, %gather3A_291 : vector<16xi32>
    tpu.vector_store_idx %arg11[%add3A_298], %sub3A_301 : memref<256xi32, #tpu.memory_space<vmem>>[vector<16xi32>], vector<16xi32>,
    %slice3A_302 = vector.extract_strided_slice %masked_cumsum3A_294 {offsets = [15], sizes = [1], strides = [1]} : vector<16xi32> to vector<1xi32>
    %squeeze3A_303 = vector.extract %slice3A_302[0] : i32 from vector<1xi32>
    %add3A_304 = arith.addi %add3A_278, %squeeze3A_303 : i32
    %add3A_305 = arith.constant 11 : i32
    %add3A_306 = vector.broadcast %add3A_305 : i32 to vector<16xi32>
    %add3A_307 = arith.addi %broadcast_in_dim3A_0, %add3A_306 : vector<16xi32>
    %add3A_308 = vector.broadcast %add3A_304 : i32 to vector<16xi32>
    %add3A_309 = arith.addi %broadcast_in_dim3A_0, %add3A_308 : vector<16xi32>
    %eq3A_310 = arith.constant 0 : i32
    %eq3A_311 = vector.broadcast %eq3A_310 : i32 to vector<16xi32>
    %eq3A_312 = arith.cmpi eq, %iota3A, %eq3A_311 : vector<16xi32>
    tpu.vector_store_idx %arg12[%add3A_307], %add3A_309 masked %eq3A_312 : memref<32xi32, #tpu.memory_space<vmem>>[vector<16xi32>], vector<16xi32>, vector<16xi1>
    %add3A_313 = arith.constant 176 : i32
    %add3A_314 = vector.broadcast %add3A_313 : i32 to vector<16xi32>
    %add3A_315 = arith.addi %broadcast_in_dim3A_0, %add3A_314 : vector<16xi32>
    %add3A_316 = arith.addi %add3A_315, %iota3A : vector<16xi32>
    %gather3A_317 = tpu.vector_load_idx %arg11[%add3A_316] : memref<256xi32, #tpu.memory_space<vmem>>[vector<16xi32>], vector<16xi32>,
    %broadcast_in_dim3A_318 = arith.constant true
    %broadcast_in_dim3A_319 = vector.broadcast %broadcast_in_dim3A_318 : i1 to vector<16xi1>
    %masked_cumsum3A_320 = tpu.scan <sum>, %gather3A_317 masked %broadcast_in_dim3A_319 : vector<16xi32>, vector<16xi1> -> vector<16xi32>
    %add3A_321 = arith.constant 176 : i32
    %add3A_322 = vector.broadcast %add3A_321 : i32 to vector<16xi32>
    %add3A_323 = arith.addi %broadcast_in_dim3A_0, %add3A_322 : vector<16xi32>
    %add3A_324 = arith.addi %add3A_323, %iota3A : vector<16xi32>
    %add3A_325 = vector.broadcast %add3A_304 : i32 to vector<16xi32>
    %add3A_326 = arith.addi %add3A_325, %masked_cumsum3A_320 : vector<16xi32>
    %sub3A_327 = arith.subi %add3A_326, %gather3A_317 : vector<16xi32>
    tpu.vector_store_idx %arg11[%add3A_324], %sub3A_327 : memref<256xi32, #tpu.memory_space<vmem>>[vector<16xi32>], vector<16xi32>,
    %slice3A_328 = vector.extract_strided_slice %masked_cumsum3A_320 {offsets = [15], sizes = [1], strides = [1]} : vector<16xi32> to vector<1xi32>
    %squeeze3A_329 = vector.extract %slice3A_328[0] : i32 from vector<1xi32>
    %add3A_330 = arith.addi %add3A_304, %squeeze3A_329 : i32
    %add3A_331 = arith.constant 12 : i32
    %add3A_332 = vector.broadcast %add3A_331 : i32 to vector<16xi32>
    %add3A_333 = arith.addi %broadcast_in_dim3A_0, %add3A_332 : vector<16xi32>
    %add3A_334 = vector.broadcast %add3A_330 : i32 to vector<16xi32>
    %add3A_335 = arith.addi %broadcast_in_dim3A_0, %add3A_334 : vector<16xi32>
    %eq3A_336 = arith.constant 0 : i32
    %eq3A_337 = vector.broadcast %eq3A_336 : i32 to vector<16xi32>
    %eq3A_338 = arith.cmpi eq, %iota3A, %eq3A_337 : vector<16xi32>
    tpu.vector_store_idx %arg12[%add3A_333], %add3A_335 masked %eq3A_338 : memref<32xi32, #tpu.memory_space<vmem>>[vector<16xi32>], vector<16xi32>, vector<16xi1>
    %add3A_339 = arith.constant 192 : i32
    %add3A_340 = vector.broadcast %add3A_339 : i32 to vector<16xi32>
    %add3A_341 = arith.addi %broadcast_in_dim3A_0, %add3A_340 : vector<16xi32>
    %add3A_342 = arith.addi %add3A_341, %iota3A : vector<16xi32>
    %gather3A_343 = tpu.vector_load_idx %arg11[%add3A_342] : memref<256xi32, #tpu.memory_space<vmem>>[vector<16xi32>], vector<16xi32>,
    %broadcast_in_dim3A_344 = arith.constant true
    %broadcast_in_dim3A_345 = vector.broadcast %broadcast_in_dim3A_344 : i1 to vector<16xi1>
    %masked_cumsum3A_346 = tpu.scan <sum>, %gather3A_343 masked %broadcast_in_dim3A_345 : vector<16xi32>, vector<16xi1> -> vector<16xi32>
    %add3A_347 = arith.constant 192 : i32
    %add3A_348 = vector.broadcast %add3A_347 : i32 to vector<16xi32>
    %add3A_349 = arith.addi %broadcast_in_dim3A_0, %add3A_348 : vector<16xi32>
    %add3A_350 = arith.addi %add3A_349, %iota3A : vector<16xi32>
    %add3A_351 = vector.broadcast %add3A_330 : i32 to vector<16xi32>
    %add3A_352 = arith.addi %add3A_351, %masked_cumsum3A_346 : vector<16xi32>
    %sub3A_353 = arith.subi %add3A_352, %gather3A_343 : vector<16xi32>
    tpu.vector_store_idx %arg11[%add3A_350], %sub3A_353 : memref<256xi32, #tpu.memory_space<vmem>>[vector<16xi32>], vector<16xi32>,
    %slice3A_354 = vector.extract_strided_slice %masked_cumsum3A_346 {offsets = [15], sizes = [1], strides = [1]} : vector<16xi32> to vector<1xi32>
    %squeeze3A_355 = vector.extract %slice3A_354[0] : i32 from vector<1xi32>
    %add3A_356 = arith.addi %add3A_330, %squeeze3A_355 : i32
    %add3A_357 = arith.constant 13 : i32
    %add3A_358 = vector.broadcast %add3A_357 : i32 to vector<16xi32>
    %add3A_359 = arith.addi %broadcast_in_dim3A_0, %add3A_358 : vector<16xi32>
    %add3A_360 = vector.broadcast %add3A_356 : i32 to vector<16xi32>
    %add3A_361 = arith.addi %broadcast_in_dim3A_0, %add3A_360 : vector<16xi32>
    %eq3A_362 = arith.constant 0 : i32
    %eq3A_363 = vector.broadcast %eq3A_362 : i32 to vector<16xi32>
    %eq3A_364 = arith.cmpi eq, %iota3A, %eq3A_363 : vector<16xi32>
    tpu.vector_store_idx %arg12[%add3A_359], %add3A_361 masked %eq3A_364 : memref<32xi32, #tpu.memory_space<vmem>>[vector<16xi32>], vector<16xi32>, vector<16xi1>
    %add3A_365 = arith.constant 208 : i32
    %add3A_366 = vector.broadcast %add3A_365 : i32 to vector<16xi32>
    %add3A_367 = arith.addi %broadcast_in_dim3A_0, %add3A_366 : vector<16xi32>
    %add3A_368 = arith.addi %add3A_367, %iota3A : vector<16xi32>
    %gather3A_369 = tpu.vector_load_idx %arg11[%add3A_368] : memref<256xi32, #tpu.memory_space<vmem>>[vector<16xi32>], vector<16xi32>,
    %broadcast_in_dim3A_370 = arith.constant true
    %broadcast_in_dim3A_371 = vector.broadcast %broadcast_in_dim3A_370 : i1 to vector<16xi1>
    %masked_cumsum3A_372 = tpu.scan <sum>, %gather3A_369 masked %broadcast_in_dim3A_371 : vector<16xi32>, vector<16xi1> -> vector<16xi32>
    %add3A_373 = arith.constant 208 : i32
    %add3A_374 = vector.broadcast %add3A_373 : i32 to vector<16xi32>
    %add3A_375 = arith.addi %broadcast_in_dim3A_0, %add3A_374 : vector<16xi32>
    %add3A_376 = arith.addi %add3A_375, %iota3A : vector<16xi32>
    %add3A_377 = vector.broadcast %add3A_356 : i32 to vector<16xi32>
    %add3A_378 = arith.addi %add3A_377, %masked_cumsum3A_372 : vector<16xi32>
    %sub3A_379 = arith.subi %add3A_378, %gather3A_369 : vector<16xi32>
    tpu.vector_store_idx %arg11[%add3A_376], %sub3A_379 : memref<256xi32, #tpu.memory_space<vmem>>[vector<16xi32>], vector<16xi32>,
    %slice3A_380 = vector.extract_strided_slice %masked_cumsum3A_372 {offsets = [15], sizes = [1], strides = [1]} : vector<16xi32> to vector<1xi32>
    %squeeze3A_381 = vector.extract %slice3A_380[0] : i32 from vector<1xi32>
    %add3A_382 = arith.addi %add3A_356, %squeeze3A_381 : i32
    %add3A_383 = arith.constant 14 : i32
    %add3A_384 = vector.broadcast %add3A_383 : i32 to vector<16xi32>
    %add3A_385 = arith.addi %broadcast_in_dim3A_0, %add3A_384 : vector<16xi32>
    %add3A_386 = vector.broadcast %add3A_382 : i32 to vector<16xi32>
    %add3A_387 = arith.addi %broadcast_in_dim3A_0, %add3A_386 : vector<16xi32>
    %eq3A_388 = arith.constant 0 : i32
    %eq3A_389 = vector.broadcast %eq3A_388 : i32 to vector<16xi32>
    %eq3A_390 = arith.cmpi eq, %iota3A, %eq3A_389 : vector<16xi32>
    tpu.vector_store_idx %arg12[%add3A_385], %add3A_387 masked %eq3A_390 : memref<32xi32, #tpu.memory_space<vmem>>[vector<16xi32>], vector<16xi32>, vector<16xi1>
    %add3A_391 = arith.constant 224 : i32
    %add3A_392 = vector.broadcast %add3A_391 : i32 to vector<16xi32>
    %add3A_393 = arith.addi %broadcast_in_dim3A_0, %add3A_392 : vector<16xi32>
    %add3A_394 = arith.addi %add3A_393, %iota3A : vector<16xi32>
    %gather3A_395 = tpu.vector_load_idx %arg11[%add3A_394] : memref<256xi32, #tpu.memory_space<vmem>>[vector<16xi32>], vector<16xi32>,
    %broadcast_in_dim3A_396 = arith.constant true
    %broadcast_in_dim3A_397 = vector.broadcast %broadcast_in_dim3A_396 : i1 to vector<16xi1>
    %masked_cumsum3A_398 = tpu.scan <sum>, %gather3A_395 masked %broadcast_in_dim3A_397 : vector<16xi32>, vector<16xi1> -> vector<16xi32>
    %add3A_399 = arith.constant 224 : i32
    %add3A_400 = vector.broadcast %add3A_399 : i32 to vector<16xi32>
    %add3A_401 = arith.addi %broadcast_in_dim3A_0, %add3A_400 : vector<16xi32>
    %add3A_402 = arith.addi %add3A_401, %iota3A : vector<16xi32>
    %add3A_403 = vector.broadcast %add3A_382 : i32 to vector<16xi32>
    %add3A_404 = arith.addi %add3A_403, %masked_cumsum3A_398 : vector<16xi32>
    %sub3A_405 = arith.subi %add3A_404, %gather3A_395 : vector<16xi32>
    tpu.vector_store_idx %arg11[%add3A_402], %sub3A_405 : memref<256xi32, #tpu.memory_space<vmem>>[vector<16xi32>], vector<16xi32>,
    %slice3A_406 = vector.extract_strided_slice %masked_cumsum3A_398 {offsets = [15], sizes = [1], strides = [1]} : vector<16xi32> to vector<1xi32>
    %squeeze3A_407 = vector.extract %slice3A_406[0] : i32 from vector<1xi32>
    %add3A_408 = arith.addi %add3A_382, %squeeze3A_407 : i32
    %add3A_409 = arith.constant 15 : i32
    %add3A_410 = vector.broadcast %add3A_409 : i32 to vector<16xi32>
    %add3A_411 = arith.addi %broadcast_in_dim3A_0, %add3A_410 : vector<16xi32>
    %add3A_412 = vector.broadcast %add3A_408 : i32 to vector<16xi32>
    %add3A_413 = arith.addi %broadcast_in_dim3A_0, %add3A_412 : vector<16xi32>
    %eq3A_414 = arith.constant 0 : i32
    %eq3A_415 = vector.broadcast %eq3A_414 : i32 to vector<16xi32>
    %eq3A_416 = arith.cmpi eq, %iota3A, %eq3A_415 : vector<16xi32>
    tpu.vector_store_idx %arg12[%add3A_411], %add3A_413 masked %eq3A_416 : memref<32xi32, #tpu.memory_space<vmem>>[vector<16xi32>], vector<16xi32>, vector<16xi1>
    %add3A_417 = arith.constant 240 : i32
    %add3A_418 = vector.broadcast %add3A_417 : i32 to vector<16xi32>
    %add3A_419 = arith.addi %broadcast_in_dim3A_0, %add3A_418 : vector<16xi32>
    %add3A_420 = arith.addi %add3A_419, %iota3A : vector<16xi32>
    %gather3A_421 = tpu.vector_load_idx %arg11[%add3A_420] : memref<256xi32, #tpu.memory_space<vmem>>[vector<16xi32>], vector<16xi32>,
    %broadcast_in_dim3A_422 = arith.constant true
    %broadcast_in_dim3A_423 = vector.broadcast %broadcast_in_dim3A_422 : i1 to vector<16xi1>
    %masked_cumsum3A_424 = tpu.scan <sum>, %gather3A_421 masked %broadcast_in_dim3A_423 : vector<16xi32>, vector<16xi1> -> vector<16xi32>
    %add3A_425 = arith.constant 240 : i32
    %add3A_426 = vector.broadcast %add3A_425 : i32 to vector<16xi32>
    %add3A_427 = arith.addi %broadcast_in_dim3A_0, %add3A_426 : vector<16xi32>
    %add3A_428 = arith.addi %add3A_427, %iota3A : vector<16xi32>
    %add3A_429 = vector.broadcast %add3A_408 : i32 to vector<16xi32>
    %add3A_430 = arith.addi %add3A_429, %masked_cumsum3A_424 : vector<16xi32>
    %sub3A_431 = arith.subi %add3A_430, %gather3A_421 : vector<16xi32>
    tpu.vector_store_idx %arg11[%add3A_428], %sub3A_431 : memref<256xi32, #tpu.memory_space<vmem>>[vector<16xi32>], vector<16xi32>,
    %slice3A_432 = vector.extract_strided_slice %masked_cumsum3A_424 {offsets = [15], sizes = [1], strides = [1]} : vector<16xi32> to vector<1xi32>
    %squeeze3A_433 = vector.extract %slice3A_432[0] : i32 from vector<1xi32>
    %add3A_434 = arith.addi %add3A_408, %squeeze3A_433 : i32
    %add3A_435 = arith.constant 16 : i32
    %add3A_436 = vector.broadcast %add3A_435 : i32 to vector<16xi32>
    %add3A_437 = arith.addi %broadcast_in_dim3A_0, %add3A_436 : vector<16xi32>
    %add3A_438 = vector.broadcast %add3A_434 : i32 to vector<16xi32>
    %add3A_439 = arith.addi %broadcast_in_dim3A_0, %add3A_438 : vector<16xi32>
    %eq3A_440 = arith.constant 0 : i32
    %eq3A_441 = vector.broadcast %eq3A_440 : i32 to vector<16xi32>
    %eq3A_442 = arith.cmpi eq, %iota3A, %eq3A_441 : vector<16xi32>
    tpu.vector_store_idx %arg12[%add3A_437], %add3A_439 masked %eq3A_442 : memref<32xi32, #tpu.memory_space<vmem>>[vector<16xi32>], vector<16xi32>, vector<16xi1>
    %scan3A_443 = arith.constant 0 : i32
    %scan3A_444 = arith.constant 0 : i32
    %scan3A_445 = arith.constant 256 : i32
    %scan3A_446 = arith.addi %scan3A_444, %scan3A_445 : i32
    %scan3A_447 = arith.constant 1 : i32
    %scan3A_448 = scf.for %scan3A_482 = %scan3A_444 to %scan3A_446 step %scan3A_447 iter_args(%scan3A_483 = %scan3A_443) -> (i32)  : i32 {
      %mul3A_484 = arith.constant 16 : i32
      %mul3A_485 = arith.muli %scan3A_482, %mul3A_484 : i32
      %add3A_486 = vector.broadcast %mul3A_485 : i32 to vector<16xi32>
      %add3A_487 = arith.addi %iota3A, %add3A_486 : vector<16xi32>
      %gather3A_488 = tpu.vector_load_idx %arg8[%add3A_487] : memref<4096xi32, #tpu.memory_space<vmem>>[vector<16xi32>], vector<16xi32>,
      %sub3A_489 = vector.broadcast %mul3A_15 : i32 to vector<16xi32>
      %sub3A_490 = arith.subi %gather3A_488, %sub3A_489 : vector<16xi32>
      %shift_right_arithmetic3A = arith.constant 20 : i32
      %shift_right_arithmetic3A_491 = vector.broadcast %shift_right_arithmetic3A : i32 to vector<16xi32>
      %shift_right_arithmetic3A_492 = arith.shrsi %sub3A_490, %shift_right_arithmetic3A_491 : vector<16xi32>
      %ge3A = arith.constant 0 : i32
      %ge3A_493 = vector.broadcast %ge3A : i32 to vector<16xi32>
      %ge3A_494 = arith.cmpi sge, %shift_right_arithmetic3A_492, %ge3A_493 : vector<16xi32>
      %lt3A = arith.constant 16 : i32
      %lt3A_495 = vector.broadcast %lt3A : i32 to vector<16xi32>
      %lt3A_496 = arith.cmpi slt, %shift_right_arithmetic3A_492, %lt3A_495 : vector<16xi32>
      %and3A = arith.andi %ge3A_494, %lt3A_496 : vector<16xi1>
      %shift_left3A = arith.constant 4 : i32
      %shift_left3A_497 = vector.broadcast %shift_left3A : i32 to vector<16xi32>
      %shift_left3A_498 = arith.shli %shift_right_arithmetic3A_492, %shift_left3A_497 : vector<16xi32>
      %add3A_499 = arith.addi %shift_left3A_498, %iota3A : vector<16xi32>
      %gather3A_500 = tpu.vector_load_idx %arg11[%add3A_499] masked %and3A : memref<256xi32, #tpu.memory_space<vmem>>[vector<16xi32>], vector<16xi32>, vector<16xi1>
      %add3A_501 = arith.constant 1 : i32
      %add3A_502 = vector.broadcast %add3A_501 : i32 to vector<16xi32>
      %add3A_503 = arith.addi %gather3A_500, %add3A_502 : vector<16xi32>
      tpu.vector_store_idx %arg11[%add3A_499], %add3A_503 masked %and3A : memref<256xi32, #tpu.memory_space<vmem>>[vector<16xi32>], vector<16xi32>, vector<16xi1>
      tpu.vector_store_idx %arg10[%gather3A_500], %add3A_487 masked %and3A : memref<4096xi32, #tpu.memory_space<vmem>>[vector<16xi32>], vector<16xi32>, vector<16xi1>
      %scan3A_504 = arith.constant 0 : i32
      scf.yield %scan3A_504 : i32
    }
    %scan3A_449 = arith.constant 256 : i32
    %scan3A_450 = arith.constant 0 : i32
    %scan3A_451 = arith.constant 0 : i32
    %scan3A_452 = arith.constant 512 : i32
    %scan3A_453 = arith.addi %scan3A_451, %scan3A_452 : i32
    %scan3A_454 = arith.constant 1 : i32
    %scan3A_455 = scf.for %scan3A_482 = %scan3A_451 to %scan3A_453 step %scan3A_454 iter_args(%scan3A_483 = %scan3A_450) -> (i32)  : i32 {
      %mul3A_484 = arith.constant 16 : i32
      %mul3A_485 = arith.muli %scan3A_482, %mul3A_484 : i32
      %add3A_486 = vector.broadcast %mul3A_485 : i32 to vector<16xi32>
      %add3A_487 = arith.addi %iota3A, %add3A_486 : vector<16xi32>
      tpu.vector_store_idx %arg16[%add3A_487], %broadcast_in_dim3A_2 : memref<8192xf32, #tpu.memory_space<vmem>>[vector<16xi32>], vector<16xf32>,
      %scan3A_488 = arith.constant 0 : i32
      scf.yield %scan3A_488 : i32
    }
    %scan3A_456 = arith.constant 512 : i32
    %scan3A_457 = arith.constant 0 : i32
    %scan3A_458 = arith.constant 0 : i32
    %scan3A_459 = arith.constant 8 : i32
    %scan3A_460 = arith.addi %scan3A_458, %scan3A_459 : i32
    %scan3A_461 = arith.constant 1 : i32
    %scan3A_462 = scf.for %scan3A_482 = %scan3A_458 to %scan3A_460 step %scan3A_461 iter_args(%scan3A_483 = %scan3A_457) -> (i32)  : i32 {
      %mul3A_484 = arith.constant 65536 : i32
      %mul3A_485 = arith.muli %arg1, %mul3A_484 : i32
      %mul3A_486 = arith.constant 8192 : i32
      %mul3A_487 = arith.muli %scan3A_482, %mul3A_486 : i32
      %add3A_488 = arith.addi %mul3A_485, %mul3A_487 : i32
      "tpu.region"() ({
        %run_scoped3A = tpu.sem_alloc : memref<!tpu.dma_semaphore, #tpu.memory_space<semaphore_mem>>
        %dma_start3A_490 = tpu.memref_slice %arg17[%add3A_488] : memref<1064960xf32, #tpu.memory_space<vmem_shared>> -> memref<8192xf32, #tpu.memory_space<vmem_shared>>
        %dma_start3A_491 = tpu.memref_slice %arg17[%add3A_488] : memref<1064960xf32, #tpu.memory_space<vmem_shared>> -> memref<8192xf32, #tpu.memory_space<vmem_shared>>
        tpu.enqueue_dma source(%arg16 : memref<8192xf32, #tpu.memory_space<vmem>>) target(%dma_start3A_491 : memref<8192xf32, #tpu.memory_space<vmem_shared>>) target_semaphore(%run_scoped3A : memref<!tpu.dma_semaphore, #tpu.memory_space<semaphore_mem>>)
        %dma_wait3A_492 = tpu.memref_slice %arg17[%add3A_488] : memref<1064960xf32, #tpu.memory_space<vmem_shared>> -> memref<8192xf32, #tpu.memory_space<vmem_shared>>
        %dma_wait3A_493 = tpu.memref_slice %arg17[%add3A_488] : memref<1064960xf32, #tpu.memory_space<vmem_shared>> -> memref<8192xf32, #tpu.memory_space<vmem_shared>>
        tpu.wait_dma2 semaphore(%run_scoped3A : memref<!tpu.dma_semaphore, #tpu.memory_space<semaphore_mem>>) src(%arg16 : memref<8192xf32, #tpu.memory_space<vmem>>) dst(%dma_wait3A_493 : memref<8192xf32, #tpu.memory_space<vmem_shared>>)
        tpu.yield
      }) : () -> ()
      %scan3A_489 = arith.constant 0 : i32
      scf.yield %scan3A_489 : i32
    }
    %scan3A_463 = arith.constant 8 : i32
    %mul3A_464 = arith.constant 65536 : i32
    %mul3A_465 = arith.muli %arg1, %mul3A_464 : i32
    %mul3A_466 = arith.constant 65536 : i32
    %mul3A_467 = arith.muli %arg1, %mul3A_466 : i32
    %add3A_468 = arith.addi %mul3A_15, %mul3A_467 : i32
    %dma_start3A = tpu.memref_slice %arg5[%add3A_468] : memref<33554432xf32, #tpu.memory_space<hbm>> -> memref<65536xf32, #tpu.memory_space<hbm>>
    %dma_start3A_469 = tpu.memref_slice %arg17[%mul3A_465] : memref<1064960xf32, #tpu.memory_space<vmem_shared>> -> memref<65536xf32, #tpu.memory_space<vmem_shared>>
    tpu.enqueue_dma source(%dma_start3A_469 : memref<65536xf32, #tpu.memory_space<vmem_shared>>) target(%dma_start3A : memref<65536xf32, #tpu.memory_space<hbm>>) target_semaphore(%arg21 : memref<!tpu.dma_semaphore, #tpu.memory_space<semaphore_mem>>)
    %scan3A_470 = arith.constant 0 : i32
    %scan3A_471 = arith.constant 0 : i32
    %scan3A_472 = arith.constant 16 : i32
    %scan3A_473 = arith.addi %scan3A_471, %scan3A_472 : i32
    %scan3A_474 = arith.constant 1 : i32
    %scan3A_475 = scf.for %scan3A_482 = %scan3A_471 to %scan3A_473 step %scan3A_474 iter_args(%scan3A_483 = %scan3A_470) -> (i32)  : i32 {
      %mul3A_484 = arith.constant 1048576 : i32
      %mul3A_485 = arith.muli %scan3A_482, %mul3A_484 : i32
      %add3A_486 = arith.addi %mul3A_15, %mul3A_485 : i32
      %add3A_487 = vector.broadcast %scan3A_482 : i32 to vector<16xi32>
      %add3A_488 = arith.addi %broadcast_in_dim3A_0, %add3A_487 : vector<16xi32>
      %gather3A_489 = tpu.vector_load_idx %arg12[%add3A_488] : memref<32xi32, #tpu.memory_space<vmem>>[vector<16xi32>], vector<16xi32>,
      %add3A_490 = vector.broadcast %scan3A_482 : i32 to vector<16xi32>
      %add3A_491 = arith.addi %broadcast_in_dim3A_0, %add3A_490 : vector<16xi32>
      %add3A_492 = arith.constant 1 : i32
      %add3A_493 = vector.broadcast %add3A_492 : i32 to vector<16xi32>
      %add3A_494 = arith.addi %add3A_491, %add3A_493 : vector<16xi32>
      %gather3A_495 = tpu.vector_load_idx %arg12[%add3A_494] : memref<32xi32, #tpu.memory_space<vmem>>[vector<16xi32>], vector<16xi32>,
      %slice3A_496 = vector.extract_strided_slice %gather3A_489 {offsets = [0], sizes = [1], strides = [1]} : vector<16xi32> to vector<1xi32>
      %squeeze3A_497 = vector.extract %slice3A_496[0] : i32 from vector<1xi32>
      %slice3A_498 = vector.extract_strided_slice %gather3A_495 {offsets = [0], sizes = [1], strides = [1]} : vector<16xi32> to vector<1xi32>
      %squeeze3A_499 = vector.extract %slice3A_498[0] : i32 from vector<1xi32>
      %sub3A_500 = arith.constant 1 : i32
      %sub3A_501 = arith.subi %scan3A_482, %sub3A_500 : i32
      %max3A = arith.constant 0 : i32
      %max3A_502 = arith.maxsi %sub3A_501, %max3A : i32
      %add3A_503 = vector.broadcast %max3A_502 : i32 to vector<16xi32>
      %add3A_504 = arith.addi %broadcast_in_dim3A_0, %add3A_503 : vector<16xi32>
      %gather3A_505 = tpu.vector_load_idx %arg12[%add3A_504] : memref<32xi32, #tpu.memory_space<vmem>>[vector<16xi32>], vector<16xi32>,
      %add3A_506 = vector.broadcast %max3A_502 : i32 to vector<16xi32>
      %add3A_507 = arith.addi %broadcast_in_dim3A_0, %add3A_506 : vector<16xi32>
      %add3A_508 = arith.constant 1 : i32
      %add3A_509 = vector.broadcast %add3A_508 : i32 to vector<16xi32>
      %add3A_510 = arith.addi %add3A_507, %add3A_509 : vector<16xi32>
      %gather3A_511 = tpu.vector_load_idx %arg12[%add3A_510] : memref<32xi32, #tpu.memory_space<vmem>>[vector<16xi32>], vector<16xi32>,
      %slice3A_512 = vector.extract_strided_slice %gather3A_505 {offsets = [0], sizes = [1], strides = [1]} : vector<16xi32> to vector<1xi32>
      %squeeze3A_513 = vector.extract %slice3A_512[0] : i32 from vector<1xi32>
      %slice3A_514 = vector.extract_strided_slice %gather3A_511 {offsets = [0], sizes = [1], strides = [1]} : vector<16xi32> to vector<1xi32>
      %squeeze3A_515 = vector.extract %slice3A_514[0] : i32 from vector<1xi32>
      %gt3A = arith.constant 0 : i32
      %gt3A_516 = arith.cmpi sgt, %scan3A_482, %gt3A : i32
      %sub3A_517 = arith.subi %squeeze3A_515, %squeeze3A_513 : i32
      %jit3A = arith.constant 0 : i32
      %select_n3A = arith.select %gt3A_516, %sub3A_517, %jit3A : i32
      %mul3A_518 = arith.constant 65536 : i32
      %mul3A_519 = arith.muli %arg1, %mul3A_518 : i32
      %mul3A_520 = arith.constant 65536 : i32
      %mul3A_521 = arith.muli %arg1, %mul3A_520 : i32
      %dma_wait3A_522 = tpu.memref_slice %arg5[%mul3A_521] : memref<33554432xf32, #tpu.memory_space<hbm>> -> memref<65536xf32, #tpu.memory_space<hbm>>
      %dma_wait3A_523 = tpu.memref_slice %arg17[%mul3A_519] : memref<1064960xf32, #tpu.memory_space<vmem_shared>> -> memref<65536xf32, #tpu.memory_space<vmem_shared>>
      tpu.wait_dma2 semaphore(%arg21 : memref<!tpu.dma_semaphore, #tpu.memory_space<semaphore_mem>>) src(%dma_wait3A_523 : memref<65536xf32, #tpu.memory_space<vmem_shared>>) dst(%dma_wait3A_522 : memref<65536xf32, #tpu.memory_space<hbm>>)
      %barrier3A = arith.constant 0 : index
      tpu.barrier barrier_id(%barrier3A)
      %add3A_524 = arith.constant 128 : i32
      %add3A_525 = arith.addi %select_n3A, %add3A_524 : i32
      %sub3A_526 = arith.constant 1 : i32
      %sub3A_527 = arith.subi %add3A_525, %sub3A_526 : i32
      %shift_right_arithmetic3A = arith.constant 7 : i32
      %shift_right_arithmetic3A_528 = arith.shrsi %sub3A_527, %shift_right_arithmetic3A : i32
      %while3A = arith.constant 0 : i32
      %while3A_529 = arith.constant 0 : i32
      %while3A_530 = arith.subi %shift_right_arithmetic3A_528, %while3A : i32
      %while3A_531 = arith.addi %while3A, %while3A_530 : i32
      %while3A_532 = arith.constant 1 : i32
      %while3A_533 = arith.divsi %while3A_530, %while3A_532 : i32
      %while3A_534 = arith.muli %while3A_533, %while3A_532 : i32
      %while3A_535 = arith.addi %while3A, %while3A_534 : i32
      %while3A_536 = arith.constant 1 : i32
      %while3A_537 = scf.for %while3A_569 = %while3A to %while3A_535 step %while3A_536 iter_args(%while3A_570 = %while3A_529) -> (i32)  : i32 {
        %sub3A_571 = arith.constant 1048576 : i32
        %sub3A_572 = arith.subi %add3A_486, %sub3A_571 : i32
        %mul3A_573 = arith.constant 128 : i32
        %mul3A_574 = arith.muli %while3A_569, %mul3A_573 : i32
        %add3A_575 = arith.addi %squeeze3A_513, %mul3A_574 : i32
        %add3A_576 = arith.constant 0 : i32
        %add3A_577 = arith.addi %add3A_575, %add3A_576 : i32
        %add3A_578 = vector.broadcast %add3A_577 : i32 to vector<16xi32>
        %add3A_579 = arith.addi %add3A_578, %iota3A : vector<16xi32>
        %lt3A = vector.broadcast %squeeze3A_515 : i32 to vector<16xi32>
        %lt3A_580 = arith.cmpi slt, %add3A_579, %lt3A : vector<16xi32>
        %gather3A_581 = tpu.vector_load_idx %arg10[%add3A_579] masked %lt3A_580 : memref<4096xi32, #tpu.memory_space<vmem>>[vector<16xi32>], vector<16xi32>, vector<16xi1>
        %gather3A_582 = tpu.vector_load_idx %arg8[%gather3A_581] masked %lt3A_580 : memref<4096xi32, #tpu.memory_space<vmem>>[vector<16xi32>], vector<16xi32>, vector<16xi1>
        %sub3A_583 = vector.broadcast %sub3A_572 : i32 to vector<16xi32>
        %sub3A_584 = arith.subi %gather3A_582, %sub3A_583 : vector<16xi32>
        %gather3A_585 = tpu.vector_load_idx %arg9[%gather3A_581] masked %lt3A_580 : memref<4096xi32, #tpu.memory_space<vmem>>[vector<16xi32>], vector<16xi32>, vector<16xi1>
        %mul3A_586 = arith.constant 1024 : i32
        %mul3A_587 = arith.muli %arg1, %mul3A_586 : i32
        %add3A_588 = arith.constant 1048576 : i32
        %add3A_589 = arith.addi %add3A_588, %mul3A_587 : i32
        %broadcast_in_dim3A_590 = vector.broadcast %add3A_589 : i32 to vector<16xi32>
        %select_n3A_591 = arith.select %lt3A_580, %sub3A_584, %broadcast_in_dim3A_590 : vector<16xi1>, vector<16xi32>
        %mul3A_592 = arith.constant 32768 : i32
        %mul3A_593 = arith.muli %arg1, %mul3A_592 : i32
        %broadcast_in_dim3A_594 = vector.broadcast %mul3A_593 : i32 to vector<16xi32>
        %select_n3A_595 = arith.select %lt3A_580, %gather3A_585, %broadcast_in_dim3A_594 : vector<16xi1>, vector<16xi32>
        %add3A_596 = arith.constant 0 : i32
        %add3A_597 = vector.broadcast %add3A_596 : i32 to vector<16xi32>
        %add3A_598 = arith.addi %add3A_597, %iota3A : vector<16xi32>
        tpu.vector_store_idx %arg13[%add3A_598], %select_n3A_591 : memref<128xi32, #tpu.memory_space<vmem>>[vector<16xi32>], vector<16xi32>,
        %add3A_599 = arith.constant 0 : i32
        %add3A_600 = vector.broadcast %add3A_599 : i32 to vector<16xi32>
        %add3A_601 = arith.addi %add3A_600, %iota3A : vector<16xi32>
        tpu.vector_store_idx %arg14[%add3A_601], %select_n3A_595 : memref<128xi32, #tpu.memory_space<vmem>>[vector<16xi32>], vector<16xi32>,
        %mul3A_602 = arith.constant 128 : i32
        %mul3A_603 = arith.muli %while3A_569, %mul3A_602 : i32
        %add3A_604 = arith.addi %squeeze3A_513, %mul3A_603 : i32
        %add3A_605 = arith.constant 16 : i32
        %add3A_606 = arith.addi %add3A_604, %add3A_605 : i32
        %add3A_607 = vector.broadcast %add3A_606 : i32 to vector<16xi32>
        %add3A_608 = arith.addi %add3A_607, %iota3A : vector<16xi32>
        %lt3A_609 = vector.broadcast %squeeze3A_515 : i32 to vector<16xi32>
        %lt3A_610 = arith.cmpi slt, %add3A_608, %lt3A_609 : vector<16xi32>
        %gather3A_611 = tpu.vector_load_idx %arg10[%add3A_608] masked %lt3A_610 : memref<4096xi32, #tpu.memory_space<vmem>>[vector<16xi32>], vector<16xi32>, vector<16xi1>
        %gather3A_612 = tpu.vector_load_idx %arg8[%gather3A_611] masked %lt3A_610 : memref<4096xi32, #tpu.memory_space<vmem>>[vector<16xi32>], vector<16xi32>, vector<16xi1>
        %sub3A_613 = vector.broadcast %sub3A_572 : i32 to vector<16xi32>
        %sub3A_614 = arith.subi %gather3A_612, %sub3A_613 : vector<16xi32>
        %gather3A_615 = tpu.vector_load_idx %arg9[%gather3A_611] masked %lt3A_610 : memref<4096xi32, #tpu.memory_space<vmem>>[vector<16xi32>], vector<16xi32>, vector<16xi1>
        %mul3A_616 = arith.constant 1024 : i32
        %mul3A_617 = arith.muli %arg1, %mul3A_616 : i32
        %add3A_618 = arith.constant 1048576 : i32
        %add3A_619 = arith.addi %add3A_618, %mul3A_617 : i32
        %broadcast_in_dim3A_620 = vector.broadcast %add3A_619 : i32 to vector<16xi32>
        %select_n3A_621 = arith.select %lt3A_610, %sub3A_614, %broadcast_in_dim3A_620 : vector<16xi1>, vector<16xi32>
        %mul3A_622 = arith.constant 32768 : i32
        %mul3A_623 = arith.muli %arg1, %mul3A_622 : i32
        %broadcast_in_dim3A_624 = vector.broadcast %mul3A_623 : i32 to vector<16xi32>
        %select_n3A_625 = arith.select %lt3A_610, %gather3A_615, %broadcast_in_dim3A_624 : vector<16xi1>, vector<16xi32>
        %add3A_626 = arith.constant 16 : i32
        %add3A_627 = vector.broadcast %add3A_626 : i32 to vector<16xi32>
        %add3A_628 = arith.addi %add3A_627, %iota3A : vector<16xi32>
        tpu.vector_store_idx %arg13[%add3A_628], %select_n3A_621 : memref<128xi32, #tpu.memory_space<vmem>>[vector<16xi32>], vector<16xi32>,
        %add3A_629 = arith.constant 16 : i32
        %add3A_630 = vector.broadcast %add3A_629 : i32 to vector<16xi32>
        %add3A_631 = arith.addi %add3A_630, %iota3A : vector<16xi32>
        tpu.vector_store_idx %arg14[%add3A_631], %select_n3A_625 : memref<128xi32, #tpu.memory_space<vmem>>[vector<16xi32>], vector<16xi32>,
        %mul3A_632 = arith.constant 128 : i32
        %mul3A_633 = arith.muli %while3A_569, %mul3A_632 : i32
        %add3A_634 = arith.addi %squeeze3A_513, %mul3A_633 : i32
        %add3A_635 = arith.constant 32 : i32
        %add3A_636 = arith.addi %add3A_634, %add3A_635 : i32
        %add3A_637 = vector.broadcast %add3A_636 : i32 to vector<16xi32>
        %add3A_638 = arith.addi %add3A_637, %iota3A : vector<16xi32>
        %lt3A_639 = vector.broadcast %squeeze3A_515 : i32 to vector<16xi32>
        %lt3A_640 = arith.cmpi slt, %add3A_638, %lt3A_639 : vector<16xi32>
        %gather3A_641 = tpu.vector_load_idx %arg10[%add3A_638] masked %lt3A_640 : memref<4096xi32, #tpu.memory_space<vmem>>[vector<16xi32>], vector<16xi32>, vector<16xi1>
        %gather3A_642 = tpu.vector_load_idx %arg8[%gather3A_641] masked %lt3A_640 : memref<4096xi32, #tpu.memory_space<vmem>>[vector<16xi32>], vector<16xi32>, vector<16xi1>
        %sub3A_643 = vector.broadcast %sub3A_572 : i32 to vector<16xi32>
        %sub3A_644 = arith.subi %gather3A_642, %sub3A_643 : vector<16xi32>
        %gather3A_645 = tpu.vector_load_idx %arg9[%gather3A_641] masked %lt3A_640 : memref<4096xi32, #tpu.memory_space<vmem>>[vector<16xi32>], vector<16xi32>, vector<16xi1>
        %mul3A_646 = arith.constant 1024 : i32
        %mul3A_647 = arith.muli %arg1, %mul3A_646 : i32
        %add3A_648 = arith.constant 1048576 : i32
        %add3A_649 = arith.addi %add3A_648, %mul3A_647 : i32
        %broadcast_in_dim3A_650 = vector.broadcast %add3A_649 : i32 to vector<16xi32>
        %select_n3A_651 = arith.select %lt3A_640, %sub3A_644, %broadcast_in_dim3A_650 : vector<16xi1>, vector<16xi32>
        %mul3A_652 = arith.constant 32768 : i32
        %mul3A_653 = arith.muli %arg1, %mul3A_652 : i32
        %broadcast_in_dim3A_654 = vector.broadcast %mul3A_653 : i32 to vector<16xi32>
        %select_n3A_655 = arith.select %lt3A_640, %gather3A_645, %broadcast_in_dim3A_654 : vector<16xi1>, vector<16xi32>
        %add3A_656 = arith.constant 32 : i32
        %add3A_657 = vector.broadcast %add3A_656 : i32 to vector<16xi32>
        %add3A_658 = arith.addi %add3A_657, %iota3A : vector<16xi32>
        tpu.vector_store_idx %arg13[%add3A_658], %select_n3A_651 : memref<128xi32, #tpu.memory_space<vmem>>[vector<16xi32>], vector<16xi32>,
        %add3A_659 = arith.constant 32 : i32
        %add3A_660 = vector.broadcast %add3A_659 : i32 to vector<16xi32>
        %add3A_661 = arith.addi %add3A_660, %iota3A : vector<16xi32>
        tpu.vector_store_idx %arg14[%add3A_661], %select_n3A_655 : memref<128xi32, #tpu.memory_space<vmem>>[vector<16xi32>], vector<16xi32>,
        %mul3A_662 = arith.constant 128 : i32
        %mul3A_663 = arith.muli %while3A_569, %mul3A_662 : i32
        %add3A_664 = arith.addi %squeeze3A_513, %mul3A_663 : i32
        %add3A_665 = arith.constant 48 : i32
        %add3A_666 = arith.addi %add3A_664, %add3A_665 : i32
        %add3A_667 = vector.broadcast %add3A_666 : i32 to vector<16xi32>
        %add3A_668 = arith.addi %add3A_667, %iota3A : vector<16xi32>
        %lt3A_669 = vector.broadcast %squeeze3A_515 : i32 to vector<16xi32>
        %lt3A_670 = arith.cmpi slt, %add3A_668, %lt3A_669 : vector<16xi32>
        %gather3A_671 = tpu.vector_load_idx %arg10[%add3A_668] masked %lt3A_670 : memref<4096xi32, #tpu.memory_space<vmem>>[vector<16xi32>], vector<16xi32>, vector<16xi1>
        %gather3A_672 = tpu.vector_load_idx %arg8[%gather3A_671] masked %lt3A_670 : memref<4096xi32, #tpu.memory_space<vmem>>[vector<16xi32>], vector<16xi32>, vector<16xi1>
        %sub3A_673 = vector.broadcast %sub3A_572 : i32 to vector<16xi32>
        %sub3A_674 = arith.subi %gather3A_672, %sub3A_673 : vector<16xi32>
        %gather3A_675 = tpu.vector_load_idx %arg9[%gather3A_671] masked %lt3A_670 : memref<4096xi32, #tpu.memory_space<vmem>>[vector<16xi32>], vector<16xi32>, vector<16xi1>
        %mul3A_676 = arith.constant 1024 : i32
        %mul3A_677 = arith.muli %arg1, %mul3A_676 : i32
        %add3A_678 = arith.constant 1048576 : i32
        %add3A_679 = arith.addi %add3A_678, %mul3A_677 : i32
        %broadcast_in_dim3A_680 = vector.broadcast %add3A_679 : i32 to vector<16xi32>
        %select_n3A_681 = arith.select %lt3A_670, %sub3A_674, %broadcast_in_dim3A_680 : vector<16xi1>, vector<16xi32>
        %mul3A_682 = arith.constant 32768 : i32
        %mul3A_683 = arith.muli %arg1, %mul3A_682 : i32
        %broadcast_in_dim3A_684 = vector.broadcast %mul3A_683 : i32 to vector<16xi32>
        %select_n3A_685 = arith.select %lt3A_670, %gather3A_675, %broadcast_in_dim3A_684 : vector<16xi1>, vector<16xi32>
        %add3A_686 = arith.constant 48 : i32
        %add3A_687 = vector.broadcast %add3A_686 : i32 to vector<16xi32>
        %add3A_688 = arith.addi %add3A_687, %iota3A : vector<16xi32>
        tpu.vector_store_idx %arg13[%add3A_688], %select_n3A_681 : memref<128xi32, #tpu.memory_space<vmem>>[vector<16xi32>], vector<16xi32>,
        %add3A_689 = arith.constant 48 : i32
        %add3A_690 = vector.broadcast %add3A_689 : i32 to vector<16xi32>
        %add3A_691 = arith.addi %add3A_690, %iota3A : vector<16xi32>
        tpu.vector_store_idx %arg14[%add3A_691], %select_n3A_685 : memref<128xi32, #tpu.memory_space<vmem>>[vector<16xi32>], vector<16xi32>,
        %mul3A_692 = arith.constant 128 : i32
        %mul3A_693 = arith.muli %while3A_569, %mul3A_692 : i32
        %add3A_694 = arith.addi %squeeze3A_513, %mul3A_693 : i32
        %add3A_695 = arith.constant 64 : i32
        %add3A_696 = arith.addi %add3A_694, %add3A_695 : i32
        %add3A_697 = vector.broadcast %add3A_696 : i32 to vector<16xi32>
        %add3A_698 = arith.addi %add3A_697, %iota3A : vector<16xi32>
        %lt3A_699 = vector.broadcast %squeeze3A_515 : i32 to vector<16xi32>
        %lt3A_700 = arith.cmpi slt, %add3A_698, %lt3A_699 : vector<16xi32>
        %gather3A_701 = tpu.vector_load_idx %arg10[%add3A_698] masked %lt3A_700 : memref<4096xi32, #tpu.memory_space<vmem>>[vector<16xi32>], vector<16xi32>, vector<16xi1>
        %gather3A_702 = tpu.vector_load_idx %arg8[%gather3A_701] masked %lt3A_700 : memref<4096xi32, #tpu.memory_space<vmem>>[vector<16xi32>], vector<16xi32>, vector<16xi1>
        %sub3A_703 = vector.broadcast %sub3A_572 : i32 to vector<16xi32>
        %sub3A_704 = arith.subi %gather3A_702, %sub3A_703 : vector<16xi32>
        %gather3A_705 = tpu.vector_load_idx %arg9[%gather3A_701] masked %lt3A_700 : memref<4096xi32, #tpu.memory_space<vmem>>[vector<16xi32>], vector<16xi32>, vector<16xi1>
        %mul3A_706 = arith.constant 1024 : i32
        %mul3A_707 = arith.muli %arg1, %mul3A_706 : i32
        %add3A_708 = arith.constant 1048576 : i32
        %add3A_709 = arith.addi %add3A_708, %mul3A_707 : i32
        %broadcast_in_dim3A_710 = vector.broadcast %add3A_709 : i32 to vector<16xi32>
        %select_n3A_711 = arith.select %lt3A_700, %sub3A_704, %broadcast_in_dim3A_710 : vector<16xi1>, vector<16xi32>
        %mul3A_712 = arith.constant 32768 : i32
        %mul3A_713 = arith.muli %arg1, %mul3A_712 : i32
        %broadcast_in_dim3A_714 = vector.broadcast %mul3A_713 : i32 to vector<16xi32>
        %select_n3A_715 = arith.select %lt3A_700, %gather3A_705, %broadcast_in_dim3A_714 : vector<16xi1>, vector<16xi32>
        %add3A_716 = arith.constant 64 : i32
        %add3A_717 = vector.broadcast %add3A_716 : i32 to vector<16xi32>
        %add3A_718 = arith.addi %add3A_717, %iota3A : vector<16xi32>
        tpu.vector_store_idx %arg13[%add3A_718], %select_n3A_711 : memref<128xi32, #tpu.memory_space<vmem>>[vector<16xi32>], vector<16xi32>,
        %add3A_719 = arith.constant 64 : i32
        %add3A_720 = vector.broadcast %add3A_719 : i32 to vector<16xi32>
        %add3A_721 = arith.addi %add3A_720, %iota3A : vector<16xi32>
        tpu.vector_store_idx %arg14[%add3A_721], %select_n3A_715 : memref<128xi32, #tpu.memory_space<vmem>>[vector<16xi32>], vector<16xi32>,
        %mul3A_722 = arith.constant 128 : i32
        %mul3A_723 = arith.muli %while3A_569, %mul3A_722 : i32
        %add3A_724 = arith.addi %squeeze3A_513, %mul3A_723 : i32
        %add3A_725 = arith.constant 80 : i32
        %add3A_726 = arith.addi %add3A_724, %add3A_725 : i32
        %add3A_727 = vector.broadcast %add3A_726 : i32 to vector<16xi32>
        %add3A_728 = arith.addi %add3A_727, %iota3A : vector<16xi32>
        %lt3A_729 = vector.broadcast %squeeze3A_515 : i32 to vector<16xi32>
        %lt3A_730 = arith.cmpi slt, %add3A_728, %lt3A_729 : vector<16xi32>
        %gather3A_731 = tpu.vector_load_idx %arg10[%add3A_728] masked %lt3A_730 : memref<4096xi32, #tpu.memory_space<vmem>>[vector<16xi32>], vector<16xi32>, vector<16xi1>
        %gather3A_732 = tpu.vector_load_idx %arg8[%gather3A_731] masked %lt3A_730 : memref<4096xi32, #tpu.memory_space<vmem>>[vector<16xi32>], vector<16xi32>, vector<16xi1>
        %sub3A_733 = vector.broadcast %sub3A_572 : i32 to vector<16xi32>
        %sub3A_734 = arith.subi %gather3A_732, %sub3A_733 : vector<16xi32>
        %gather3A_735 = tpu.vector_load_idx %arg9[%gather3A_731] masked %lt3A_730 : memref<4096xi32, #tpu.memory_space<vmem>>[vector<16xi32>], vector<16xi32>, vector<16xi1>
        %mul3A_736 = arith.constant 1024 : i32
        %mul3A_737 = arith.muli %arg1, %mul3A_736 : i32
        %add3A_738 = arith.constant 1048576 : i32
        %add3A_739 = arith.addi %add3A_738, %mul3A_737 : i32
        %broadcast_in_dim3A_740 = vector.broadcast %add3A_739 : i32 to vector<16xi32>
        %select_n3A_741 = arith.select %lt3A_730, %sub3A_734, %broadcast_in_dim3A_740 : vector<16xi1>, vector<16xi32>
        %mul3A_742 = arith.constant 32768 : i32
        %mul3A_743 = arith.muli %arg1, %mul3A_742 : i32
        %broadcast_in_dim3A_744 = vector.broadcast %mul3A_743 : i32 to vector<16xi32>
        %select_n3A_745 = arith.select %lt3A_730, %gather3A_735, %broadcast_in_dim3A_744 : vector<16xi1>, vector<16xi32>
        %add3A_746 = arith.constant 80 : i32
        %add3A_747 = vector.broadcast %add3A_746 : i32 to vector<16xi32>
        %add3A_748 = arith.addi %add3A_747, %iota3A : vector<16xi32>
        tpu.vector_store_idx %arg13[%add3A_748], %select_n3A_741 : memref<128xi32, #tpu.memory_space<vmem>>[vector<16xi32>], vector<16xi32>,
        %add3A_749 = arith.constant 80 : i32
        %add3A_750 = vector.broadcast %add3A_749 : i32 to vector<16xi32>
        %add3A_751 = arith.addi %add3A_750, %iota3A : vector<16xi32>
        tpu.vector_store_idx %arg14[%add3A_751], %select_n3A_745 : memref<128xi32, #tpu.memory_space<vmem>>[vector<16xi32>], vector<16xi32>,
        %mul3A_752 = arith.constant 128 : i32
        %mul3A_753 = arith.muli %while3A_569, %mul3A_752 : i32
        %add3A_754 = arith.addi %squeeze3A_513, %mul3A_753 : i32
        %add3A_755 = arith.constant 96 : i32
        %add3A_756 = arith.addi %add3A_754, %add3A_755 : i32
        %add3A_757 = vector.broadcast %add3A_756 : i32 to vector<16xi32>
        %add3A_758 = arith.addi %add3A_757, %iota3A : vector<16xi32>
        %lt3A_759 = vector.broadcast %squeeze3A_515 : i32 to vector<16xi32>
        %lt3A_760 = arith.cmpi slt, %add3A_758, %lt3A_759 : vector<16xi32>
        %gather3A_761 = tpu.vector_load_idx %arg10[%add3A_758] masked %lt3A_760 : memref<4096xi32, #tpu.memory_space<vmem>>[vector<16xi32>], vector<16xi32>, vector<16xi1>
        %gather3A_762 = tpu.vector_load_idx %arg8[%gather3A_761] masked %lt3A_760 : memref<4096xi32, #tpu.memory_space<vmem>>[vector<16xi32>], vector<16xi32>, vector<16xi1>
        %sub3A_763 = vector.broadcast %sub3A_572 : i32 to vector<16xi32>
        %sub3A_764 = arith.subi %gather3A_762, %sub3A_763 : vector<16xi32>
        %gather3A_765 = tpu.vector_load_idx %arg9[%gather3A_761] masked %lt3A_760 : memref<4096xi32, #tpu.memory_space<vmem>>[vector<16xi32>], vector<16xi32>, vector<16xi1>
        %mul3A_766 = arith.constant 1024 : i32
        %mul3A_767 = arith.muli %arg1, %mul3A_766 : i32
        %add3A_768 = arith.constant 1048576 : i32
        %add3A_769 = arith.addi %add3A_768, %mul3A_767 : i32
        %broadcast_in_dim3A_770 = vector.broadcast %add3A_769 : i32 to vector<16xi32>
        %select_n3A_771 = arith.select %lt3A_760, %sub3A_764, %broadcast_in_dim3A_770 : vector<16xi1>, vector<16xi32>
        %mul3A_772 = arith.constant 32768 : i32
        %mul3A_773 = arith.muli %arg1, %mul3A_772 : i32
        %broadcast_in_dim3A_774 = vector.broadcast %mul3A_773 : i32 to vector<16xi32>
        %select_n3A_775 = arith.select %lt3A_760, %gather3A_765, %broadcast_in_dim3A_774 : vector<16xi1>, vector<16xi32>
        %add3A_776 = arith.constant 96 : i32
        %add3A_777 = vector.broadcast %add3A_776 : i32 to vector<16xi32>
        %add3A_778 = arith.addi %add3A_777, %iota3A : vector<16xi32>
        tpu.vector_store_idx %arg13[%add3A_778], %select_n3A_771 : memref<128xi32, #tpu.memory_space<vmem>>[vector<16xi32>], vector<16xi32>,
        %add3A_779 = arith.constant 96 : i32
        %add3A_780 = vector.broadcast %add3A_779 : i32 to vector<16xi32>
        %add3A_781 = arith.addi %add3A_780, %iota3A : vector<16xi32>
        tpu.vector_store_idx %arg14[%add3A_781], %select_n3A_775 : memref<128xi32, #tpu.memory_space<vmem>>[vector<16xi32>], vector<16xi32>,
        %mul3A_782 = arith.constant 128 : i32
        %mul3A_783 = arith.muli %while3A_569, %mul3A_782 : i32
        %add3A_784 = arith.addi %squeeze3A_513, %mul3A_783 : i32
        %add3A_785 = arith.constant 112 : i32
        %add3A_786 = arith.addi %add3A_784, %add3A_785 : i32
        %add3A_787 = vector.broadcast %add3A_786 : i32 to vector<16xi32>
        %add3A_788 = arith.addi %add3A_787, %iota3A : vector<16xi32>
        %lt3A_789 = vector.broadcast %squeeze3A_515 : i32 to vector<16xi32>
        %lt3A_790 = arith.cmpi slt, %add3A_788, %lt3A_789 : vector<16xi32>
        %gather3A_791 = tpu.vector_load_idx %arg10[%add3A_788] masked %lt3A_790 : memref<4096xi32, #tpu.memory_space<vmem>>[vector<16xi32>], vector<16xi32>, vector<16xi1>
        %gather3A_792 = tpu.vector_load_idx %arg8[%gather3A_791] masked %lt3A_790 : memref<4096xi32, #tpu.memory_space<vmem>>[vector<16xi32>], vector<16xi32>, vector<16xi1>
        %sub3A_793 = vector.broadcast %sub3A_572 : i32 to vector<16xi32>
        %sub3A_794 = arith.subi %gather3A_792, %sub3A_793 : vector<16xi32>
        %gather3A_795 = tpu.vector_load_idx %arg9[%gather3A_791] masked %lt3A_790 : memref<4096xi32, #tpu.memory_space<vmem>>[vector<16xi32>], vector<16xi32>, vector<16xi1>
        %mul3A_796 = arith.constant 1024 : i32
        %mul3A_797 = arith.muli %arg1, %mul3A_796 : i32
        %add3A_798 = arith.constant 1048576 : i32
        %add3A_799 = arith.addi %add3A_798, %mul3A_797 : i32
        %broadcast_in_dim3A_800 = vector.broadcast %add3A_799 : i32 to vector<16xi32>
        %select_n3A_801 = arith.select %lt3A_790, %sub3A_794, %broadcast_in_dim3A_800 : vector<16xi1>, vector<16xi32>
        %mul3A_802 = arith.constant 32768 : i32
        %mul3A_803 = arith.muli %arg1, %mul3A_802 : i32
        %broadcast_in_dim3A_804 = vector.broadcast %mul3A_803 : i32 to vector<16xi32>
        %select_n3A_805 = arith.select %lt3A_790, %gather3A_795, %broadcast_in_dim3A_804 : vector<16xi1>, vector<16xi32>
        %add3A_806 = arith.constant 112 : i32
        %add3A_807 = vector.broadcast %add3A_806 : i32 to vector<16xi32>
        %add3A_808 = arith.addi %add3A_807, %iota3A : vector<16xi32>
        tpu.vector_store_idx %arg13[%add3A_808], %select_n3A_801 : memref<128xi32, #tpu.memory_space<vmem>>[vector<16xi32>], vector<16xi32>,
        %add3A_809 = arith.constant 112 : i32
        %add3A_810 = vector.broadcast %add3A_809 : i32 to vector<16xi32>
        %add3A_811 = arith.addi %add3A_810, %iota3A : vector<16xi32>
        tpu.vector_store_idx %arg14[%add3A_811], %select_n3A_805 : memref<128xi32, #tpu.memory_space<vmem>>[vector<16xi32>], vector<16xi32>,
        %dma_start3A_812 = arith.constant 0 : i32
        %dma_start3A_813 = tpu.memref_slice %arg16[%dma_start3A_812] : memref<8192xf32, #tpu.memory_space<vmem>> -> memref<128xf32, #tpu.memory_space<vmem>>
        %dma_start3A_814 = arith.constant 0 : i32
        %dma_start3A_815 = tpu.memref_slice %arg17[%dma_start3A_814] : memref<1064960xf32, #tpu.memory_space<vmem_shared>> -> memref<1064064xf32, #tpu.memory_space<vmem_shared>>
        %dma_start3A_816 = arith.constant 0 : i32
        %dma_start3A_817 = tpu.memref_slice %dma_start3A_815[%dma_start3A_816] : memref<1064064xf32, #tpu.memory_space<vmem_shared>> -> memref<1064064xf32, #tpu.memory_space<vmem_shared>>
        tpu.enqueue_indirect_dma source(%dma_start3A_813 : memref<128xf32, #tpu.memory_space<vmem>>) target(%dma_start3A_817 : memref<1064064xf32, #tpu.memory_space<vmem_shared>>) offsets(%arg13 : memref<128xi32, #tpu.memory_space<vmem>>) semaphore(%arg20 : memref<!tpu.dma_semaphore, #tpu.memory_space<semaphore_mem>>)
        %dma_start3A_818 = arith.constant 0 : i32
        %dma_start3A_819 = tpu.memref_slice %arg16[%dma_start3A_818] : memref<8192xf32, #tpu.memory_space<vmem>> -> memref<128xf32, #tpu.memory_space<vmem>>
        %dma_start3A_820 = arith.constant 128 : i32
        %dma_start3A_821 = tpu.memref_slice %arg17[%dma_start3A_820] : memref<1064960xf32, #tpu.memory_space<vmem_shared>> -> memref<1064064xf32, #tpu.memory_space<vmem_shared>>
        %dma_start3A_822 = arith.constant 0 : i32
        %dma_start3A_823 = tpu.memref_slice %dma_start3A_821[%dma_start3A_822] : memref<1064064xf32, #tpu.memory_space<vmem_shared>> -> memref<1064064xf32, #tpu.memory_space<vmem_shared>>
        tpu.enqueue_indirect_dma source(%dma_start3A_819 : memref<128xf32, #tpu.memory_space<vmem>>) target(%dma_start3A_823 : memref<1064064xf32, #tpu.memory_space<vmem_shared>>) offsets(%arg13 : memref<128xi32, #tpu.memory_space<vmem>>) semaphore(%arg20 : memref<!tpu.dma_semaphore, #tpu.memory_space<semaphore_mem>>)
        %dma_start3A_824 = arith.constant 0 : i32
        %dma_start3A_825 = tpu.memref_slice %arg16[%dma_start3A_824] : memref<8192xf32, #tpu.memory_space<vmem>> -> memref<128xf32, #tpu.memory_space<vmem>>
        %dma_start3A_826 = arith.constant 256 : i32
        %dma_start3A_827 = tpu.memref_slice %arg17[%dma_start3A_826] : memref<1064960xf32, #tpu.memory_space<vmem_shared>> -> memref<1064064xf32, #tpu.memory_space<vmem_shared>>
        %dma_start3A_828 = arith.constant 0 : i32
        %dma_start3A_829 = tpu.memref_slice %dma_start3A_827[%dma_start3A_828] : memref<1064064xf32, #tpu.memory_space<vmem_shared>> -> memref<1064064xf32, #tpu.memory_space<vmem_shared>>
        tpu.enqueue_indirect_dma source(%dma_start3A_825 : memref<128xf32, #tpu.memory_space<vmem>>) target(%dma_start3A_829 : memref<1064064xf32, #tpu.memory_space<vmem_shared>>) offsets(%arg13 : memref<128xi32, #tpu.memory_space<vmem>>) semaphore(%arg20 : memref<!tpu.dma_semaphore, #tpu.memory_space<semaphore_mem>>)
        %dma_start3A_830 = arith.constant 0 : i32
        %dma_start3A_831 = tpu.memref_slice %arg16[%dma_start3A_830] : memref<8192xf32, #tpu.memory_space<vmem>> -> memref<128xf32, #tpu.memory_space<vmem>>
        %dma_start3A_832 = arith.constant 384 : i32
        %dma_start3A_833 = tpu.memref_slice %arg17[%dma_start3A_832] : memref<1064960xf32, #tpu.memory_space<vmem_shared>> -> memref<1064064xf32, #tpu.memory_space<vmem_shared>>
        %dma_start3A_834 = arith.constant 0 : i32
        %dma_start3A_835 = tpu.memref_slice %dma_start3A_833[%dma_start3A_834] : memref<1064064xf32, #tpu.memory_space<vmem_shared>> -> memref<1064064xf32, #tpu.memory_space<vmem_shared>>
        tpu.enqueue_indirect_dma source(%dma_start3A_831 : memref<128xf32, #tpu.memory_space<vmem>>) target(%dma_start3A_835 : memref<1064064xf32, #tpu.memory_space<vmem_shared>>) offsets(%arg13 : memref<128xi32, #tpu.memory_space<vmem>>) semaphore(%arg20 : memref<!tpu.dma_semaphore, #tpu.memory_space<semaphore_mem>>)
        %dma_start3A_836 = arith.constant 0 : i32
        %dma_start3A_837 = tpu.memref_slice %arg16[%dma_start3A_836] : memref<8192xf32, #tpu.memory_space<vmem>> -> memref<128xf32, #tpu.memory_space<vmem>>
        %dma_start3A_838 = arith.constant 512 : i32
        %dma_start3A_839 = tpu.memref_slice %arg17[%dma_start3A_838] : memref<1064960xf32, #tpu.memory_space<vmem_shared>> -> memref<1064064xf32, #tpu.memory_space<vmem_shared>>
        %dma_start3A_840 = arith.constant 0 : i32
        %dma_start3A_841 = tpu.memref_slice %dma_start3A_839[%dma_start3A_840] : memref<1064064xf32, #tpu.memory_space<vmem_shared>> -> memref<1064064xf32, #tpu.memory_space<vmem_shared>>
        tpu.enqueue_indirect_dma source(%dma_start3A_837 : memref<128xf32, #tpu.memory_space<vmem>>) target(%dma_start3A_841 : memref<1064064xf32, #tpu.memory_space<vmem_shared>>) offsets(%arg13 : memref<128xi32, #tpu.memory_space<vmem>>) semaphore(%arg20 : memref<!tpu.dma_semaphore, #tpu.memory_space<semaphore_mem>>)
        %dma_start3A_842 = arith.constant 0 : i32
        %dma_start3A_843 = tpu.memref_slice %arg16[%dma_start3A_842] : memref<8192xf32, #tpu.memory_space<vmem>> -> memref<128xf32, #tpu.memory_space<vmem>>
        %dma_start3A_844 = arith.constant 640 : i32
        %dma_start3A_845 = tpu.memref_slice %arg17[%dma_start3A_844] : memref<1064960xf32, #tpu.memory_space<vmem_shared>> -> memref<1064064xf32, #tpu.memory_space<vmem_shared>>
        %dma_start3A_846 = arith.constant 0 : i32
        %dma_start3A_847 = tpu.memref_slice %dma_start3A_845[%dma_start3A_846] : memref<1064064xf32, #tpu.memory_space<vmem_shared>> -> memref<1064064xf32, #tpu.memory_space<vmem_shared>>
        tpu.enqueue_indirect_dma source(%dma_start3A_843 : memref<128xf32, #tpu.memory_space<vmem>>) target(%dma_start3A_847 : memref<1064064xf32, #tpu.memory_space<vmem_shared>>) offsets(%arg13 : memref<128xi32, #tpu.memory_space<vmem>>) semaphore(%arg20 : memref<!tpu.dma_semaphore, #tpu.memory_space<semaphore_mem>>)
        %dma_start3A_848 = arith.constant 0 : i32
        %dma_start3A_849 = tpu.memref_slice %arg16[%dma_start3A_848] : memref<8192xf32, #tpu.memory_space<vmem>> -> memref<128xf32, #tpu.memory_space<vmem>>
        %dma_start3A_850 = arith.constant 768 : i32
        %dma_start3A_851 = tpu.memref_slice %arg17[%dma_start3A_850] : memref<1064960xf32, #tpu.memory_space<vmem_shared>> -> memref<1064064xf32, #tpu.memory_space<vmem_shared>>
        %dma_start3A_852 = arith.constant 0 : i32
        %dma_start3A_853 = tpu.memref_slice %dma_start3A_851[%dma_start3A_852] : memref<1064064xf32, #tpu.memory_space<vmem_shared>> -> memref<1064064xf32, #tpu.memory_space<vmem_shared>>
        tpu.enqueue_indirect_dma source(%dma_start3A_849 : memref<128xf32, #tpu.memory_space<vmem>>) target(%dma_start3A_853 : memref<1064064xf32, #tpu.memory_space<vmem_shared>>) offsets(%arg13 : memref<128xi32, #tpu.memory_space<vmem>>) semaphore(%arg20 : memref<!tpu.dma_semaphore, #tpu.memory_space<semaphore_mem>>)
        %dma_start3A_854 = arith.constant 0 : i32
        %dma_start3A_855 = tpu.memref_slice %arg16[%dma_start3A_854] : memref<8192xf32, #tpu.memory_space<vmem>> -> memref<128xf32, #tpu.memory_space<vmem>>
        %dma_start3A_856 = arith.constant 896 : i32
        %dma_start3A_857 = tpu.memref_slice %arg17[%dma_start3A_856] : memref<1064960xf32, #tpu.memory_space<vmem_shared>> -> memref<1064064xf32, #tpu.memory_space<vmem_shared>>
        %dma_start3A_858 = arith.constant 0 : i32
        %dma_start3A_859 = tpu.memref_slice %dma_start3A_857[%dma_start3A_858] : memref<1064064xf32, #tpu.memory_space<vmem_shared>> -> memref<1064064xf32, #tpu.memory_space<vmem_shared>>
        tpu.enqueue_indirect_dma source(%dma_start3A_855 : memref<128xf32, #tpu.memory_space<vmem>>) target(%dma_start3A_859 : memref<1064064xf32, #tpu.memory_space<vmem_shared>>) offsets(%arg13 : memref<128xi32, #tpu.memory_space<vmem>>) semaphore(%arg20 : memref<!tpu.dma_semaphore, #tpu.memory_space<semaphore_mem>>)
        %dma_wait3A_860 = arith.constant 0 : i32
        %dma_wait3A_861 = tpu.memref_slice %arg16[%dma_wait3A_860] : memref<8192xf32, #tpu.memory_space<vmem>> -> memref<128xf32, #tpu.memory_space<vmem>>
        %dma_wait3A_862 = arith.constant 0 : i32
        %dma_wait3A_863 = tpu.memref_slice %arg17[%dma_wait3A_862] : memref<1064960xf32, #tpu.memory_space<vmem_shared>> -> memref<1064064xf32, #tpu.memory_space<vmem_shared>>
        %dma_wait3A_864 = arith.constant 0 : i32
        %dma_wait3A_865 = tpu.memref_slice %dma_wait3A_863[%dma_wait3A_864] : memref<1064064xf32, #tpu.memory_space<vmem_shared>> -> memref<1064064xf32, #tpu.memory_space<vmem_shared>>
        tpu.wait_indirect_dma semaphore(%arg20 : memref<!tpu.dma_semaphore, #tpu.memory_space<semaphore_mem>>) src(%dma_wait3A_861 : memref<128xf32, #tpu.memory_space<vmem>>) dst(%dma_wait3A_865 : memref<1064064xf32, #tpu.memory_space<vmem_shared>>)
        %dma_wait3A_866 = arith.constant 0 : i32
        %dma_wait3A_867 = tpu.memref_slice %arg16[%dma_wait3A_866] : memref<8192xf32, #tpu.memory_space<vmem>> -> memref<128xf32, #tpu.memory_space<vmem>>
        %dma_wait3A_868 = arith.constant 128 : i32
        %dma_wait3A_869 = tpu.memref_slice %arg17[%dma_wait3A_868] : memref<1064960xf32, #tpu.memory_space<vmem_shared>> -> memref<1064064xf32, #tpu.memory_space<vmem_shared>>
        %dma_wait3A_870 = arith.constant 0 : i32
        %dma_wait3A_871 = tpu.memref_slice %dma_wait3A_869[%dma_wait3A_870] : memref<1064064xf32, #tpu.memory_space<vmem_shared>> -> memref<1064064xf32, #tpu.memory_space<vmem_shared>>
        tpu.wait_indirect_dma semaphore(%arg20 : memref<!tpu.dma_semaphore, #tpu.memory_space<semaphore_mem>>) src(%dma_wait3A_867 : memref<128xf32, #tpu.memory_space<vmem>>) dst(%dma_wait3A_871 : memref<1064064xf32, #tpu.memory_space<vmem_shared>>)
        %dma_wait3A_872 = arith.constant 0 : i32
        %dma_wait3A_873 = tpu.memref_slice %arg16[%dma_wait3A_872] : memref<8192xf32, #tpu.memory_space<vmem>> -> memref<128xf32, #tpu.memory_space<vmem>>
        %dma_wait3A_874 = arith.constant 256 : i32
        %dma_wait3A_875 = tpu.memref_slice %arg17[%dma_wait3A_874] : memref<1064960xf32, #tpu.memory_space<vmem_shared>> -> memref<1064064xf32, #tpu.memory_space<vmem_shared>>
        %dma_wait3A_876 = arith.constant 0 : i32
        %dma_wait3A_877 = tpu.memref_slice %dma_wait3A_875[%dma_wait3A_876] : memref<1064064xf32, #tpu.memory_space<vmem_shared>> -> memref<1064064xf32, #tpu.memory_space<vmem_shared>>
        tpu.wait_indirect_dma semaphore(%arg20 : memref<!tpu.dma_semaphore, #tpu.memory_space<semaphore_mem>>) src(%dma_wait3A_873 : memref<128xf32, #tpu.memory_space<vmem>>) dst(%dma_wait3A_877 : memref<1064064xf32, #tpu.memory_space<vmem_shared>>)
        %dma_wait3A_878 = arith.constant 0 : i32
        %dma_wait3A_879 = tpu.memref_slice %arg16[%dma_wait3A_878] : memref<8192xf32, #tpu.memory_space<vmem>> -> memref<128xf32, #tpu.memory_space<vmem>>
        %dma_wait3A_880 = arith.constant 384 : i32
        %dma_wait3A_881 = tpu.memref_slice %arg17[%dma_wait3A_880] : memref<1064960xf32, #tpu.memory_space<vmem_shared>> -> memref<1064064xf32, #tpu.memory_space<vmem_shared>>
        %dma_wait3A_882 = arith.constant 0 : i32
        %dma_wait3A_883 = tpu.memref_slice %dma_wait3A_881[%dma_wait3A_882] : memref<1064064xf32, #tpu.memory_space<vmem_shared>> -> memref<1064064xf32, #tpu.memory_space<vmem_shared>>
        tpu.wait_indirect_dma semaphore(%arg20 : memref<!tpu.dma_semaphore, #tpu.memory_space<semaphore_mem>>) src(%dma_wait3A_879 : memref<128xf32, #tpu.memory_space<vmem>>) dst(%dma_wait3A_883 : memref<1064064xf32, #tpu.memory_space<vmem_shared>>)
        %dma_wait3A_884 = arith.constant 0 : i32
        %dma_wait3A_885 = tpu.memref_slice %arg16[%dma_wait3A_884] : memref<8192xf32, #tpu.memory_space<vmem>> -> memref<128xf32, #tpu.memory_space<vmem>>
        %dma_wait3A_886 = arith.constant 512 : i32
        %dma_wait3A_887 = tpu.memref_slice %arg17[%dma_wait3A_886] : memref<1064960xf32, #tpu.memory_space<vmem_shared>> -> memref<1064064xf32, #tpu.memory_space<vmem_shared>>
        %dma_wait3A_888 = arith.constant 0 : i32
        %dma_wait3A_889 = tpu.memref_slice %dma_wait3A_887[%dma_wait3A_888] : memref<1064064xf32, #tpu.memory_space<vmem_shared>> -> memref<1064064xf32, #tpu.memory_space<vmem_shared>>
        tpu.wait_indirect_dma semaphore(%arg20 : memref<!tpu.dma_semaphore, #tpu.memory_space<semaphore_mem>>) src(%dma_wait3A_885 : memref<128xf32, #tpu.memory_space<vmem>>) dst(%dma_wait3A_889 : memref<1064064xf32, #tpu.memory_space<vmem_shared>>)
        %dma_wait3A_890 = arith.constant 0 : i32
        %dma_wait3A_891 = tpu.memref_slice %arg16[%dma_wait3A_890] : memref<8192xf32, #tpu.memory_space<vmem>> -> memref<128xf32, #tpu.memory_space<vmem>>
        %dma_wait3A_892 = arith.constant 640 : i32
        %dma_wait3A_893 = tpu.memref_slice %arg17[%dma_wait3A_892] : memref<1064960xf32, #tpu.memory_space<vmem_shared>> -> memref<1064064xf32, #tpu.memory_space<vmem_shared>>
        %dma_wait3A_894 = arith.constant 0 : i32
        %dma_wait3A_895 = tpu.memref_slice %dma_wait3A_893[%dma_wait3A_894] : memref<1064064xf32, #tpu.memory_space<vmem_shared>> -> memref<1064064xf32, #tpu.memory_space<vmem_shared>>
        tpu.wait_indirect_dma semaphore(%arg20 : memref<!tpu.dma_semaphore, #tpu.memory_space<semaphore_mem>>) src(%dma_wait3A_891 : memref<128xf32, #tpu.memory_space<vmem>>) dst(%dma_wait3A_895 : memref<1064064xf32, #tpu.memory_space<vmem_shared>>)
        %dma_wait3A_896 = arith.constant 0 : i32
        %dma_wait3A_897 = tpu.memref_slice %arg16[%dma_wait3A_896] : memref<8192xf32, #tpu.memory_space<vmem>> -> memref<128xf32, #tpu.memory_space<vmem>>
        %dma_wait3A_898 = arith.constant 768 : i32
        %dma_wait3A_899 = tpu.memref_slice %arg17[%dma_wait3A_898] : memref<1064960xf32, #tpu.memory_space<vmem_shared>> -> memref<1064064xf32, #tpu.memory_space<vmem_shared>>
        %dma_wait3A_900 = arith.constant 0 : i32
        %dma_wait3A_901 = tpu.memref_slice %dma_wait3A_899[%dma_wait3A_900] : memref<1064064xf32, #tpu.memory_space<vmem_shared>> -> memref<1064064xf32, #tpu.memory_space<vmem_shared>>
        tpu.wait_indirect_dma semaphore(%arg20 : memref<!tpu.dma_semaphore, #tpu.memory_space<semaphore_mem>>) src(%dma_wait3A_897 : memref<128xf32, #tpu.memory_space<vmem>>) dst(%dma_wait3A_901 : memref<1064064xf32, #tpu.memory_space<vmem_shared>>)
        %dma_wait3A_902 = arith.constant 0 : i32
        %dma_wait3A_903 = tpu.memref_slice %arg16[%dma_wait3A_902] : memref<8192xf32, #tpu.memory_space<vmem>> -> memref<128xf32, #tpu.memory_space<vmem>>
        %dma_wait3A_904 = arith.constant 896 : i32
        %dma_wait3A_905 = tpu.memref_slice %arg17[%dma_wait3A_904] : memref<1064960xf32, #tpu.memory_space<vmem_shared>> -> memref<1064064xf32, #tpu.memory_space<vmem_shared>>
        %dma_wait3A_906 = arith.constant 0 : i32
        %dma_wait3A_907 = tpu.memref_slice %dma_wait3A_905[%dma_wait3A_906] : memref<1064064xf32, #tpu.memory_space<vmem_shared>> -> memref<1064064xf32, #tpu.memory_space<vmem_shared>>
        tpu.wait_indirect_dma semaphore(%arg20 : memref<!tpu.dma_semaphore, #tpu.memory_space<semaphore_mem>>) src(%dma_wait3A_903 : memref<128xf32, #tpu.memory_space<vmem>>) dst(%dma_wait3A_907 : memref<1064064xf32, #tpu.memory_space<vmem_shared>>)
        %while3A_908 = arith.constant 0 : i32
        scf.yield %while3A_908 : i32
      }
      %while3A_538 = arith.constant 1 : i32
      %while3A_539 = scf.for %while3A_569 = %while3A_535 to %while3A_531 step %while3A_538 iter_args(%while3A_570 = %while3A_537) -> (i32)  : i32 {
        %sub3A_571 = arith.constant 1048576 : i32
        %sub3A_572 = arith.subi %add3A_486, %sub3A_571 : i32
        %mul3A_573 = arith.constant 128 : i32
        %mul3A_574 = arith.muli %while3A_569, %mul3A_573 : i32
        %add3A_575 = arith.addi %squeeze3A_513, %mul3A_574 : i32
        %add3A_576 = arith.constant 0 : i32
        %add3A_577 = arith.addi %add3A_575, %add3A_576 : i32
        %add3A_578 = vector.broadcast %add3A_577 : i32 to vector<16xi32>
        %add3A_579 = arith.addi %add3A_578, %iota3A : vector<16xi32>
        %lt3A = vector.broadcast %squeeze3A_515 : i32 to vector<16xi32>
        %lt3A_580 = arith.cmpi slt, %add3A_579, %lt3A : vector<16xi32>
        %gather3A_581 = tpu.vector_load_idx %arg10[%add3A_579] masked %lt3A_580 : memref<4096xi32, #tpu.memory_space<vmem>>[vector<16xi32>], vector<16xi32>, vector<16xi1>
        %gather3A_582 = tpu.vector_load_idx %arg8[%gather3A_581] masked %lt3A_580 : memref<4096xi32, #tpu.memory_space<vmem>>[vector<16xi32>], vector<16xi32>, vector<16xi1>
        %sub3A_583 = vector.broadcast %sub3A_572 : i32 to vector<16xi32>
        %sub3A_584 = arith.subi %gather3A_582, %sub3A_583 : vector<16xi32>
        %gather3A_585 = tpu.vector_load_idx %arg9[%gather3A_581] masked %lt3A_580 : memref<4096xi32, #tpu.memory_space<vmem>>[vector<16xi32>], vector<16xi32>, vector<16xi1>
        %mul3A_586 = arith.constant 1024 : i32
        %mul3A_587 = arith.muli %arg1, %mul3A_586 : i32
        %add3A_588 = arith.constant 1048576 : i32
        %add3A_589 = arith.addi %add3A_588, %mul3A_587 : i32
        %broadcast_in_dim3A_590 = vector.broadcast %add3A_589 : i32 to vector<16xi32>
        %select_n3A_591 = arith.select %lt3A_580, %sub3A_584, %broadcast_in_dim3A_590 : vector<16xi1>, vector<16xi32>
        %mul3A_592 = arith.constant 32768 : i32
        %mul3A_593 = arith.muli %arg1, %mul3A_592 : i32
        %broadcast_in_dim3A_594 = vector.broadcast %mul3A_593 : i32 to vector<16xi32>
        %select_n3A_595 = arith.select %lt3A_580, %gather3A_585, %broadcast_in_dim3A_594 : vector<16xi1>, vector<16xi32>
        %add3A_596 = arith.constant 0 : i32
        %add3A_597 = vector.broadcast %add3A_596 : i32 to vector<16xi32>
        %add3A_598 = arith.addi %add3A_597, %iota3A : vector<16xi32>
        tpu.vector_store_idx %arg13[%add3A_598], %select_n3A_591 : memref<128xi32, #tpu.memory_space<vmem>>[vector<16xi32>], vector<16xi32>,
        %add3A_599 = arith.constant 0 : i32
        %add3A_600 = vector.broadcast %add3A_599 : i32 to vector<16xi32>
        %add3A_601 = arith.addi %add3A_600, %iota3A : vector<16xi32>
        tpu.vector_store_idx %arg14[%add3A_601], %select_n3A_595 : memref<128xi32, #tpu.memory_space<vmem>>[vector<16xi32>], vector<16xi32>,
        %mul3A_602 = arith.constant 128 : i32
        %mul3A_603 = arith.muli %while3A_569, %mul3A_602 : i32
        %add3A_604 = arith.addi %squeeze3A_513, %mul3A_603 : i32
        %add3A_605 = arith.constant 16 : i32
        %add3A_606 = arith.addi %add3A_604, %add3A_605 : i32
        %add3A_607 = vector.broadcast %add3A_606 : i32 to vector<16xi32>
        %add3A_608 = arith.addi %add3A_607, %iota3A : vector<16xi32>
        %lt3A_609 = vector.broadcast %squeeze3A_515 : i32 to vector<16xi32>
        %lt3A_610 = arith.cmpi slt, %add3A_608, %lt3A_609 : vector<16xi32>
        %gather3A_611 = tpu.vector_load_idx %arg10[%add3A_608] masked %lt3A_610 : memref<4096xi32, #tpu.memory_space<vmem>>[vector<16xi32>], vector<16xi32>, vector<16xi1>
        %gather3A_612 = tpu.vector_load_idx %arg8[%gather3A_611] masked %lt3A_610 : memref<4096xi32, #tpu.memory_space<vmem>>[vector<16xi32>], vector<16xi32>, vector<16xi1>
        %sub3A_613 = vector.broadcast %sub3A_572 : i32 to vector<16xi32>
        %sub3A_614 = arith.subi %gather3A_612, %sub3A_613 : vector<16xi32>
        %gather3A_615 = tpu.vector_load_idx %arg9[%gather3A_611] masked %lt3A_610 : memref<4096xi32, #tpu.memory_space<vmem>>[vector<16xi32>], vector<16xi32>, vector<16xi1>
        %mul3A_616 = arith.constant 1024 : i32
        %mul3A_617 = arith.muli %arg1, %mul3A_616 : i32
        %add3A_618 = arith.constant 1048576 : i32
        %add3A_619 = arith.addi %add3A_618, %mul3A_617 : i32
        %broadcast_in_dim3A_620 = vector.broadcast %add3A_619 : i32 to vector<16xi32>
        %select_n3A_621 = arith.select %lt3A_610, %sub3A_614, %broadcast_in_dim3A_620 : vector<16xi1>, vector<16xi32>
        %mul3A_622 = arith.constant 32768 : i32
        %mul3A_623 = arith.muli %arg1, %mul3A_622 : i32
        %broadcast_in_dim3A_624 = vector.broadcast %mul3A_623 : i32 to vector<16xi32>
        %select_n3A_625 = arith.select %lt3A_610, %gather3A_615, %broadcast_in_dim3A_624 : vector<16xi1>, vector<16xi32>
        %add3A_626 = arith.constant 16 : i32
        %add3A_627 = vector.broadcast %add3A_626 : i32 to vector<16xi32>
        %add3A_628 = arith.addi %add3A_627, %iota3A : vector<16xi32>
        tpu.vector_store_idx %arg13[%add3A_628], %select_n3A_621 : memref<128xi32, #tpu.memory_space<vmem>>[vector<16xi32>], vector<16xi32>,
        %add3A_629 = arith.constant 16 : i32
        %add3A_630 = vector.broadcast %add3A_629 : i32 to vector<16xi32>
        %add3A_631 = arith.addi %add3A_630, %iota3A : vector<16xi32>
        tpu.vector_store_idx %arg14[%add3A_631], %select_n3A_625 : memref<128xi32, #tpu.memory_space<vmem>>[vector<16xi32>], vector<16xi32>,
        %mul3A_632 = arith.constant 128 : i32
        %mul3A_633 = arith.muli %while3A_569, %mul3A_632 : i32
        %add3A_634 = arith.addi %squeeze3A_513, %mul3A_633 : i32
        %add3A_635 = arith.constant 32 : i32
        %add3A_636 = arith.addi %add3A_634, %add3A_635 : i32
        %add3A_637 = vector.broadcast %add3A_636 : i32 to vector<16xi32>
        %add3A_638 = arith.addi %add3A_637, %iota3A : vector<16xi32>
        %lt3A_639 = vector.broadcast %squeeze3A_515 : i32 to vector<16xi32>
        %lt3A_640 = arith.cmpi slt, %add3A_638, %lt3A_639 : vector<16xi32>
        %gather3A_641 = tpu.vector_load_idx %arg10[%add3A_638] masked %lt3A_640 : memref<4096xi32, #tpu.memory_space<vmem>>[vector<16xi32>], vector<16xi32>, vector<16xi1>
        %gather3A_642 = tpu.vector_load_idx %arg8[%gather3A_641] masked %lt3A_640 : memref<4096xi32, #tpu.memory_space<vmem>>[vector<16xi32>], vector<16xi32>, vector<16xi1>
        %sub3A_643 = vector.broadcast %sub3A_572 : i32 to vector<16xi32>
        %sub3A_644 = arith.subi %gather3A_642, %sub3A_643 : vector<16xi32>
        %gather3A_645 = tpu.vector_load_idx %arg9[%gather3A_641] masked %lt3A_640 : memref<4096xi32, #tpu.memory_space<vmem>>[vector<16xi32>], vector<16xi32>, vector<16xi1>
        %mul3A_646 = arith.constant 1024 : i32
        %mul3A_647 = arith.muli %arg1, %mul3A_646 : i32
        %add3A_648 = arith.constant 1048576 : i32
        %add3A_649 = arith.addi %add3A_648, %mul3A_647 : i32
        %broadcast_in_dim3A_650 = vector.broadcast %add3A_649 : i32 to vector<16xi32>
        %select_n3A_651 = arith.select %lt3A_640, %sub3A_644, %broadcast_in_dim3A_650 : vector<16xi1>, vector<16xi32>
        %mul3A_652 = arith.constant 32768 : i32
        %mul3A_653 = arith.muli %arg1, %mul3A_652 : i32
        %broadcast_in_dim3A_654 = vector.broadcast %mul3A_653 : i32 to vector<16xi32>
        %select_n3A_655 = arith.select %lt3A_640, %gather3A_645, %broadcast_in_dim3A_654 : vector<16xi1>, vector<16xi32>
        %add3A_656 = arith.constant 32 : i32
        %add3A_657 = vector.broadcast %add3A_656 : i32 to vector<16xi32>
        %add3A_658 = arith.addi %add3A_657, %iota3A : vector<16xi32>
        tpu.vector_store_idx %arg13[%add3A_658], %select_n3A_651 : memref<128xi32, #tpu.memory_space<vmem>>[vector<16xi32>], vector<16xi32>,
        %add3A_659 = arith.constant 32 : i32
        %add3A_660 = vector.broadcast %add3A_659 : i32 to vector<16xi32>
        %add3A_661 = arith.addi %add3A_660, %iota3A : vector<16xi32>
        tpu.vector_store_idx %arg14[%add3A_661], %select_n3A_655 : memref<128xi32, #tpu.memory_space<vmem>>[vector<16xi32>], vector<16xi32>,
        %mul3A_662 = arith.constant 128 : i32
        %mul3A_663 = arith.muli %while3A_569, %mul3A_662 : i32
        %add3A_664 = arith.addi %squeeze3A_513, %mul3A_663 : i32
        %add3A_665 = arith.constant 48 : i32
        %add3A_666 = arith.addi %add3A_664, %add3A_665 : i32
        %add3A_667 = vector.broadcast %add3A_666 : i32 to vector<16xi32>
        %add3A_668 = arith.addi %add3A_667, %iota3A : vector<16xi32>
        %lt3A_669 = vector.broadcast %squeeze3A_515 : i32 to vector<16xi32>
        %lt3A_670 = arith.cmpi slt, %add3A_668, %lt3A_669 : vector<16xi32>
        %gather3A_671 = tpu.vector_load_idx %arg10[%add3A_668] masked %lt3A_670 : memref<4096xi32, #tpu.memory_space<vmem>>[vector<16xi32>], vector<16xi32>, vector<16xi1>
        %gather3A_672 = tpu.vector_load_idx %arg8[%gather3A_671] masked %lt3A_670 : memref<4096xi32, #tpu.memory_space<vmem>>[vector<16xi32>], vector<16xi32>, vector<16xi1>
        %sub3A_673 = vector.broadcast %sub3A_572 : i32 to vector<16xi32>
        %sub3A_674 = arith.subi %gather3A_672, %sub3A_673 : vector<16xi32>
        %gather3A_675 = tpu.vector_load_idx %arg9[%gather3A_671] masked %lt3A_670 : memref<4096xi32, #tpu.memory_space<vmem>>[vector<16xi32>], vector<16xi32>, vector<16xi1>
        %mul3A_676 = arith.constant 1024 : i32
        %mul3A_677 = arith.muli %arg1, %mul3A_676 : i32
        %add3A_678 = arith.constant 1048576 : i32
        %add3A_679 = arith.addi %add3A_678, %mul3A_677 : i32
        %broadcast_in_dim3A_680 = vector.broadcast %add3A_679 : i32 to vector<16xi32>
        %select_n3A_681 = arith.select %lt3A_670, %sub3A_674, %broadcast_in_dim3A_680 : vector<16xi1>, vector<16xi32>
        %mul3A_682 = arith.constant 32768 : i32
        %mul3A_683 = arith.muli %arg1, %mul3A_682 : i32
        %broadcast_in_dim3A_684 = vector.broadcast %mul3A_683 : i32 to vector<16xi32>
        %select_n3A_685 = arith.select %lt3A_670, %gather3A_675, %broadcast_in_dim3A_684 : vector<16xi1>, vector<16xi32>
        %add3A_686 = arith.constant 48 : i32
        %add3A_687 = vector.broadcast %add3A_686 : i32 to vector<16xi32>
        %add3A_688 = arith.addi %add3A_687, %iota3A : vector<16xi32>
        tpu.vector_store_idx %arg13[%add3A_688], %select_n3A_681 : memref<128xi32, #tpu.memory_space<vmem>>[vector<16xi32>], vector<16xi32>,
        %add3A_689 = arith.constant 48 : i32
        %add3A_690 = vector.broadcast %add3A_689 : i32 to vector<16xi32>
        %add3A_691 = arith.addi %add3A_690, %iota3A : vector<16xi32>
        tpu.vector_store_idx %arg14[%add3A_691], %select_n3A_685 : memref<128xi32, #tpu.memory_space<vmem>>[vector<16xi32>], vector<16xi32>,
        %mul3A_692 = arith.constant 128 : i32
        %mul3A_693 = arith.muli %while3A_569, %mul3A_692 : i32
        %add3A_694 = arith.addi %squeeze3A_513, %mul3A_693 : i32
        %add3A_695 = arith.constant 64 : i32
        %add3A_696 = arith.addi %add3A_694, %add3A_695 : i32
        %add3A_697 = vector.broadcast %add3A_696 : i32 to vector<16xi32>
        %add3A_698 = arith.addi %add3A_697, %iota3A : vector<16xi32>
        %lt3A_699 = vector.broadcast %squeeze3A_515 : i32 to vector<16xi32>
        %lt3A_700 = arith.cmpi slt, %add3A_698, %lt3A_699 : vector<16xi32>
        %gather3A_701 = tpu.vector_load_idx %arg10[%add3A_698] masked %lt3A_700 : memref<4096xi32, #tpu.memory_space<vmem>>[vector<16xi32>], vector<16xi32>, vector<16xi1>
        %gather3A_702 = tpu.vector_load_idx %arg8[%gather3A_701] masked %lt3A_700 : memref<4096xi32, #tpu.memory_space<vmem>>[vector<16xi32>], vector<16xi32>, vector<16xi1>
        %sub3A_703 = vector.broadcast %sub3A_572 : i32 to vector<16xi32>
        %sub3A_704 = arith.subi %gather3A_702, %sub3A_703 : vector<16xi32>
        %gather3A_705 = tpu.vector_load_idx %arg9[%gather3A_701] masked %lt3A_700 : memref<4096xi32, #tpu.memory_space<vmem>>[vector<16xi32>], vector<16xi32>, vector<16xi1>
        %mul3A_706 = arith.constant 1024 : i32
        %mul3A_707 = arith.muli %arg1, %mul3A_706 : i32
        %add3A_708 = arith.constant 1048576 : i32
        %add3A_709 = arith.addi %add3A_708, %mul3A_707 : i32
        %broadcast_in_dim3A_710 = vector.broadcast %add3A_709 : i32 to vector<16xi32>
        %select_n3A_711 = arith.select %lt3A_700, %sub3A_704, %broadcast_in_dim3A_710 : vector<16xi1>, vector<16xi32>
        %mul3A_712 = arith.constant 32768 : i32
        %mul3A_713 = arith.muli %arg1, %mul3A_712 : i32
        %broadcast_in_dim3A_714 = vector.broadcast %mul3A_713 : i32 to vector<16xi32>
        %select_n3A_715 = arith.select %lt3A_700, %gather3A_705, %broadcast_in_dim3A_714 : vector<16xi1>, vector<16xi32>
        %add3A_716 = arith.constant 64 : i32
        %add3A_717 = vector.broadcast %add3A_716 : i32 to vector<16xi32>
        %add3A_718 = arith.addi %add3A_717, %iota3A : vector<16xi32>
        tpu.vector_store_idx %arg13[%add3A_718], %select_n3A_711 : memref<128xi32, #tpu.memory_space<vmem>>[vector<16xi32>], vector<16xi32>,
        %add3A_719 = arith.constant 64 : i32
        %add3A_720 = vector.broadcast %add3A_719 : i32 to vector<16xi32>
        %add3A_721 = arith.addi %add3A_720, %iota3A : vector<16xi32>
        tpu.vector_store_idx %arg14[%add3A_721], %select_n3A_715 : memref<128xi32, #tpu.memory_space<vmem>>[vector<16xi32>], vector<16xi32>,
        %mul3A_722 = arith.constant 128 : i32
        %mul3A_723 = arith.muli %while3A_569, %mul3A_722 : i32
        %add3A_724 = arith.addi %squeeze3A_513, %mul3A_723 : i32
        %add3A_725 = arith.constant 80 : i32
        %add3A_726 = arith.addi %add3A_724, %add3A_725 : i32
        %add3A_727 = vector.broadcast %add3A_726 : i32 to vector<16xi32>
        %add3A_728 = arith.addi %add3A_727, %iota3A : vector<16xi32>
        %lt3A_729 = vector.broadcast %squeeze3A_515 : i32 to vector<16xi32>
        %lt3A_730 = arith.cmpi slt, %add3A_728, %lt3A_729 : vector<16xi32>
        %gather3A_731 = tpu.vector_load_idx %arg10[%add3A_728] masked %lt3A_730 : memref<4096xi32, #tpu.memory_space<vmem>>[vector<16xi32>], vector<16xi32>, vector<16xi1>
        %gather3A_732 = tpu.vector_load_idx %arg8[%gather3A_731] masked %lt3A_730 : memref<4096xi32, #tpu.memory_space<vmem>>[vector<16xi32>], vector<16xi32>, vector<16xi1>
        %sub3A_733 = vector.broadcast %sub3A_572 : i32 to vector<16xi32>
        %sub3A_734 = arith.subi %gather3A_732, %sub3A_733 : vector<16xi32>
        %gather3A_735 = tpu.vector_load_idx %arg9[%gather3A_731] masked %lt3A_730 : memref<4096xi32, #tpu.memory_space<vmem>>[vector<16xi32>], vector<16xi32>, vector<16xi1>
        %mul3A_736 = arith.constant 1024 : i32
        %mul3A_737 = arith.muli %arg1, %mul3A_736 : i32
        %add3A_738 = arith.constant 1048576 : i32
        %add3A_739 = arith.addi %add3A_738, %mul3A_737 : i32
        %broadcast_in_dim3A_740 = vector.broadcast %add3A_739 : i32 to vector<16xi32>
        %select_n3A_741 = arith.select %lt3A_730, %sub3A_734, %broadcast_in_dim3A_740 : vector<16xi1>, vector<16xi32>
        %mul3A_742 = arith.constant 32768 : i32
        %mul3A_743 = arith.muli %arg1, %mul3A_742 : i32
        %broadcast_in_dim3A_744 = vector.broadcast %mul3A_743 : i32 to vector<16xi32>
        %select_n3A_745 = arith.select %lt3A_730, %gather3A_735, %broadcast_in_dim3A_744 : vector<16xi1>, vector<16xi32>
        %add3A_746 = arith.constant 80 : i32
        %add3A_747 = vector.broadcast %add3A_746 : i32 to vector<16xi32>
        %add3A_748 = arith.addi %add3A_747, %iota3A : vector<16xi32>
        tpu.vector_store_idx %arg13[%add3A_748], %select_n3A_741 : memref<128xi32, #tpu.memory_space<vmem>>[vector<16xi32>], vector<16xi32>,
        %add3A_749 = arith.constant 80 : i32
        %add3A_750 = vector.broadcast %add3A_749 : i32 to vector<16xi32>
        %add3A_751 = arith.addi %add3A_750, %iota3A : vector<16xi32>
        tpu.vector_store_idx %arg14[%add3A_751], %select_n3A_745 : memref<128xi32, #tpu.memory_space<vmem>>[vector<16xi32>], vector<16xi32>,
        %mul3A_752 = arith.constant 128 : i32
        %mul3A_753 = arith.muli %while3A_569, %mul3A_752 : i32
        %add3A_754 = arith.addi %squeeze3A_513, %mul3A_753 : i32
        %add3A_755 = arith.constant 96 : i32
        %add3A_756 = arith.addi %add3A_754, %add3A_755 : i32
        %add3A_757 = vector.broadcast %add3A_756 : i32 to vector<16xi32>
        %add3A_758 = arith.addi %add3A_757, %iota3A : vector<16xi32>
        %lt3A_759 = vector.broadcast %squeeze3A_515 : i32 to vector<16xi32>
        %lt3A_760 = arith.cmpi slt, %add3A_758, %lt3A_759 : vector<16xi32>
        %gather3A_761 = tpu.vector_load_idx %arg10[%add3A_758] masked %lt3A_760 : memref<4096xi32, #tpu.memory_space<vmem>>[vector<16xi32>], vector<16xi32>, vector<16xi1>
        %gather3A_762 = tpu.vector_load_idx %arg8[%gather3A_761] masked %lt3A_760 : memref<4096xi32, #tpu.memory_space<vmem>>[vector<16xi32>], vector<16xi32>, vector<16xi1>
        %sub3A_763 = vector.broadcast %sub3A_572 : i32 to vector<16xi32>
        %sub3A_764 = arith.subi %gather3A_762, %sub3A_763 : vector<16xi32>
        %gather3A_765 = tpu.vector_load_idx %arg9[%gather3A_761] masked %lt3A_760 : memref<4096xi32, #tpu.memory_space<vmem>>[vector<16xi32>], vector<16xi32>, vector<16xi1>
        %mul3A_766 = arith.constant 1024 : i32
        %mul3A_767 = arith.muli %arg1, %mul3A_766 : i32
        %add3A_768 = arith.constant 1048576 : i32
        %add3A_769 = arith.addi %add3A_768, %mul3A_767 : i32
        %broadcast_in_dim3A_770 = vector.broadcast %add3A_769 : i32 to vector<16xi32>
        %select_n3A_771 = arith.select %lt3A_760, %sub3A_764, %broadcast_in_dim3A_770 : vector<16xi1>, vector<16xi32>
        %mul3A_772 = arith.constant 32768 : i32
        %mul3A_773 = arith.muli %arg1, %mul3A_772 : i32
        %broadcast_in_dim3A_774 = vector.broadcast %mul3A_773 : i32 to vector<16xi32>
        %select_n3A_775 = arith.select %lt3A_760, %gather3A_765, %broadcast_in_dim3A_774 : vector<16xi1>, vector<16xi32>
        %add3A_776 = arith.constant 96 : i32
        %add3A_777 = vector.broadcast %add3A_776 : i32 to vector<16xi32>
        %add3A_778 = arith.addi %add3A_777, %iota3A : vector<16xi32>
        tpu.vector_store_idx %arg13[%add3A_778], %select_n3A_771 : memref<128xi32, #tpu.memory_space<vmem>>[vector<16xi32>], vector<16xi32>,
        %add3A_779 = arith.constant 96 : i32
        %add3A_780 = vector.broadcast %add3A_779 : i32 to vector<16xi32>
        %add3A_781 = arith.addi %add3A_780, %iota3A : vector<16xi32>
        tpu.vector_store_idx %arg14[%add3A_781], %select_n3A_775 : memref<128xi32, #tpu.memory_space<vmem>>[vector<16xi32>], vector<16xi32>,
        %mul3A_782 = arith.constant 128 : i32
        %mul3A_783 = arith.muli %while3A_569, %mul3A_782 : i32
        %add3A_784 = arith.addi %squeeze3A_513, %mul3A_783 : i32
        %add3A_785 = arith.constant 112 : i32
        %add3A_786 = arith.addi %add3A_784, %add3A_785 : i32
        %add3A_787 = vector.broadcast %add3A_786 : i32 to vector<16xi32>
        %add3A_788 = arith.addi %add3A_787, %iota3A : vector<16xi32>
        %lt3A_789 = vector.broadcast %squeeze3A_515 : i32 to vector<16xi32>
        %lt3A_790 = arith.cmpi slt, %add3A_788, %lt3A_789 : vector<16xi32>
        %gather3A_791 = tpu.vector_load_idx %arg10[%add3A_788] masked %lt3A_790 : memref<4096xi32, #tpu.memory_space<vmem>>[vector<16xi32>], vector<16xi32>, vector<16xi1>
        %gather3A_792 = tpu.vector_load_idx %arg8[%gather3A_791] masked %lt3A_790 : memref<4096xi32, #tpu.memory_space<vmem>>[vector<16xi32>], vector<16xi32>, vector<16xi1>
        %sub3A_793 = vector.broadcast %sub3A_572 : i32 to vector<16xi32>
        %sub3A_794 = arith.subi %gather3A_792, %sub3A_793 : vector<16xi32>
        %gather3A_795 = tpu.vector_load_idx %arg9[%gather3A_791] masked %lt3A_790 : memref<4096xi32, #tpu.memory_space<vmem>>[vector<16xi32>], vector<16xi32>, vector<16xi1>
        %mul3A_796 = arith.constant 1024 : i32
        %mul3A_797 = arith.muli %arg1, %mul3A_796 : i32
        %add3A_798 = arith.constant 1048576 : i32
        %add3A_799 = arith.addi %add3A_798, %mul3A_797 : i32
        %broadcast_in_dim3A_800 = vector.broadcast %add3A_799 : i32 to vector<16xi32>
        %select_n3A_801 = arith.select %lt3A_790, %sub3A_794, %broadcast_in_dim3A_800 : vector<16xi1>, vector<16xi32>
        %mul3A_802 = arith.constant 32768 : i32
        %mul3A_803 = arith.muli %arg1, %mul3A_802 : i32
        %broadcast_in_dim3A_804 = vector.broadcast %mul3A_803 : i32 to vector<16xi32>
        %select_n3A_805 = arith.select %lt3A_790, %gather3A_795, %broadcast_in_dim3A_804 : vector<16xi1>, vector<16xi32>
        %add3A_806 = arith.constant 112 : i32
        %add3A_807 = vector.broadcast %add3A_806 : i32 to vector<16xi32>
        %add3A_808 = arith.addi %add3A_807, %iota3A : vector<16xi32>
        tpu.vector_store_idx %arg13[%add3A_808], %select_n3A_801 : memref<128xi32, #tpu.memory_space<vmem>>[vector<16xi32>], vector<16xi32>,
        %add3A_809 = arith.constant 112 : i32
        %add3A_810 = vector.broadcast %add3A_809 : i32 to vector<16xi32>
        %add3A_811 = arith.addi %add3A_810, %iota3A : vector<16xi32>
        tpu.vector_store_idx %arg14[%add3A_811], %select_n3A_805 : memref<128xi32, #tpu.memory_space<vmem>>[vector<16xi32>], vector<16xi32>,
        %dma_start3A_812 = arith.constant 0 : i32
        %dma_start3A_813 = tpu.memref_slice %arg16[%dma_start3A_812] : memref<8192xf32, #tpu.memory_space<vmem>> -> memref<128xf32, #tpu.memory_space<vmem>>
        %dma_start3A_814 = arith.constant 0 : i32
        %dma_start3A_815 = tpu.memref_slice %arg17[%dma_start3A_814] : memref<1064960xf32, #tpu.memory_space<vmem_shared>> -> memref<1064064xf32, #tpu.memory_space<vmem_shared>>
        %dma_start3A_816 = arith.constant 0 : i32
        %dma_start3A_817 = tpu.memref_slice %dma_start3A_815[%dma_start3A_816] : memref<1064064xf32, #tpu.memory_space<vmem_shared>> -> memref<1064064xf32, #tpu.memory_space<vmem_shared>>
        tpu.enqueue_indirect_dma source(%dma_start3A_813 : memref<128xf32, #tpu.memory_space<vmem>>) target(%dma_start3A_817 : memref<1064064xf32, #tpu.memory_space<vmem_shared>>) offsets(%arg13 : memref<128xi32, #tpu.memory_space<vmem>>) semaphore(%arg20 : memref<!tpu.dma_semaphore, #tpu.memory_space<semaphore_mem>>)
        %dma_start3A_818 = arith.constant 0 : i32
        %dma_start3A_819 = tpu.memref_slice %arg16[%dma_start3A_818] : memref<8192xf32, #tpu.memory_space<vmem>> -> memref<128xf32, #tpu.memory_space<vmem>>
        %dma_start3A_820 = arith.constant 128 : i32
        %dma_start3A_821 = tpu.memref_slice %arg17[%dma_start3A_820] : memref<1064960xf32, #tpu.memory_space<vmem_shared>> -> memref<1064064xf32, #tpu.memory_space<vmem_shared>>
        %dma_start3A_822 = arith.constant 0 : i32
        %dma_start3A_823 = tpu.memref_slice %dma_start3A_821[%dma_start3A_822] : memref<1064064xf32, #tpu.memory_space<vmem_shared>> -> memref<1064064xf32, #tpu.memory_space<vmem_shared>>
        tpu.enqueue_indirect_dma source(%dma_start3A_819 : memref<128xf32, #tpu.memory_space<vmem>>) target(%dma_start3A_823 : memref<1064064xf32, #tpu.memory_space<vmem_shared>>) offsets(%arg13 : memref<128xi32, #tpu.memory_space<vmem>>) semaphore(%arg20 : memref<!tpu.dma_semaphore, #tpu.memory_space<semaphore_mem>>)
        %dma_start3A_824 = arith.constant 0 : i32
        %dma_start3A_825 = tpu.memref_slice %arg16[%dma_start3A_824] : memref<8192xf32, #tpu.memory_space<vmem>> -> memref<128xf32, #tpu.memory_space<vmem>>
        %dma_start3A_826 = arith.constant 256 : i32
        %dma_start3A_827 = tpu.memref_slice %arg17[%dma_start3A_826] : memref<1064960xf32, #tpu.memory_space<vmem_shared>> -> memref<1064064xf32, #tpu.memory_space<vmem_shared>>
        %dma_start3A_828 = arith.constant 0 : i32
        %dma_start3A_829 = tpu.memref_slice %dma_start3A_827[%dma_start3A_828] : memref<1064064xf32, #tpu.memory_space<vmem_shared>> -> memref<1064064xf32, #tpu.memory_space<vmem_shared>>
        tpu.enqueue_indirect_dma source(%dma_start3A_825 : memref<128xf32, #tpu.memory_space<vmem>>) target(%dma_start3A_829 : memref<1064064xf32, #tpu.memory_space<vmem_shared>>) offsets(%arg13 : memref<128xi32, #tpu.memory_space<vmem>>) semaphore(%arg20 : memref<!tpu.dma_semaphore, #tpu.memory_space<semaphore_mem>>)
        %dma_start3A_830 = arith.constant 0 : i32
        %dma_start3A_831 = tpu.memref_slice %arg16[%dma_start3A_830] : memref<8192xf32, #tpu.memory_space<vmem>> -> memref<128xf32, #tpu.memory_space<vmem>>
        %dma_start3A_832 = arith.constant 384 : i32
        %dma_start3A_833 = tpu.memref_slice %arg17[%dma_start3A_832] : memref<1064960xf32, #tpu.memory_space<vmem_shared>> -> memref<1064064xf32, #tpu.memory_space<vmem_shared>>
        %dma_start3A_834 = arith.constant 0 : i32
        %dma_start3A_835 = tpu.memref_slice %dma_start3A_833[%dma_start3A_834] : memref<1064064xf32, #tpu.memory_space<vmem_shared>> -> memref<1064064xf32, #tpu.memory_space<vmem_shared>>
        tpu.enqueue_indirect_dma source(%dma_start3A_831 : memref<128xf32, #tpu.memory_space<vmem>>) target(%dma_start3A_835 : memref<1064064xf32, #tpu.memory_space<vmem_shared>>) offsets(%arg13 : memref<128xi32, #tpu.memory_space<vmem>>) semaphore(%arg20 : memref<!tpu.dma_semaphore, #tpu.memory_space<semaphore_mem>>)
        %dma_start3A_836 = arith.constant 0 : i32
        %dma_start3A_837 = tpu.memref_slice %arg16[%dma_start3A_836] : memref<8192xf32, #tpu.memory_space<vmem>> -> memref<128xf32, #tpu.memory_space<vmem>>
        %dma_start3A_838 = arith.constant 512 : i32
        %dma_start3A_839 = tpu.memref_slice %arg17[%dma_start3A_838] : memref<1064960xf32, #tpu.memory_space<vmem_shared>> -> memref<1064064xf32, #tpu.memory_space<vmem_shared>>
        %dma_start3A_840 = arith.constant 0 : i32
        %dma_start3A_841 = tpu.memref_slice %dma_start3A_839[%dma_start3A_840] : memref<1064064xf32, #tpu.memory_space<vmem_shared>> -> memref<1064064xf32, #tpu.memory_space<vmem_shared>>
        tpu.enqueue_indirect_dma source(%dma_start3A_837 : memref<128xf32, #tpu.memory_space<vmem>>) target(%dma_start3A_841 : memref<1064064xf32, #tpu.memory_space<vmem_shared>>) offsets(%arg13 : memref<128xi32, #tpu.memory_space<vmem>>) semaphore(%arg20 : memref<!tpu.dma_semaphore, #tpu.memory_space<semaphore_mem>>)
        %dma_start3A_842 = arith.constant 0 : i32
        %dma_start3A_843 = tpu.memref_slice %arg16[%dma_start3A_842] : memref<8192xf32, #tpu.memory_space<vmem>> -> memref<128xf32, #tpu.memory_space<vmem>>
        %dma_start3A_844 = arith.constant 640 : i32
        %dma_start3A_845 = tpu.memref_slice %arg17[%dma_start3A_844] : memref<1064960xf32, #tpu.memory_space<vmem_shared>> -> memref<1064064xf32, #tpu.memory_space<vmem_shared>>
        %dma_start3A_846 = arith.constant 0 : i32
        %dma_start3A_847 = tpu.memref_slice %dma_start3A_845[%dma_start3A_846] : memref<1064064xf32, #tpu.memory_space<vmem_shared>> -> memref<1064064xf32, #tpu.memory_space<vmem_shared>>
        tpu.enqueue_indirect_dma source(%dma_start3A_843 : memref<128xf32, #tpu.memory_space<vmem>>) target(%dma_start3A_847 : memref<1064064xf32, #tpu.memory_space<vmem_shared>>) offsets(%arg13 : memref<128xi32, #tpu.memory_space<vmem>>) semaphore(%arg20 : memref<!tpu.dma_semaphore, #tpu.memory_space<semaphore_mem>>)
        %dma_start3A_848 = arith.constant 0 : i32
        %dma_start3A_849 = tpu.memref_slice %arg16[%dma_start3A_848] : memref<8192xf32, #tpu.memory_space<vmem>> -> memref<128xf32, #tpu.memory_space<vmem>>
        %dma_start3A_850 = arith.constant 768 : i32
        %dma_start3A_851 = tpu.memref_slice %arg17[%dma_start3A_850] : memref<1064960xf32, #tpu.memory_space<vmem_shared>> -> memref<1064064xf32, #tpu.memory_space<vmem_shared>>
        %dma_start3A_852 = arith.constant 0 : i32
        %dma_start3A_853 = tpu.memref_slice %dma_start3A_851[%dma_start3A_852] : memref<1064064xf32, #tpu.memory_space<vmem_shared>> -> memref<1064064xf32, #tpu.memory_space<vmem_shared>>
        tpu.enqueue_indirect_dma source(%dma_start3A_849 : memref<128xf32, #tpu.memory_space<vmem>>) target(%dma_start3A_853 : memref<1064064xf32, #tpu.memory_space<vmem_shared>>) offsets(%arg13 : memref<128xi32, #tpu.memory_space<vmem>>) semaphore(%arg20 : memref<!tpu.dma_semaphore, #tpu.memory_space<semaphore_mem>>)
        %dma_start3A_854 = arith.constant 0 : i32
        %dma_start3A_855 = tpu.memref_slice %arg16[%dma_start3A_854] : memref<8192xf32, #tpu.memory_space<vmem>> -> memref<128xf32, #tpu.memory_space<vmem>>
        %dma_start3A_856 = arith.constant 896 : i32
        %dma_start3A_857 = tpu.memref_slice %arg17[%dma_start3A_856] : memref<1064960xf32, #tpu.memory_space<vmem_shared>> -> memref<1064064xf32, #tpu.memory_space<vmem_shared>>
        %dma_start3A_858 = arith.constant 0 : i32
        %dma_start3A_859 = tpu.memref_slice %dma_start3A_857[%dma_start3A_858] : memref<1064064xf32, #tpu.memory_space<vmem_shared>> -> memref<1064064xf32, #tpu.memory_space<vmem_shared>>
        tpu.enqueue_indirect_dma source(%dma_start3A_855 : memref<128xf32, #tpu.memory_space<vmem>>) target(%dma_start3A_859 : memref<1064064xf32, #tpu.memory_space<vmem_shared>>) offsets(%arg13 : memref<128xi32, #tpu.memory_space<vmem>>) semaphore(%arg20 : memref<!tpu.dma_semaphore, #tpu.memory_space<semaphore_mem>>)
        %dma_wait3A_860 = arith.constant 0 : i32
        %dma_wait3A_861 = tpu.memref_slice %arg16[%dma_wait3A_860] : memref<8192xf32, #tpu.memory_space<vmem>> -> memref<128xf32, #tpu.memory_space<vmem>>
        %dma_wait3A_862 = arith.constant 0 : i32
        %dma_wait3A_863 = tpu.memref_slice %arg17[%dma_wait3A_862] : memref<1064960xf32, #tpu.memory_space<vmem_shared>> -> memref<1064064xf32, #tpu.memory_space<vmem_shared>>
        %dma_wait3A_864 = arith.constant 0 : i32
        %dma_wait3A_865 = tpu.memref_slice %dma_wait3A_863[%dma_wait3A_864] : memref<1064064xf32, #tpu.memory_space<vmem_shared>> -> memref<1064064xf32, #tpu.memory_space<vmem_shared>>
        tpu.wait_indirect_dma semaphore(%arg20 : memref<!tpu.dma_semaphore, #tpu.memory_space<semaphore_mem>>) src(%dma_wait3A_861 : memref<128xf32, #tpu.memory_space<vmem>>) dst(%dma_wait3A_865 : memref<1064064xf32, #tpu.memory_space<vmem_shared>>)
        %dma_wait3A_866 = arith.constant 0 : i32
        %dma_wait3A_867 = tpu.memref_slice %arg16[%dma_wait3A_866] : memref<8192xf32, #tpu.memory_space<vmem>> -> memref<128xf32, #tpu.memory_space<vmem>>
        %dma_wait3A_868 = arith.constant 128 : i32
        %dma_wait3A_869 = tpu.memref_slice %arg17[%dma_wait3A_868] : memref<1064960xf32, #tpu.memory_space<vmem_shared>> -> memref<1064064xf32, #tpu.memory_space<vmem_shared>>
        %dma_wait3A_870 = arith.constant 0 : i32
        %dma_wait3A_871 = tpu.memref_slice %dma_wait3A_869[%dma_wait3A_870] : memref<1064064xf32, #tpu.memory_space<vmem_shared>> -> memref<1064064xf32, #tpu.memory_space<vmem_shared>>
        tpu.wait_indirect_dma semaphore(%arg20 : memref<!tpu.dma_semaphore, #tpu.memory_space<semaphore_mem>>) src(%dma_wait3A_867 : memref<128xf32, #tpu.memory_space<vmem>>) dst(%dma_wait3A_871 : memref<1064064xf32, #tpu.memory_space<vmem_shared>>)
        %dma_wait3A_872 = arith.constant 0 : i32
        %dma_wait3A_873 = tpu.memref_slice %arg16[%dma_wait3A_872] : memref<8192xf32, #tpu.memory_space<vmem>> -> memref<128xf32, #tpu.memory_space<vmem>>
        %dma_wait3A_874 = arith.constant 256 : i32
        %dma_wait3A_875 = tpu.memref_slice %arg17[%dma_wait3A_874] : memref<1064960xf32, #tpu.memory_space<vmem_shared>> -> memref<1064064xf32, #tpu.memory_space<vmem_shared>>
        %dma_wait3A_876 = arith.constant 0 : i32
        %dma_wait3A_877 = tpu.memref_slice %dma_wait3A_875[%dma_wait3A_876] : memref<1064064xf32, #tpu.memory_space<vmem_shared>> -> memref<1064064xf32, #tpu.memory_space<vmem_shared>>
        tpu.wait_indirect_dma semaphore(%arg20 : memref<!tpu.dma_semaphore, #tpu.memory_space<semaphore_mem>>) src(%dma_wait3A_873 : memref<128xf32, #tpu.memory_space<vmem>>) dst(%dma_wait3A_877 : memref<1064064xf32, #tpu.memory_space<vmem_shared>>)
        %dma_wait3A_878 = arith.constant 0 : i32
        %dma_wait3A_879 = tpu.memref_slice %arg16[%dma_wait3A_878] : memref<8192xf32, #tpu.memory_space<vmem>> -> memref<128xf32, #tpu.memory_space<vmem>>
        %dma_wait3A_880 = arith.constant 384 : i32
        %dma_wait3A_881 = tpu.memref_slice %arg17[%dma_wait3A_880] : memref<1064960xf32, #tpu.memory_space<vmem_shared>> -> memref<1064064xf32, #tpu.memory_space<vmem_shared>>
        %dma_wait3A_882 = arith.constant 0 : i32
        %dma_wait3A_883 = tpu.memref_slice %dma_wait3A_881[%dma_wait3A_882] : memref<1064064xf32, #tpu.memory_space<vmem_shared>> -> memref<1064064xf32, #tpu.memory_space<vmem_shared>>
        tpu.wait_indirect_dma semaphore(%arg20 : memref<!tpu.dma_semaphore, #tpu.memory_space<semaphore_mem>>) src(%dma_wait3A_879 : memref<128xf32, #tpu.memory_space<vmem>>) dst(%dma_wait3A_883 : memref<1064064xf32, #tpu.memory_space<vmem_shared>>)
        %dma_wait3A_884 = arith.constant 0 : i32
        %dma_wait3A_885 = tpu.memref_slice %arg16[%dma_wait3A_884] : memref<8192xf32, #tpu.memory_space<vmem>> -> memref<128xf32, #tpu.memory_space<vmem>>
        %dma_wait3A_886 = arith.constant 512 : i32
        %dma_wait3A_887 = tpu.memref_slice %arg17[%dma_wait3A_886] : memref<1064960xf32, #tpu.memory_space<vmem_shared>> -> memref<1064064xf32, #tpu.memory_space<vmem_shared>>
        %dma_wait3A_888 = arith.constant 0 : i32
        %dma_wait3A_889 = tpu.memref_slice %dma_wait3A_887[%dma_wait3A_888] : memref<1064064xf32, #tpu.memory_space<vmem_shared>> -> memref<1064064xf32, #tpu.memory_space<vmem_shared>>
        tpu.wait_indirect_dma semaphore(%arg20 : memref<!tpu.dma_semaphore, #tpu.memory_space<semaphore_mem>>) src(%dma_wait3A_885 : memref<128xf32, #tpu.memory_space<vmem>>) dst(%dma_wait3A_889 : memref<1064064xf32, #tpu.memory_space<vmem_shared>>)
        %dma_wait3A_890 = arith.constant 0 : i32
        %dma_wait3A_891 = tpu.memref_slice %arg16[%dma_wait3A_890] : memref<8192xf32, #tpu.memory_space<vmem>> -> memref<128xf32, #tpu.memory_space<vmem>>
        %dma_wait3A_892 = arith.constant 640 : i32
        %dma_wait3A_893 = tpu.memref_slice %arg17[%dma_wait3A_892] : memref<1064960xf32, #tpu.memory_space<vmem_shared>> -> memref<1064064xf32, #tpu.memory_space<vmem_shared>>
        %dma_wait3A_894 = arith.constant 0 : i32
        %dma_wait3A_895 = tpu.memref_slice %dma_wait3A_893[%dma_wait3A_894] : memref<1064064xf32, #tpu.memory_space<vmem_shared>> -> memref<1064064xf32, #tpu.memory_space<vmem_shared>>
        tpu.wait_indirect_dma semaphore(%arg20 : memref<!tpu.dma_semaphore, #tpu.memory_space<semaphore_mem>>) src(%dma_wait3A_891 : memref<128xf32, #tpu.memory_space<vmem>>) dst(%dma_wait3A_895 : memref<1064064xf32, #tpu.memory_space<vmem_shared>>)
        %dma_wait3A_896 = arith.constant 0 : i32
        %dma_wait3A_897 = tpu.memref_slice %arg16[%dma_wait3A_896] : memref<8192xf32, #tpu.memory_space<vmem>> -> memref<128xf32, #tpu.memory_space<vmem>>
        %dma_wait3A_898 = arith.constant 768 : i32
        %dma_wait3A_899 = tpu.memref_slice %arg17[%dma_wait3A_898] : memref<1064960xf32, #tpu.memory_space<vmem_shared>> -> memref<1064064xf32, #tpu.memory_space<vmem_shared>>
        %dma_wait3A_900 = arith.constant 0 : i32
        %dma_wait3A_901 = tpu.memref_slice %dma_wait3A_899[%dma_wait3A_900] : memref<1064064xf32, #tpu.memory_space<vmem_shared>> -> memref<1064064xf32, #tpu.memory_space<vmem_shared>>
        tpu.wait_indirect_dma semaphore(%arg20 : memref<!tpu.dma_semaphore, #tpu.memory_space<semaphore_mem>>) src(%dma_wait3A_897 : memref<128xf32, #tpu.memory_space<vmem>>) dst(%dma_wait3A_901 : memref<1064064xf32, #tpu.memory_space<vmem_shared>>)
        %dma_wait3A_902 = arith.constant 0 : i32
        %dma_wait3A_903 = tpu.memref_slice %arg16[%dma_wait3A_902] : memref<8192xf32, #tpu.memory_space<vmem>> -> memref<128xf32, #tpu.memory_space<vmem>>
        %dma_wait3A_904 = arith.constant 896 : i32
        %dma_wait3A_905 = tpu.memref_slice %arg17[%dma_wait3A_904] : memref<1064960xf32, #tpu.memory_space<vmem_shared>> -> memref<1064064xf32, #tpu.memory_space<vmem_shared>>
        %dma_wait3A_906 = arith.constant 0 : i32
        %dma_wait3A_907 = tpu.memref_slice %dma_wait3A_905[%dma_wait3A_906] : memref<1064064xf32, #tpu.memory_space<vmem_shared>> -> memref<1064064xf32, #tpu.memory_space<vmem_shared>>
        tpu.wait_indirect_dma semaphore(%arg20 : memref<!tpu.dma_semaphore, #tpu.memory_space<semaphore_mem>>) src(%dma_wait3A_903 : memref<128xf32, #tpu.memory_space<vmem>>) dst(%dma_wait3A_907 : memref<1064064xf32, #tpu.memory_space<vmem_shared>>)
        %while3A_908 = arith.constant 0 : i32
        scf.yield %while3A_908 : i32
      }
      %barrier3A_540 = arith.constant 0 : index
      tpu.barrier barrier_id(%barrier3A_540)
      %sub3A_541 = arith.subi %squeeze3A_499, %squeeze3A_497 : i32
      %add3A_542 = arith.constant 128 : i32
      %add3A_543 = arith.addi %sub3A_541, %add3A_542 : i32
      %sub3A_544 = arith.constant 1 : i32
      %sub3A_545 = arith.subi %add3A_543, %sub3A_544 : i32
      %shift_right_arithmetic3A_546 = arith.constant 7 : i32
      %shift_right_arithmetic3A_547 = arith.shrsi %sub3A_545, %shift_right_arithmetic3A_546 : i32
      %while3A_548 = arith.constant 0 : i32
      %while3A_549 = arith.constant 0 : i32
      %while3A_550 = arith.subi %shift_right_arithmetic3A_547, %while3A_548 : i32
      %while3A_551 = arith.addi %while3A_548, %while3A_550 : i32
      %while3A_552 = arith.constant 1 : i32
      %while3A_553 = arith.divsi %while3A_550, %while3A_552 : i32
      %while3A_554 = arith.muli %while3A_553, %while3A_552 : i32
      %while3A_555 = arith.addi %while3A_548, %while3A_554 : i32
      %while3A_556 = arith.constant 1 : i32
      %while3A_557 = scf.for %while3A_569 = %while3A_548 to %while3A_555 step %while3A_556 iter_args(%while3A_570 = %while3A_549) -> (i32)  : i32 {
        %mul3A_571 = arith.constant 128 : i32
        %mul3A_572 = arith.muli %while3A_569, %mul3A_571 : i32
        %add3A_573 = arith.addi %squeeze3A_497, %mul3A_572 : i32
        %add3A_574 = arith.constant 0 : i32
        %add3A_575 = arith.addi %add3A_573, %add3A_574 : i32
        %add3A_576 = vector.broadcast %add3A_575 : i32 to vector<16xi32>
        %add3A_577 = arith.addi %add3A_576, %iota3A : vector<16xi32>
        %lt3A = vector.broadcast %squeeze3A_499 : i32 to vector<16xi32>
        %lt3A_578 = arith.cmpi slt, %add3A_577, %lt3A : vector<16xi32>
        %gather3A_579 = tpu.vector_load_idx %arg10[%add3A_577] masked %lt3A_578 : memref<4096xi32, #tpu.memory_space<vmem>>[vector<16xi32>], vector<16xi32>, vector<16xi1>
        %gather3A_580 = tpu.vector_load_idx %arg8[%gather3A_579] masked %lt3A_578 : memref<4096xi32, #tpu.memory_space<vmem>>[vector<16xi32>], vector<16xi32>, vector<16xi1>
        %sub3A_581 = vector.broadcast %add3A_486 : i32 to vector<16xi32>
        %sub3A_582 = arith.subi %gather3A_580, %sub3A_581 : vector<16xi32>
        %gather3A_583 = tpu.vector_load_idx %arg9[%gather3A_579] masked %lt3A_578 : memref<4096xi32, #tpu.memory_space<vmem>>[vector<16xi32>], vector<16xi32>, vector<16xi1>
        %mul3A_584 = arith.constant 1024 : i32
        %mul3A_585 = arith.muli %arg1, %mul3A_584 : i32
        %add3A_586 = arith.constant 1048576 : i32
        %add3A_587 = arith.addi %add3A_586, %mul3A_585 : i32
        %broadcast_in_dim3A_588 = vector.broadcast %add3A_587 : i32 to vector<16xi32>
        %select_n3A_589 = arith.select %lt3A_578, %sub3A_582, %broadcast_in_dim3A_588 : vector<16xi1>, vector<16xi32>
        %mul3A_590 = arith.constant 32768 : i32
        %mul3A_591 = arith.muli %arg1, %mul3A_590 : i32
        %broadcast_in_dim3A_592 = vector.broadcast %mul3A_591 : i32 to vector<16xi32>
        %select_n3A_593 = arith.select %lt3A_578, %gather3A_583, %broadcast_in_dim3A_592 : vector<16xi1>, vector<16xi32>
        %add3A_594 = arith.constant 0 : i32
        %add3A_595 = vector.broadcast %add3A_594 : i32 to vector<16xi32>
        %add3A_596 = arith.addi %add3A_595, %iota3A : vector<16xi32>
        tpu.vector_store_idx %arg13[%add3A_596], %select_n3A_589 : memref<128xi32, #tpu.memory_space<vmem>>[vector<16xi32>], vector<16xi32>,
        %add3A_597 = arith.constant 0 : i32
        %add3A_598 = vector.broadcast %add3A_597 : i32 to vector<16xi32>
        %add3A_599 = arith.addi %add3A_598, %iota3A : vector<16xi32>
        tpu.vector_store_idx %arg14[%add3A_599], %select_n3A_593 : memref<128xi32, #tpu.memory_space<vmem>>[vector<16xi32>], vector<16xi32>,
        %mul3A_600 = arith.constant 128 : i32
        %mul3A_601 = arith.muli %while3A_569, %mul3A_600 : i32
        %add3A_602 = arith.addi %squeeze3A_497, %mul3A_601 : i32
        %add3A_603 = arith.constant 16 : i32
        %add3A_604 = arith.addi %add3A_602, %add3A_603 : i32
        %add3A_605 = vector.broadcast %add3A_604 : i32 to vector<16xi32>
        %add3A_606 = arith.addi %add3A_605, %iota3A : vector<16xi32>
        %lt3A_607 = vector.broadcast %squeeze3A_499 : i32 to vector<16xi32>
        %lt3A_608 = arith.cmpi slt, %add3A_606, %lt3A_607 : vector<16xi32>
        %gather3A_609 = tpu.vector_load_idx %arg10[%add3A_606] masked %lt3A_608 : memref<4096xi32, #tpu.memory_space<vmem>>[vector<16xi32>], vector<16xi32>, vector<16xi1>
        %gather3A_610 = tpu.vector_load_idx %arg8[%gather3A_609] masked %lt3A_608 : memref<4096xi32, #tpu.memory_space<vmem>>[vector<16xi32>], vector<16xi32>, vector<16xi1>
        %sub3A_611 = vector.broadcast %add3A_486 : i32 to vector<16xi32>
        %sub3A_612 = arith.subi %gather3A_610, %sub3A_611 : vector<16xi32>
        %gather3A_613 = tpu.vector_load_idx %arg9[%gather3A_609] masked %lt3A_608 : memref<4096xi32, #tpu.memory_space<vmem>>[vector<16xi32>], vector<16xi32>, vector<16xi1>
        %mul3A_614 = arith.constant 1024 : i32
        %mul3A_615 = arith.muli %arg1, %mul3A_614 : i32
        %add3A_616 = arith.constant 1048576 : i32
        %add3A_617 = arith.addi %add3A_616, %mul3A_615 : i32
        %broadcast_in_dim3A_618 = vector.broadcast %add3A_617 : i32 to vector<16xi32>
        %select_n3A_619 = arith.select %lt3A_608, %sub3A_612, %broadcast_in_dim3A_618 : vector<16xi1>, vector<16xi32>
        %mul3A_620 = arith.constant 32768 : i32
        %mul3A_621 = arith.muli %arg1, %mul3A_620 : i32
        %broadcast_in_dim3A_622 = vector.broadcast %mul3A_621 : i32 to vector<16xi32>
        %select_n3A_623 = arith.select %lt3A_608, %gather3A_613, %broadcast_in_dim3A_622 : vector<16xi1>, vector<16xi32>
        %add3A_624 = arith.constant 16 : i32
        %add3A_625 = vector.broadcast %add3A_624 : i32 to vector<16xi32>
        %add3A_626 = arith.addi %add3A_625, %iota3A : vector<16xi32>
        tpu.vector_store_idx %arg13[%add3A_626], %select_n3A_619 : memref<128xi32, #tpu.memory_space<vmem>>[vector<16xi32>], vector<16xi32>,
        %add3A_627 = arith.constant 16 : i32
        %add3A_628 = vector.broadcast %add3A_627 : i32 to vector<16xi32>
        %add3A_629 = arith.addi %add3A_628, %iota3A : vector<16xi32>
        tpu.vector_store_idx %arg14[%add3A_629], %select_n3A_623 : memref<128xi32, #tpu.memory_space<vmem>>[vector<16xi32>], vector<16xi32>,
        %mul3A_630 = arith.constant 128 : i32
        %mul3A_631 = arith.muli %while3A_569, %mul3A_630 : i32
        %add3A_632 = arith.addi %squeeze3A_497, %mul3A_631 : i32
        %add3A_633 = arith.constant 32 : i32
        %add3A_634 = arith.addi %add3A_632, %add3A_633 : i32
        %add3A_635 = vector.broadcast %add3A_634 : i32 to vector<16xi32>
        %add3A_636 = arith.addi %add3A_635, %iota3A : vector<16xi32>
        %lt3A_637 = vector.broadcast %squeeze3A_499 : i32 to vector<16xi32>
        %lt3A_638 = arith.cmpi slt, %add3A_636, %lt3A_637 : vector<16xi32>
        %gather3A_639 = tpu.vector_load_idx %arg10[%add3A_636] masked %lt3A_638 : memref<4096xi32, #tpu.memory_space<vmem>>[vector<16xi32>], vector<16xi32>, vector<16xi1>
        %gather3A_640 = tpu.vector_load_idx %arg8[%gather3A_639] masked %lt3A_638 : memref<4096xi32, #tpu.memory_space<vmem>>[vector<16xi32>], vector<16xi32>, vector<16xi1>
        %sub3A_641 = vector.broadcast %add3A_486 : i32 to vector<16xi32>
        %sub3A_642 = arith.subi %gather3A_640, %sub3A_641 : vector<16xi32>
        %gather3A_643 = tpu.vector_load_idx %arg9[%gather3A_639] masked %lt3A_638 : memref<4096xi32, #tpu.memory_space<vmem>>[vector<16xi32>], vector<16xi32>, vector<16xi1>
        %mul3A_644 = arith.constant 1024 : i32
        %mul3A_645 = arith.muli %arg1, %mul3A_644 : i32
        %add3A_646 = arith.constant 1048576 : i32
        %add3A_647 = arith.addi %add3A_646, %mul3A_645 : i32
        %broadcast_in_dim3A_648 = vector.broadcast %add3A_647 : i32 to vector<16xi32>
        %select_n3A_649 = arith.select %lt3A_638, %sub3A_642, %broadcast_in_dim3A_648 : vector<16xi1>, vector<16xi32>
        %mul3A_650 = arith.constant 32768 : i32
        %mul3A_651 = arith.muli %arg1, %mul3A_650 : i32
        %broadcast_in_dim3A_652 = vector.broadcast %mul3A_651 : i32 to vector<16xi32>
        %select_n3A_653 = arith.select %lt3A_638, %gather3A_643, %broadcast_in_dim3A_652 : vector<16xi1>, vector<16xi32>
        %add3A_654 = arith.constant 32 : i32
        %add3A_655 = vector.broadcast %add3A_654 : i32 to vector<16xi32>
        %add3A_656 = arith.addi %add3A_655, %iota3A : vector<16xi32>
        tpu.vector_store_idx %arg13[%add3A_656], %select_n3A_649 : memref<128xi32, #tpu.memory_space<vmem>>[vector<16xi32>], vector<16xi32>,
        %add3A_657 = arith.constant 32 : i32
        %add3A_658 = vector.broadcast %add3A_657 : i32 to vector<16xi32>
        %add3A_659 = arith.addi %add3A_658, %iota3A : vector<16xi32>
        tpu.vector_store_idx %arg14[%add3A_659], %select_n3A_653 : memref<128xi32, #tpu.memory_space<vmem>>[vector<16xi32>], vector<16xi32>,
        %mul3A_660 = arith.constant 128 : i32
        %mul3A_661 = arith.muli %while3A_569, %mul3A_660 : i32
        %add3A_662 = arith.addi %squeeze3A_497, %mul3A_661 : i32
        %add3A_663 = arith.constant 48 : i32
        %add3A_664 = arith.addi %add3A_662, %add3A_663 : i32
        %add3A_665 = vector.broadcast %add3A_664 : i32 to vector<16xi32>
        %add3A_666 = arith.addi %add3A_665, %iota3A : vector<16xi32>
        %lt3A_667 = vector.broadcast %squeeze3A_499 : i32 to vector<16xi32>
        %lt3A_668 = arith.cmpi slt, %add3A_666, %lt3A_667 : vector<16xi32>
        %gather3A_669 = tpu.vector_load_idx %arg10[%add3A_666] masked %lt3A_668 : memref<4096xi32, #tpu.memory_space<vmem>>[vector<16xi32>], vector<16xi32>, vector<16xi1>
        %gather3A_670 = tpu.vector_load_idx %arg8[%gather3A_669] masked %lt3A_668 : memref<4096xi32, #tpu.memory_space<vmem>>[vector<16xi32>], vector<16xi32>, vector<16xi1>
        %sub3A_671 = vector.broadcast %add3A_486 : i32 to vector<16xi32>
        %sub3A_672 = arith.subi %gather3A_670, %sub3A_671 : vector<16xi32>
        %gather3A_673 = tpu.vector_load_idx %arg9[%gather3A_669] masked %lt3A_668 : memref<4096xi32, #tpu.memory_space<vmem>>[vector<16xi32>], vector<16xi32>, vector<16xi1>
        %mul3A_674 = arith.constant 1024 : i32
        %mul3A_675 = arith.muli %arg1, %mul3A_674 : i32
        %add3A_676 = arith.constant 1048576 : i32
        %add3A_677 = arith.addi %add3A_676, %mul3A_675 : i32
        %broadcast_in_dim3A_678 = vector.broadcast %add3A_677 : i32 to vector<16xi32>
        %select_n3A_679 = arith.select %lt3A_668, %sub3A_672, %broadcast_in_dim3A_678 : vector<16xi1>, vector<16xi32>
        %mul3A_680 = arith.constant 32768 : i32
        %mul3A_681 = arith.muli %arg1, %mul3A_680 : i32
        %broadcast_in_dim3A_682 = vector.broadcast %mul3A_681 : i32 to vector<16xi32>
        %select_n3A_683 = arith.select %lt3A_668, %gather3A_673, %broadcast_in_dim3A_682 : vector<16xi1>, vector<16xi32>
        %add3A_684 = arith.constant 48 : i32
        %add3A_685 = vector.broadcast %add3A_684 : i32 to vector<16xi32>
        %add3A_686 = arith.addi %add3A_685, %iota3A : vector<16xi32>
        tpu.vector_store_idx %arg13[%add3A_686], %select_n3A_679 : memref<128xi32, #tpu.memory_space<vmem>>[vector<16xi32>], vector<16xi32>,
        %add3A_687 = arith.constant 48 : i32
        %add3A_688 = vector.broadcast %add3A_687 : i32 to vector<16xi32>
        %add3A_689 = arith.addi %add3A_688, %iota3A : vector<16xi32>
        tpu.vector_store_idx %arg14[%add3A_689], %select_n3A_683 : memref<128xi32, #tpu.memory_space<vmem>>[vector<16xi32>], vector<16xi32>,
        %mul3A_690 = arith.constant 128 : i32
        %mul3A_691 = arith.muli %while3A_569, %mul3A_690 : i32
        %add3A_692 = arith.addi %squeeze3A_497, %mul3A_691 : i32
        %add3A_693 = arith.constant 64 : i32
        %add3A_694 = arith.addi %add3A_692, %add3A_693 : i32
        %add3A_695 = vector.broadcast %add3A_694 : i32 to vector<16xi32>
        %add3A_696 = arith.addi %add3A_695, %iota3A : vector<16xi32>
        %lt3A_697 = vector.broadcast %squeeze3A_499 : i32 to vector<16xi32>
        %lt3A_698 = arith.cmpi slt, %add3A_696, %lt3A_697 : vector<16xi32>
        %gather3A_699 = tpu.vector_load_idx %arg10[%add3A_696] masked %lt3A_698 : memref<4096xi32, #tpu.memory_space<vmem>>[vector<16xi32>], vector<16xi32>, vector<16xi1>
        %gather3A_700 = tpu.vector_load_idx %arg8[%gather3A_699] masked %lt3A_698 : memref<4096xi32, #tpu.memory_space<vmem>>[vector<16xi32>], vector<16xi32>, vector<16xi1>
        %sub3A_701 = vector.broadcast %add3A_486 : i32 to vector<16xi32>
        %sub3A_702 = arith.subi %gather3A_700, %sub3A_701 : vector<16xi32>
        %gather3A_703 = tpu.vector_load_idx %arg9[%gather3A_699] masked %lt3A_698 : memref<4096xi32, #tpu.memory_space<vmem>>[vector<16xi32>], vector<16xi32>, vector<16xi1>
        %mul3A_704 = arith.constant 1024 : i32
        %mul3A_705 = arith.muli %arg1, %mul3A_704 : i32
        %add3A_706 = arith.constant 1048576 : i32
        %add3A_707 = arith.addi %add3A_706, %mul3A_705 : i32
        %broadcast_in_dim3A_708 = vector.broadcast %add3A_707 : i32 to vector<16xi32>
        %select_n3A_709 = arith.select %lt3A_698, %sub3A_702, %broadcast_in_dim3A_708 : vector<16xi1>, vector<16xi32>
        %mul3A_710 = arith.constant 32768 : i32
        %mul3A_711 = arith.muli %arg1, %mul3A_710 : i32
        %broadcast_in_dim3A_712 = vector.broadcast %mul3A_711 : i32 to vector<16xi32>
        %select_n3A_713 = arith.select %lt3A_698, %gather3A_703, %broadcast_in_dim3A_712 : vector<16xi1>, vector<16xi32>
        %add3A_714 = arith.constant 64 : i32
        %add3A_715 = vector.broadcast %add3A_714 : i32 to vector<16xi32>
        %add3A_716 = arith.addi %add3A_715, %iota3A : vector<16xi32>
        tpu.vector_store_idx %arg13[%add3A_716], %select_n3A_709 : memref<128xi32, #tpu.memory_space<vmem>>[vector<16xi32>], vector<16xi32>,
        %add3A_717 = arith.constant 64 : i32
        %add3A_718 = vector.broadcast %add3A_717 : i32 to vector<16xi32>
        %add3A_719 = arith.addi %add3A_718, %iota3A : vector<16xi32>
        tpu.vector_store_idx %arg14[%add3A_719], %select_n3A_713 : memref<128xi32, #tpu.memory_space<vmem>>[vector<16xi32>], vector<16xi32>,
        %mul3A_720 = arith.constant 128 : i32
        %mul3A_721 = arith.muli %while3A_569, %mul3A_720 : i32
        %add3A_722 = arith.addi %squeeze3A_497, %mul3A_721 : i32
        %add3A_723 = arith.constant 80 : i32
        %add3A_724 = arith.addi %add3A_722, %add3A_723 : i32
        %add3A_725 = vector.broadcast %add3A_724 : i32 to vector<16xi32>
        %add3A_726 = arith.addi %add3A_725, %iota3A : vector<16xi32>
        %lt3A_727 = vector.broadcast %squeeze3A_499 : i32 to vector<16xi32>
        %lt3A_728 = arith.cmpi slt, %add3A_726, %lt3A_727 : vector<16xi32>
        %gather3A_729 = tpu.vector_load_idx %arg10[%add3A_726] masked %lt3A_728 : memref<4096xi32, #tpu.memory_space<vmem>>[vector<16xi32>], vector<16xi32>, vector<16xi1>
        %gather3A_730 = tpu.vector_load_idx %arg8[%gather3A_729] masked %lt3A_728 : memref<4096xi32, #tpu.memory_space<vmem>>[vector<16xi32>], vector<16xi32>, vector<16xi1>
        %sub3A_731 = vector.broadcast %add3A_486 : i32 to vector<16xi32>
        %sub3A_732 = arith.subi %gather3A_730, %sub3A_731 : vector<16xi32>
        %gather3A_733 = tpu.vector_load_idx %arg9[%gather3A_729] masked %lt3A_728 : memref<4096xi32, #tpu.memory_space<vmem>>[vector<16xi32>], vector<16xi32>, vector<16xi1>
        %mul3A_734 = arith.constant 1024 : i32
        %mul3A_735 = arith.muli %arg1, %mul3A_734 : i32
        %add3A_736 = arith.constant 1048576 : i32
        %add3A_737 = arith.addi %add3A_736, %mul3A_735 : i32
        %broadcast_in_dim3A_738 = vector.broadcast %add3A_737 : i32 to vector<16xi32>
        %select_n3A_739 = arith.select %lt3A_728, %sub3A_732, %broadcast_in_dim3A_738 : vector<16xi1>, vector<16xi32>
        %mul3A_740 = arith.constant 32768 : i32
        %mul3A_741 = arith.muli %arg1, %mul3A_740 : i32
        %broadcast_in_dim3A_742 = vector.broadcast %mul3A_741 : i32 to vector<16xi32>
        %select_n3A_743 = arith.select %lt3A_728, %gather3A_733, %broadcast_in_dim3A_742 : vector<16xi1>, vector<16xi32>
        %add3A_744 = arith.constant 80 : i32
        %add3A_745 = vector.broadcast %add3A_744 : i32 to vector<16xi32>
        %add3A_746 = arith.addi %add3A_745, %iota3A : vector<16xi32>
        tpu.vector_store_idx %arg13[%add3A_746], %select_n3A_739 : memref<128xi32, #tpu.memory_space<vmem>>[vector<16xi32>], vector<16xi32>,
        %add3A_747 = arith.constant 80 : i32
        %add3A_748 = vector.broadcast %add3A_747 : i32 to vector<16xi32>
        %add3A_749 = arith.addi %add3A_748, %iota3A : vector<16xi32>
        tpu.vector_store_idx %arg14[%add3A_749], %select_n3A_743 : memref<128xi32, #tpu.memory_space<vmem>>[vector<16xi32>], vector<16xi32>,
        %mul3A_750 = arith.constant 128 : i32
        %mul3A_751 = arith.muli %while3A_569, %mul3A_750 : i32
        %add3A_752 = arith.addi %squeeze3A_497, %mul3A_751 : i32
        %add3A_753 = arith.constant 96 : i32
        %add3A_754 = arith.addi %add3A_752, %add3A_753 : i32
        %add3A_755 = vector.broadcast %add3A_754 : i32 to vector<16xi32>
        %add3A_756 = arith.addi %add3A_755, %iota3A : vector<16xi32>
        %lt3A_757 = vector.broadcast %squeeze3A_499 : i32 to vector<16xi32>
        %lt3A_758 = arith.cmpi slt, %add3A_756, %lt3A_757 : vector<16xi32>
        %gather3A_759 = tpu.vector_load_idx %arg10[%add3A_756] masked %lt3A_758 : memref<4096xi32, #tpu.memory_space<vmem>>[vector<16xi32>], vector<16xi32>, vector<16xi1>
        %gather3A_760 = tpu.vector_load_idx %arg8[%gather3A_759] masked %lt3A_758 : memref<4096xi32, #tpu.memory_space<vmem>>[vector<16xi32>], vector<16xi32>, vector<16xi1>
        %sub3A_761 = vector.broadcast %add3A_486 : i32 to vector<16xi32>
        %sub3A_762 = arith.subi %gather3A_760, %sub3A_761 : vector<16xi32>
        %gather3A_763 = tpu.vector_load_idx %arg9[%gather3A_759] masked %lt3A_758 : memref<4096xi32, #tpu.memory_space<vmem>>[vector<16xi32>], vector<16xi32>, vector<16xi1>
        %mul3A_764 = arith.constant 1024 : i32
        %mul3A_765 = arith.muli %arg1, %mul3A_764 : i32
        %add3A_766 = arith.constant 1048576 : i32
        %add3A_767 = arith.addi %add3A_766, %mul3A_765 : i32
        %broadcast_in_dim3A_768 = vector.broadcast %add3A_767 : i32 to vector<16xi32>
        %select_n3A_769 = arith.select %lt3A_758, %sub3A_762, %broadcast_in_dim3A_768 : vector<16xi1>, vector<16xi32>
        %mul3A_770 = arith.constant 32768 : i32
        %mul3A_771 = arith.muli %arg1, %mul3A_770 : i32
        %broadcast_in_dim3A_772 = vector.broadcast %mul3A_771 : i32 to vector<16xi32>
        %select_n3A_773 = arith.select %lt3A_758, %gather3A_763, %broadcast_in_dim3A_772 : vector<16xi1>, vector<16xi32>
        %add3A_774 = arith.constant 96 : i32
        %add3A_775 = vector.broadcast %add3A_774 : i32 to vector<16xi32>
        %add3A_776 = arith.addi %add3A_775, %iota3A : vector<16xi32>
        tpu.vector_store_idx %arg13[%add3A_776], %select_n3A_769 : memref<128xi32, #tpu.memory_space<vmem>>[vector<16xi32>], vector<16xi32>,
        %add3A_777 = arith.constant 96 : i32
        %add3A_778 = vector.broadcast %add3A_777 : i32 to vector<16xi32>
        %add3A_779 = arith.addi %add3A_778, %iota3A : vector<16xi32>
        tpu.vector_store_idx %arg14[%add3A_779], %select_n3A_773 : memref<128xi32, #tpu.memory_space<vmem>>[vector<16xi32>], vector<16xi32>,
        %mul3A_780 = arith.constant 128 : i32
        %mul3A_781 = arith.muli %while3A_569, %mul3A_780 : i32
        %add3A_782 = arith.addi %squeeze3A_497, %mul3A_781 : i32
        %add3A_783 = arith.constant 112 : i32
        %add3A_784 = arith.addi %add3A_782, %add3A_783 : i32
        %add3A_785 = vector.broadcast %add3A_784 : i32 to vector<16xi32>
        %add3A_786 = arith.addi %add3A_785, %iota3A : vector<16xi32>
        %lt3A_787 = vector.broadcast %squeeze3A_499 : i32 to vector<16xi32>
        %lt3A_788 = arith.cmpi slt, %add3A_786, %lt3A_787 : vector<16xi32>
        %gather3A_789 = tpu.vector_load_idx %arg10[%add3A_786] masked %lt3A_788 : memref<4096xi32, #tpu.memory_space<vmem>>[vector<16xi32>], vector<16xi32>, vector<16xi1>
        %gather3A_790 = tpu.vector_load_idx %arg8[%gather3A_789] masked %lt3A_788 : memref<4096xi32, #tpu.memory_space<vmem>>[vector<16xi32>], vector<16xi32>, vector<16xi1>
        %sub3A_791 = vector.broadcast %add3A_486 : i32 to vector<16xi32>
        %sub3A_792 = arith.subi %gather3A_790, %sub3A_791 : vector<16xi32>
        %gather3A_793 = tpu.vector_load_idx %arg9[%gather3A_789] masked %lt3A_788 : memref<4096xi32, #tpu.memory_space<vmem>>[vector<16xi32>], vector<16xi32>, vector<16xi1>
        %mul3A_794 = arith.constant 1024 : i32
        %mul3A_795 = arith.muli %arg1, %mul3A_794 : i32
        %add3A_796 = arith.constant 1048576 : i32
        %add3A_797 = arith.addi %add3A_796, %mul3A_795 : i32
        %broadcast_in_dim3A_798 = vector.broadcast %add3A_797 : i32 to vector<16xi32>
        %select_n3A_799 = arith.select %lt3A_788, %sub3A_792, %broadcast_in_dim3A_798 : vector<16xi1>, vector<16xi32>
        %mul3A_800 = arith.constant 32768 : i32
        %mul3A_801 = arith.muli %arg1, %mul3A_800 : i32
        %broadcast_in_dim3A_802 = vector.broadcast %mul3A_801 : i32 to vector<16xi32>
        %select_n3A_803 = arith.select %lt3A_788, %gather3A_793, %broadcast_in_dim3A_802 : vector<16xi1>, vector<16xi32>
        %add3A_804 = arith.constant 112 : i32
        %add3A_805 = vector.broadcast %add3A_804 : i32 to vector<16xi32>
        %add3A_806 = arith.addi %add3A_805, %iota3A : vector<16xi32>
        tpu.vector_store_idx %arg13[%add3A_806], %select_n3A_799 : memref<128xi32, #tpu.memory_space<vmem>>[vector<16xi32>], vector<16xi32>,
        %add3A_807 = arith.constant 112 : i32
        %add3A_808 = vector.broadcast %add3A_807 : i32 to vector<16xi32>
        %add3A_809 = arith.addi %add3A_808, %iota3A : vector<16xi32>
        tpu.vector_store_idx %arg14[%add3A_809], %select_n3A_803 : memref<128xi32, #tpu.memory_space<vmem>>[vector<16xi32>], vector<16xi32>,
        %dma_start3A_810 = arith.constant 0 : i32
        %dma_start3A_811 = arith.constant 0 : i32
        %dma_start3A_812 = tpu.memref_slice %arg15[%dma_start3A_810, %dma_start3A_811] : memref<8x128xf32, #tpu.memory_space<vmem>> -> memref<1x128xf32, #tpu.memory_space<vmem>>
        %dma_start3A_813 = tpu.memref_squeeze %dma_start3A_812 : memref<1x128xf32, #tpu.memory_space<vmem>> -> memref<128xf32, #tpu.memory_space<vmem>>
        %dma_start3A_814 = arith.constant 0 : i32
        %dma_start3A_815 = tpu.memref_slice %arg4[%dma_start3A_814] : memref<524288xf32, #tpu.memory_space<hbm>> -> memref<523392xf32, #tpu.memory_space<hbm>>
        %dma_start3A_816 = arith.constant 0 : i32
        %dma_start3A_817 = tpu.memref_slice %dma_start3A_815[%dma_start3A_816] : memref<523392xf32, #tpu.memory_space<hbm>> -> memref<523392xf32, #tpu.memory_space<hbm>>
        tpu.enqueue_indirect_dma source(%dma_start3A_817 : memref<523392xf32, #tpu.memory_space<hbm>>) target(%dma_start3A_813 : memref<128xf32, #tpu.memory_space<vmem>>) offsets(%arg14 : memref<128xi32, #tpu.memory_space<vmem>>) semaphore(%arg18 : memref<!tpu.dma_semaphore, #tpu.memory_space<semaphore_mem>>)
        %dma_start3A_818 = arith.constant 1 : i32
        %dma_start3A_819 = arith.constant 0 : i32
        %dma_start3A_820 = tpu.memref_slice %arg15[%dma_start3A_818, %dma_start3A_819] : memref<8x128xf32, #tpu.memory_space<vmem>> -> memref<1x128xf32, #tpu.memory_space<vmem>>
        %dma_start3A_821 = tpu.memref_squeeze %dma_start3A_820 : memref<1x128xf32, #tpu.memory_space<vmem>> -> memref<128xf32, #tpu.memory_space<vmem>>
        %dma_start3A_822 = arith.constant 128 : i32
        %dma_start3A_823 = tpu.memref_slice %arg4[%dma_start3A_822] : memref<524288xf32, #tpu.memory_space<hbm>> -> memref<523392xf32, #tpu.memory_space<hbm>>
        %dma_start3A_824 = arith.constant 0 : i32
        %dma_start3A_825 = tpu.memref_slice %dma_start3A_823[%dma_start3A_824] : memref<523392xf32, #tpu.memory_space<hbm>> -> memref<523392xf32, #tpu.memory_space<hbm>>
        tpu.enqueue_indirect_dma source(%dma_start3A_825 : memref<523392xf32, #tpu.memory_space<hbm>>) target(%dma_start3A_821 : memref<128xf32, #tpu.memory_space<vmem>>) offsets(%arg14 : memref<128xi32, #tpu.memory_space<vmem>>) semaphore(%arg18 : memref<!tpu.dma_semaphore, #tpu.memory_space<semaphore_mem>>)
        %dma_start3A_826 = arith.constant 2 : i32
        %dma_start3A_827 = arith.constant 0 : i32
        %dma_start3A_828 = tpu.memref_slice %arg15[%dma_start3A_826, %dma_start3A_827] : memref<8x128xf32, #tpu.memory_space<vmem>> -> memref<1x128xf32, #tpu.memory_space<vmem>>
        %dma_start3A_829 = tpu.memref_squeeze %dma_start3A_828 : memref<1x128xf32, #tpu.memory_space<vmem>> -> memref<128xf32, #tpu.memory_space<vmem>>
        %dma_start3A_830 = arith.constant 256 : i32
        %dma_start3A_831 = tpu.memref_slice %arg4[%dma_start3A_830] : memref<524288xf32, #tpu.memory_space<hbm>> -> memref<523392xf32, #tpu.memory_space<hbm>>
        %dma_start3A_832 = arith.constant 0 : i32
        %dma_start3A_833 = tpu.memref_slice %dma_start3A_831[%dma_start3A_832] : memref<523392xf32, #tpu.memory_space<hbm>> -> memref<523392xf32, #tpu.memory_space<hbm>>
        tpu.enqueue_indirect_dma source(%dma_start3A_833 : memref<523392xf32, #tpu.memory_space<hbm>>) target(%dma_start3A_829 : memref<128xf32, #tpu.memory_space<vmem>>) offsets(%arg14 : memref<128xi32, #tpu.memory_space<vmem>>) semaphore(%arg18 : memref<!tpu.dma_semaphore, #tpu.memory_space<semaphore_mem>>)
        %dma_start3A_834 = arith.constant 3 : i32
        %dma_start3A_835 = arith.constant 0 : i32
        %dma_start3A_836 = tpu.memref_slice %arg15[%dma_start3A_834, %dma_start3A_835] : memref<8x128xf32, #tpu.memory_space<vmem>> -> memref<1x128xf32, #tpu.memory_space<vmem>>
        %dma_start3A_837 = tpu.memref_squeeze %dma_start3A_836 : memref<1x128xf32, #tpu.memory_space<vmem>> -> memref<128xf32, #tpu.memory_space<vmem>>
        %dma_start3A_838 = arith.constant 384 : i32
        %dma_start3A_839 = tpu.memref_slice %arg4[%dma_start3A_838] : memref<524288xf32, #tpu.memory_space<hbm>> -> memref<523392xf32, #tpu.memory_space<hbm>>
        %dma_start3A_840 = arith.constant 0 : i32
        %dma_start3A_841 = tpu.memref_slice %dma_start3A_839[%dma_start3A_840] : memref<523392xf32, #tpu.memory_space<hbm>> -> memref<523392xf32, #tpu.memory_space<hbm>>
        tpu.enqueue_indirect_dma source(%dma_start3A_841 : memref<523392xf32, #tpu.memory_space<hbm>>) target(%dma_start3A_837 : memref<128xf32, #tpu.memory_space<vmem>>) offsets(%arg14 : memref<128xi32, #tpu.memory_space<vmem>>) semaphore(%arg18 : memref<!tpu.dma_semaphore, #tpu.memory_space<semaphore_mem>>)
        %dma_start3A_842 = arith.constant 4 : i32
        %dma_start3A_843 = arith.constant 0 : i32
        %dma_start3A_844 = tpu.memref_slice %arg15[%dma_start3A_842, %dma_start3A_843] : memref<8x128xf32, #tpu.memory_space<vmem>> -> memref<1x128xf32, #tpu.memory_space<vmem>>
        %dma_start3A_845 = tpu.memref_squeeze %dma_start3A_844 : memref<1x128xf32, #tpu.memory_space<vmem>> -> memref<128xf32, #tpu.memory_space<vmem>>
        %dma_start3A_846 = arith.constant 512 : i32
        %dma_start3A_847 = tpu.memref_slice %arg4[%dma_start3A_846] : memref<524288xf32, #tpu.memory_space<hbm>> -> memref<523392xf32, #tpu.memory_space<hbm>>
        %dma_start3A_848 = arith.constant 0 : i32
        %dma_start3A_849 = tpu.memref_slice %dma_start3A_847[%dma_start3A_848] : memref<523392xf32, #tpu.memory_space<hbm>> -> memref<523392xf32, #tpu.memory_space<hbm>>
        tpu.enqueue_indirect_dma source(%dma_start3A_849 : memref<523392xf32, #tpu.memory_space<hbm>>) target(%dma_start3A_845 : memref<128xf32, #tpu.memory_space<vmem>>) offsets(%arg14 : memref<128xi32, #tpu.memory_space<vmem>>) semaphore(%arg18 : memref<!tpu.dma_semaphore, #tpu.memory_space<semaphore_mem>>)
        %dma_start3A_850 = arith.constant 5 : i32
        %dma_start3A_851 = arith.constant 0 : i32
        %dma_start3A_852 = tpu.memref_slice %arg15[%dma_start3A_850, %dma_start3A_851] : memref<8x128xf32, #tpu.memory_space<vmem>> -> memref<1x128xf32, #tpu.memory_space<vmem>>
        %dma_start3A_853 = tpu.memref_squeeze %dma_start3A_852 : memref<1x128xf32, #tpu.memory_space<vmem>> -> memref<128xf32, #tpu.memory_space<vmem>>
        %dma_start3A_854 = arith.constant 640 : i32
        %dma_start3A_855 = tpu.memref_slice %arg4[%dma_start3A_854] : memref<524288xf32, #tpu.memory_space<hbm>> -> memref<523392xf32, #tpu.memory_space<hbm>>
        %dma_start3A_856 = arith.constant 0 : i32
        %dma_start3A_857 = tpu.memref_slice %dma_start3A_855[%dma_start3A_856] : memref<523392xf32, #tpu.memory_space<hbm>> -> memref<523392xf32, #tpu.memory_space<hbm>>
        tpu.enqueue_indirect_dma source(%dma_start3A_857 : memref<523392xf32, #tpu.memory_space<hbm>>) target(%dma_start3A_853 : memref<128xf32, #tpu.memory_space<vmem>>) offsets(%arg14 : memref<128xi32, #tpu.memory_space<vmem>>) semaphore(%arg18 : memref<!tpu.dma_semaphore, #tpu.memory_space<semaphore_mem>>)
        %dma_start3A_858 = arith.constant 6 : i32
        %dma_start3A_859 = arith.constant 0 : i32
        %dma_start3A_860 = tpu.memref_slice %arg15[%dma_start3A_858, %dma_start3A_859] : memref<8x128xf32, #tpu.memory_space<vmem>> -> memref<1x128xf32, #tpu.memory_space<vmem>>
        %dma_start3A_861 = tpu.memref_squeeze %dma_start3A_860 : memref<1x128xf32, #tpu.memory_space<vmem>> -> memref<128xf32, #tpu.memory_space<vmem>>
        %dma_start3A_862 = arith.constant 768 : i32
        %dma_start3A_863 = tpu.memref_slice %arg4[%dma_start3A_862] : memref<524288xf32, #tpu.memory_space<hbm>> -> memref<523392xf32, #tpu.memory_space<hbm>>
        %dma_start3A_864 = arith.constant 0 : i32
        %dma_start3A_865 = tpu.memref_slice %dma_start3A_863[%dma_start3A_864] : memref<523392xf32, #tpu.memory_space<hbm>> -> memref<523392xf32, #tpu.memory_space<hbm>>
        tpu.enqueue_indirect_dma source(%dma_start3A_865 : memref<523392xf32, #tpu.memory_space<hbm>>) target(%dma_start3A_861 : memref<128xf32, #tpu.memory_space<vmem>>) offsets(%arg14 : memref<128xi32, #tpu.memory_space<vmem>>) semaphore(%arg18 : memref<!tpu.dma_semaphore, #tpu.memory_space<semaphore_mem>>)
        %dma_start3A_866 = arith.constant 7 : i32
        %dma_start3A_867 = arith.constant 0 : i32
        %dma_start3A_868 = tpu.memref_slice %arg15[%dma_start3A_866, %dma_start3A_867] : memref<8x128xf32, #tpu.memory_space<vmem>> -> memref<1x128xf32, #tpu.memory_space<vmem>>
        %dma_start3A_869 = tpu.memref_squeeze %dma_start3A_868 : memref<1x128xf32, #tpu.memory_space<vmem>> -> memref<128xf32, #tpu.memory_space<vmem>>
        %dma_start3A_870 = arith.constant 896 : i32
        %dma_start3A_871 = tpu.memref_slice %arg4[%dma_start3A_870] : memref<524288xf32, #tpu.memory_space<hbm>> -> memref<523392xf32, #tpu.memory_space<hbm>>
        %dma_start3A_872 = arith.constant 0 : i32
        %dma_start3A_873 = tpu.memref_slice %dma_start3A_871[%dma_start3A_872] : memref<523392xf32, #tpu.memory_space<hbm>> -> memref<523392xf32, #tpu.memory_space<hbm>>
        tpu.enqueue_indirect_dma source(%dma_start3A_873 : memref<523392xf32, #tpu.memory_space<hbm>>) target(%dma_start3A_869 : memref<128xf32, #tpu.memory_space<vmem>>) offsets(%arg14 : memref<128xi32, #tpu.memory_space<vmem>>) semaphore(%arg18 : memref<!tpu.dma_semaphore, #tpu.memory_space<semaphore_mem>>)
        %dma_wait3A_874 = arith.constant 0 : i32
        %dma_wait3A_875 = arith.constant 0 : i32
        %dma_wait3A_876 = tpu.memref_slice %arg15[%dma_wait3A_874, %dma_wait3A_875] : memref<8x128xf32, #tpu.memory_space<vmem>> -> memref<1x128xf32, #tpu.memory_space<vmem>>
        %dma_wait3A_877 = tpu.memref_squeeze %dma_wait3A_876 : memref<1x128xf32, #tpu.memory_space<vmem>> -> memref<128xf32, #tpu.memory_space<vmem>>
        %dma_wait3A_878 = arith.constant 0 : i32
        %dma_wait3A_879 = tpu.memref_slice %arg4[%dma_wait3A_878] : memref<524288xf32, #tpu.memory_space<hbm>> -> memref<523392xf32, #tpu.memory_space<hbm>>
        %dma_wait3A_880 = arith.constant 0 : i32
        %dma_wait3A_881 = tpu.memref_slice %dma_wait3A_879[%dma_wait3A_880] : memref<523392xf32, #tpu.memory_space<hbm>> -> memref<523392xf32, #tpu.memory_space<hbm>>
        tpu.wait_indirect_dma semaphore(%arg18 : memref<!tpu.dma_semaphore, #tpu.memory_space<semaphore_mem>>) src(%dma_wait3A_881 : memref<523392xf32, #tpu.memory_space<hbm>>) dst(%dma_wait3A_877 : memref<128xf32, #tpu.memory_space<vmem>>)
        %dma_wait3A_882 = arith.constant 1 : i32
        %dma_wait3A_883 = arith.constant 0 : i32
        %dma_wait3A_884 = tpu.memref_slice %arg15[%dma_wait3A_882, %dma_wait3A_883] : memref<8x128xf32, #tpu.memory_space<vmem>> -> memref<1x128xf32, #tpu.memory_space<vmem>>
        %dma_wait3A_885 = tpu.memref_squeeze %dma_wait3A_884 : memref<1x128xf32, #tpu.memory_space<vmem>> -> memref<128xf32, #tpu.memory_space<vmem>>
        %dma_wait3A_886 = arith.constant 128 : i32
        %dma_wait3A_887 = tpu.memref_slice %arg4[%dma_wait3A_886] : memref<524288xf32, #tpu.memory_space<hbm>> -> memref<523392xf32, #tpu.memory_space<hbm>>
        %dma_wait3A_888 = arith.constant 0 : i32
        %dma_wait3A_889 = tpu.memref_slice %dma_wait3A_887[%dma_wait3A_888] : memref<523392xf32, #tpu.memory_space<hbm>> -> memref<523392xf32, #tpu.memory_space<hbm>>
        tpu.wait_indirect_dma semaphore(%arg18 : memref<!tpu.dma_semaphore, #tpu.memory_space<semaphore_mem>>) src(%dma_wait3A_889 : memref<523392xf32, #tpu.memory_space<hbm>>) dst(%dma_wait3A_885 : memref<128xf32, #tpu.memory_space<vmem>>)
        %dma_wait3A_890 = arith.constant 2 : i32
        %dma_wait3A_891 = arith.constant 0 : i32
        %dma_wait3A_892 = tpu.memref_slice %arg15[%dma_wait3A_890, %dma_wait3A_891] : memref<8x128xf32, #tpu.memory_space<vmem>> -> memref<1x128xf32, #tpu.memory_space<vmem>>
        %dma_wait3A_893 = tpu.memref_squeeze %dma_wait3A_892 : memref<1x128xf32, #tpu.memory_space<vmem>> -> memref<128xf32, #tpu.memory_space<vmem>>
        %dma_wait3A_894 = arith.constant 256 : i32
        %dma_wait3A_895 = tpu.memref_slice %arg4[%dma_wait3A_894] : memref<524288xf32, #tpu.memory_space<hbm>> -> memref<523392xf32, #tpu.memory_space<hbm>>
        %dma_wait3A_896 = arith.constant 0 : i32
        %dma_wait3A_897 = tpu.memref_slice %dma_wait3A_895[%dma_wait3A_896] : memref<523392xf32, #tpu.memory_space<hbm>> -> memref<523392xf32, #tpu.memory_space<hbm>>
        tpu.wait_indirect_dma semaphore(%arg18 : memref<!tpu.dma_semaphore, #tpu.memory_space<semaphore_mem>>) src(%dma_wait3A_897 : memref<523392xf32, #tpu.memory_space<hbm>>) dst(%dma_wait3A_893 : memref<128xf32, #tpu.memory_space<vmem>>)
        %dma_wait3A_898 = arith.constant 3 : i32
        %dma_wait3A_899 = arith.constant 0 : i32
        %dma_wait3A_900 = tpu.memref_slice %arg15[%dma_wait3A_898, %dma_wait3A_899] : memref<8x128xf32, #tpu.memory_space<vmem>> -> memref<1x128xf32, #tpu.memory_space<vmem>>
        %dma_wait3A_901 = tpu.memref_squeeze %dma_wait3A_900 : memref<1x128xf32, #tpu.memory_space<vmem>> -> memref<128xf32, #tpu.memory_space<vmem>>
        %dma_wait3A_902 = arith.constant 384 : i32
        %dma_wait3A_903 = tpu.memref_slice %arg4[%dma_wait3A_902] : memref<524288xf32, #tpu.memory_space<hbm>> -> memref<523392xf32, #tpu.memory_space<hbm>>
        %dma_wait3A_904 = arith.constant 0 : i32
        %dma_wait3A_905 = tpu.memref_slice %dma_wait3A_903[%dma_wait3A_904] : memref<523392xf32, #tpu.memory_space<hbm>> -> memref<523392xf32, #tpu.memory_space<hbm>>
        tpu.wait_indirect_dma semaphore(%arg18 : memref<!tpu.dma_semaphore, #tpu.memory_space<semaphore_mem>>) src(%dma_wait3A_905 : memref<523392xf32, #tpu.memory_space<hbm>>) dst(%dma_wait3A_901 : memref<128xf32, #tpu.memory_space<vmem>>)
        %dma_wait3A_906 = arith.constant 4 : i32
        %dma_wait3A_907 = arith.constant 0 : i32
        %dma_wait3A_908 = tpu.memref_slice %arg15[%dma_wait3A_906, %dma_wait3A_907] : memref<8x128xf32, #tpu.memory_space<vmem>> -> memref<1x128xf32, #tpu.memory_space<vmem>>
        %dma_wait3A_909 = tpu.memref_squeeze %dma_wait3A_908 : memref<1x128xf32, #tpu.memory_space<vmem>> -> memref<128xf32, #tpu.memory_space<vmem>>
        %dma_wait3A_910 = arith.constant 512 : i32
        %dma_wait3A_911 = tpu.memref_slice %arg4[%dma_wait3A_910] : memref<524288xf32, #tpu.memory_space<hbm>> -> memref<523392xf32, #tpu.memory_space<hbm>>
        %dma_wait3A_912 = arith.constant 0 : i32
        %dma_wait3A_913 = tpu.memref_slice %dma_wait3A_911[%dma_wait3A_912] : memref<523392xf32, #tpu.memory_space<hbm>> -> memref<523392xf32, #tpu.memory_space<hbm>>
        tpu.wait_indirect_dma semaphore(%arg18 : memref<!tpu.dma_semaphore, #tpu.memory_space<semaphore_mem>>) src(%dma_wait3A_913 : memref<523392xf32, #tpu.memory_space<hbm>>) dst(%dma_wait3A_909 : memref<128xf32, #tpu.memory_space<vmem>>)
        %dma_wait3A_914 = arith.constant 5 : i32
        %dma_wait3A_915 = arith.constant 0 : i32
        %dma_wait3A_916 = tpu.memref_slice %arg15[%dma_wait3A_914, %dma_wait3A_915] : memref<8x128xf32, #tpu.memory_space<vmem>> -> memref<1x128xf32, #tpu.memory_space<vmem>>
        %dma_wait3A_917 = tpu.memref_squeeze %dma_wait3A_916 : memref<1x128xf32, #tpu.memory_space<vmem>> -> memref<128xf32, #tpu.memory_space<vmem>>
        %dma_wait3A_918 = arith.constant 640 : i32
        %dma_wait3A_919 = tpu.memref_slice %arg4[%dma_wait3A_918] : memref<524288xf32, #tpu.memory_space<hbm>> -> memref<523392xf32, #tpu.memory_space<hbm>>
        %dma_wait3A_920 = arith.constant 0 : i32
        %dma_wait3A_921 = tpu.memref_slice %dma_wait3A_919[%dma_wait3A_920] : memref<523392xf32, #tpu.memory_space<hbm>> -> memref<523392xf32, #tpu.memory_space<hbm>>
        tpu.wait_indirect_dma semaphore(%arg18 : memref<!tpu.dma_semaphore, #tpu.memory_space<semaphore_mem>>) src(%dma_wait3A_921 : memref<523392xf32, #tpu.memory_space<hbm>>) dst(%dma_wait3A_917 : memref<128xf32, #tpu.memory_space<vmem>>)
        %dma_wait3A_922 = arith.constant 6 : i32
        %dma_wait3A_923 = arith.constant 0 : i32
        %dma_wait3A_924 = tpu.memref_slice %arg15[%dma_wait3A_922, %dma_wait3A_923] : memref<8x128xf32, #tpu.memory_space<vmem>> -> memref<1x128xf32, #tpu.memory_space<vmem>>
        %dma_wait3A_925 = tpu.memref_squeeze %dma_wait3A_924 : memref<1x128xf32, #tpu.memory_space<vmem>> -> memref<128xf32, #tpu.memory_space<vmem>>
        %dma_wait3A_926 = arith.constant 768 : i32
        %dma_wait3A_927 = tpu.memref_slice %arg4[%dma_wait3A_926] : memref<524288xf32, #tpu.memory_space<hbm>> -> memref<523392xf32, #tpu.memory_space<hbm>>
        %dma_wait3A_928 = arith.constant 0 : i32
        %dma_wait3A_929 = tpu.memref_slice %dma_wait3A_927[%dma_wait3A_928] : memref<523392xf32, #tpu.memory_space<hbm>> -> memref<523392xf32, #tpu.memory_space<hbm>>
        tpu.wait_indirect_dma semaphore(%arg18 : memref<!tpu.dma_semaphore, #tpu.memory_space<semaphore_mem>>) src(%dma_wait3A_929 : memref<523392xf32, #tpu.memory_space<hbm>>) dst(%dma_wait3A_925 : memref<128xf32, #tpu.memory_space<vmem>>)
        %dma_wait3A_930 = arith.constant 7 : i32
        %dma_wait3A_931 = arith.constant 0 : i32
        %dma_wait3A_932 = tpu.memref_slice %arg15[%dma_wait3A_930, %dma_wait3A_931] : memref<8x128xf32, #tpu.memory_space<vmem>> -> memref<1x128xf32, #tpu.memory_space<vmem>>
        %dma_wait3A_933 = tpu.memref_squeeze %dma_wait3A_932 : memref<1x128xf32, #tpu.memory_space<vmem>> -> memref<128xf32, #tpu.memory_space<vmem>>
        %dma_wait3A_934 = arith.constant 896 : i32
        %dma_wait3A_935 = tpu.memref_slice %arg4[%dma_wait3A_934] : memref<524288xf32, #tpu.memory_space<hbm>> -> memref<523392xf32, #tpu.memory_space<hbm>>
        %dma_wait3A_936 = arith.constant 0 : i32
        %dma_wait3A_937 = tpu.memref_slice %dma_wait3A_935[%dma_wait3A_936] : memref<523392xf32, #tpu.memory_space<hbm>> -> memref<523392xf32, #tpu.memory_space<hbm>>
        tpu.wait_indirect_dma semaphore(%arg18 : memref<!tpu.dma_semaphore, #tpu.memory_space<semaphore_mem>>) src(%dma_wait3A_937 : memref<523392xf32, #tpu.memory_space<hbm>>) dst(%dma_wait3A_933 : memref<128xf32, #tpu.memory_space<vmem>>)
        %dma_start3A_938 = arith.constant 0 : i32
        %dma_start3A_939 = arith.constant 0 : i32
        %dma_start3A_940 = tpu.memref_slice %arg15[%dma_start3A_938, %dma_start3A_939] : memref<8x128xf32, #tpu.memory_space<vmem>> -> memref<1x128xf32, #tpu.memory_space<vmem>>
        %dma_start3A_941 = tpu.memref_squeeze %dma_start3A_940 : memref<1x128xf32, #tpu.memory_space<vmem>> -> memref<128xf32, #tpu.memory_space<vmem>>
        %dma_start3A_942 = arith.constant 0 : i32
        %dma_start3A_943 = tpu.memref_slice %arg17[%dma_start3A_942] : memref<1064960xf32, #tpu.memory_space<vmem_shared>> -> memref<1064064xf32, #tpu.memory_space<vmem_shared>>
        %dma_start3A_944 = arith.constant 0 : i32
        %dma_start3A_945 = tpu.memref_slice %dma_start3A_943[%dma_start3A_944] : memref<1064064xf32, #tpu.memory_space<vmem_shared>> -> memref<1064064xf32, #tpu.memory_space<vmem_shared>>
        tpu.enqueue_indirect_dma source(%dma_start3A_941 : memref<128xf32, #tpu.memory_space<vmem>>) target(%dma_start3A_945 : memref<1064064xf32, #tpu.memory_space<vmem_shared>>) offsets(%arg13 : memref<128xi32, #tpu.memory_space<vmem>>) semaphore(%arg19 : memref<!tpu.dma_semaphore, #tpu.memory_space<semaphore_mem>>) {add = true}
        %dma_start3A_946 = arith.constant 1 : i32
        %dma_start3A_947 = arith.constant 0 : i32
        %dma_start3A_948 = tpu.memref_slice %arg15[%dma_start3A_946, %dma_start3A_947] : memref<8x128xf32, #tpu.memory_space<vmem>> -> memref<1x128xf32, #tpu.memory_space<vmem>>
        %dma_start3A_949 = tpu.memref_squeeze %dma_start3A_948 : memref<1x128xf32, #tpu.memory_space<vmem>> -> memref<128xf32, #tpu.memory_space<vmem>>
        %dma_start3A_950 = arith.constant 128 : i32
        %dma_start3A_951 = tpu.memref_slice %arg17[%dma_start3A_950] : memref<1064960xf32, #tpu.memory_space<vmem_shared>> -> memref<1064064xf32, #tpu.memory_space<vmem_shared>>
        %dma_start3A_952 = arith.constant 0 : i32
        %dma_start3A_953 = tpu.memref_slice %dma_start3A_951[%dma_start3A_952] : memref<1064064xf32, #tpu.memory_space<vmem_shared>> -> memref<1064064xf32, #tpu.memory_space<vmem_shared>>
        tpu.enqueue_indirect_dma source(%dma_start3A_949 : memref<128xf32, #tpu.memory_space<vmem>>) target(%dma_start3A_953 : memref<1064064xf32, #tpu.memory_space<vmem_shared>>) offsets(%arg13 : memref<128xi32, #tpu.memory_space<vmem>>) semaphore(%arg19 : memref<!tpu.dma_semaphore, #tpu.memory_space<semaphore_mem>>) {add = true}
        %dma_start3A_954 = arith.constant 2 : i32
        %dma_start3A_955 = arith.constant 0 : i32
        %dma_start3A_956 = tpu.memref_slice %arg15[%dma_start3A_954, %dma_start3A_955] : memref<8x128xf32, #tpu.memory_space<vmem>> -> memref<1x128xf32, #tpu.memory_space<vmem>>
        %dma_start3A_957 = tpu.memref_squeeze %dma_start3A_956 : memref<1x128xf32, #tpu.memory_space<vmem>> -> memref<128xf32, #tpu.memory_space<vmem>>
        %dma_start3A_958 = arith.constant 256 : i32
        %dma_start3A_959 = tpu.memref_slice %arg17[%dma_start3A_958] : memref<1064960xf32, #tpu.memory_space<vmem_shared>> -> memref<1064064xf32, #tpu.memory_space<vmem_shared>>
        %dma_start3A_960 = arith.constant 0 : i32
        %dma_start3A_961 = tpu.memref_slice %dma_start3A_959[%dma_start3A_960] : memref<1064064xf32, #tpu.memory_space<vmem_shared>> -> memref<1064064xf32, #tpu.memory_space<vmem_shared>>
        tpu.enqueue_indirect_dma source(%dma_start3A_957 : memref<128xf32, #tpu.memory_space<vmem>>) target(%dma_start3A_961 : memref<1064064xf32, #tpu.memory_space<vmem_shared>>) offsets(%arg13 : memref<128xi32, #tpu.memory_space<vmem>>) semaphore(%arg19 : memref<!tpu.dma_semaphore, #tpu.memory_space<semaphore_mem>>) {add = true}
        %dma_start3A_962 = arith.constant 3 : i32
        %dma_start3A_963 = arith.constant 0 : i32
        %dma_start3A_964 = tpu.memref_slice %arg15[%dma_start3A_962, %dma_start3A_963] : memref<8x128xf32, #tpu.memory_space<vmem>> -> memref<1x128xf32, #tpu.memory_space<vmem>>
        %dma_start3A_965 = tpu.memref_squeeze %dma_start3A_964 : memref<1x128xf32, #tpu.memory_space<vmem>> -> memref<128xf32, #tpu.memory_space<vmem>>
        %dma_start3A_966 = arith.constant 384 : i32
        %dma_start3A_967 = tpu.memref_slice %arg17[%dma_start3A_966] : memref<1064960xf32, #tpu.memory_space<vmem_shared>> -> memref<1064064xf32, #tpu.memory_space<vmem_shared>>
        %dma_start3A_968 = arith.constant 0 : i32
        %dma_start3A_969 = tpu.memref_slice %dma_start3A_967[%dma_start3A_968] : memref<1064064xf32, #tpu.memory_space<vmem_shared>> -> memref<1064064xf32, #tpu.memory_space<vmem_shared>>
        tpu.enqueue_indirect_dma source(%dma_start3A_965 : memref<128xf32, #tpu.memory_space<vmem>>) target(%dma_start3A_969 : memref<1064064xf32, #tpu.memory_space<vmem_shared>>) offsets(%arg13 : memref<128xi32, #tpu.memory_space<vmem>>) semaphore(%arg19 : memref<!tpu.dma_semaphore, #tpu.memory_space<semaphore_mem>>) {add = true}
        %dma_start3A_970 = arith.constant 4 : i32
        %dma_start3A_971 = arith.constant 0 : i32
        %dma_start3A_972 = tpu.memref_slice %arg15[%dma_start3A_970, %dma_start3A_971] : memref<8x128xf32, #tpu.memory_space<vmem>> -> memref<1x128xf32, #tpu.memory_space<vmem>>
        %dma_start3A_973 = tpu.memref_squeeze %dma_start3A_972 : memref<1x128xf32, #tpu.memory_space<vmem>> -> memref<128xf32, #tpu.memory_space<vmem>>
        %dma_start3A_974 = arith.constant 512 : i32
        %dma_start3A_975 = tpu.memref_slice %arg17[%dma_start3A_974] : memref<1064960xf32, #tpu.memory_space<vmem_shared>> -> memref<1064064xf32, #tpu.memory_space<vmem_shared>>
        %dma_start3A_976 = arith.constant 0 : i32
        %dma_start3A_977 = tpu.memref_slice %dma_start3A_975[%dma_start3A_976] : memref<1064064xf32, #tpu.memory_space<vmem_shared>> -> memref<1064064xf32, #tpu.memory_space<vmem_shared>>
        tpu.enqueue_indirect_dma source(%dma_start3A_973 : memref<128xf32, #tpu.memory_space<vmem>>) target(%dma_start3A_977 : memref<1064064xf32, #tpu.memory_space<vmem_shared>>) offsets(%arg13 : memref<128xi32, #tpu.memory_space<vmem>>) semaphore(%arg19 : memref<!tpu.dma_semaphore, #tpu.memory_space<semaphore_mem>>) {add = true}
        %dma_start3A_978 = arith.constant 5 : i32
        %dma_start3A_979 = arith.constant 0 : i32
        %dma_start3A_980 = tpu.memref_slice %arg15[%dma_start3A_978, %dma_start3A_979] : memref<8x128xf32, #tpu.memory_space<vmem>> -> memref<1x128xf32, #tpu.memory_space<vmem>>
        %dma_start3A_981 = tpu.memref_squeeze %dma_start3A_980 : memref<1x128xf32, #tpu.memory_space<vmem>> -> memref<128xf32, #tpu.memory_space<vmem>>
        %dma_start3A_982 = arith.constant 640 : i32
        %dma_start3A_983 = tpu.memref_slice %arg17[%dma_start3A_982] : memref<1064960xf32, #tpu.memory_space<vmem_shared>> -> memref<1064064xf32, #tpu.memory_space<vmem_shared>>
        %dma_start3A_984 = arith.constant 0 : i32
        %dma_start3A_985 = tpu.memref_slice %dma_start3A_983[%dma_start3A_984] : memref<1064064xf32, #tpu.memory_space<vmem_shared>> -> memref<1064064xf32, #tpu.memory_space<vmem_shared>>
        tpu.enqueue_indirect_dma source(%dma_start3A_981 : memref<128xf32, #tpu.memory_space<vmem>>) target(%dma_start3A_985 : memref<1064064xf32, #tpu.memory_space<vmem_shared>>) offsets(%arg13 : memref<128xi32, #tpu.memory_space<vmem>>) semaphore(%arg19 : memref<!tpu.dma_semaphore, #tpu.memory_space<semaphore_mem>>) {add = true}
        %dma_start3A_986 = arith.constant 6 : i32
        %dma_start3A_987 = arith.constant 0 : i32
        %dma_start3A_988 = tpu.memref_slice %arg15[%dma_start3A_986, %dma_start3A_987] : memref<8x128xf32, #tpu.memory_space<vmem>> -> memref<1x128xf32, #tpu.memory_space<vmem>>
        %dma_start3A_989 = tpu.memref_squeeze %dma_start3A_988 : memref<1x128xf32, #tpu.memory_space<vmem>> -> memref<128xf32, #tpu.memory_space<vmem>>
        %dma_start3A_990 = arith.constant 768 : i32
        %dma_start3A_991 = tpu.memref_slice %arg17[%dma_start3A_990] : memref<1064960xf32, #tpu.memory_space<vmem_shared>> -> memref<1064064xf32, #tpu.memory_space<vmem_shared>>
        %dma_start3A_992 = arith.constant 0 : i32
        %dma_start3A_993 = tpu.memref_slice %dma_start3A_991[%dma_start3A_992] : memref<1064064xf32, #tpu.memory_space<vmem_shared>> -> memref<1064064xf32, #tpu.memory_space<vmem_shared>>
        tpu.enqueue_indirect_dma source(%dma_start3A_989 : memref<128xf32, #tpu.memory_space<vmem>>) target(%dma_start3A_993 : memref<1064064xf32, #tpu.memory_space<vmem_shared>>) offsets(%arg13 : memref<128xi32, #tpu.memory_space<vmem>>) semaphore(%arg19 : memref<!tpu.dma_semaphore, #tpu.memory_space<semaphore_mem>>) {add = true}
        %dma_start3A_994 = arith.constant 7 : i32
        %dma_start3A_995 = arith.constant 0 : i32
        %dma_start3A_996 = tpu.memref_slice %arg15[%dma_start3A_994, %dma_start3A_995] : memref<8x128xf32, #tpu.memory_space<vmem>> -> memref<1x128xf32, #tpu.memory_space<vmem>>
        %dma_start3A_997 = tpu.memref_squeeze %dma_start3A_996 : memref<1x128xf32, #tpu.memory_space<vmem>> -> memref<128xf32, #tpu.memory_space<vmem>>
        %dma_start3A_998 = arith.constant 896 : i32
        %dma_start3A_999 = tpu.memref_slice %arg17[%dma_start3A_998] : memref<1064960xf32, #tpu.memory_space<vmem_shared>> -> memref<1064064xf32, #tpu.memory_space<vmem_shared>>
        %dma_start3A_1000 = arith.constant 0 : i32
        %dma_start3A_1001 = tpu.memref_slice %dma_start3A_999[%dma_start3A_1000] : memref<1064064xf32, #tpu.memory_space<vmem_shared>> -> memref<1064064xf32, #tpu.memory_space<vmem_shared>>
        tpu.enqueue_indirect_dma source(%dma_start3A_997 : memref<128xf32, #tpu.memory_space<vmem>>) target(%dma_start3A_1001 : memref<1064064xf32, #tpu.memory_space<vmem_shared>>) offsets(%arg13 : memref<128xi32, #tpu.memory_space<vmem>>) semaphore(%arg19 : memref<!tpu.dma_semaphore, #tpu.memory_space<semaphore_mem>>) {add = true}
        %dma_wait3A_1002 = arith.constant 0 : i32
        %dma_wait3A_1003 = arith.constant 0 : i32
        %dma_wait3A_1004 = tpu.memref_slice %arg15[%dma_wait3A_1002, %dma_wait3A_1003] : memref<8x128xf32, #tpu.memory_space<vmem>> -> memref<1x128xf32, #tpu.memory_space<vmem>>
        %dma_wait3A_1005 = tpu.memref_squeeze %dma_wait3A_1004 : memref<1x128xf32, #tpu.memory_space<vmem>> -> memref<128xf32, #tpu.memory_space<vmem>>
        %dma_wait3A_1006 = arith.constant 0 : i32
        %dma_wait3A_1007 = tpu.memref_slice %arg17[%dma_wait3A_1006] : memref<1064960xf32, #tpu.memory_space<vmem_shared>> -> memref<1064064xf32, #tpu.memory_space<vmem_shared>>
        %dma_wait3A_1008 = arith.constant 0 : i32
        %dma_wait3A_1009 = tpu.memref_slice %dma_wait3A_1007[%dma_wait3A_1008] : memref<1064064xf32, #tpu.memory_space<vmem_shared>> -> memref<1064064xf32, #tpu.memory_space<vmem_shared>>
        tpu.wait_indirect_dma semaphore(%arg19 : memref<!tpu.dma_semaphore, #tpu.memory_space<semaphore_mem>>) src(%dma_wait3A_1005 : memref<128xf32, #tpu.memory_space<vmem>>) dst(%dma_wait3A_1009 : memref<1064064xf32, #tpu.memory_space<vmem_shared>>)
        %dma_wait3A_1010 = arith.constant 1 : i32
        %dma_wait3A_1011 = arith.constant 0 : i32
        %dma_wait3A_1012 = tpu.memref_slice %arg15[%dma_wait3A_1010, %dma_wait3A_1011] : memref<8x128xf32, #tpu.memory_space<vmem>> -> memref<1x128xf32, #tpu.memory_space<vmem>>
        %dma_wait3A_1013 = tpu.memref_squeeze %dma_wait3A_1012 : memref<1x128xf32, #tpu.memory_space<vmem>> -> memref<128xf32, #tpu.memory_space<vmem>>
        %dma_wait3A_1014 = arith.constant 128 : i32
        %dma_wait3A_1015 = tpu.memref_slice %arg17[%dma_wait3A_1014] : memref<1064960xf32, #tpu.memory_space<vmem_shared>> -> memref<1064064xf32, #tpu.memory_space<vmem_shared>>
        %dma_wait3A_1016 = arith.constant 0 : i32
        %dma_wait3A_1017 = tpu.memref_slice %dma_wait3A_1015[%dma_wait3A_1016] : memref<1064064xf32, #tpu.memory_space<vmem_shared>> -> memref<1064064xf32, #tpu.memory_space<vmem_shared>>
        tpu.wait_indirect_dma semaphore(%arg19 : memref<!tpu.dma_semaphore, #tpu.memory_space<semaphore_mem>>) src(%dma_wait3A_1013 : memref<128xf32, #tpu.memory_space<vmem>>) dst(%dma_wait3A_1017 : memref<1064064xf32, #tpu.memory_space<vmem_shared>>)
        %dma_wait3A_1018 = arith.constant 2 : i32
        %dma_wait3A_1019 = arith.constant 0 : i32
        %dma_wait3A_1020 = tpu.memref_slice %arg15[%dma_wait3A_1018, %dma_wait3A_1019] : memref<8x128xf32, #tpu.memory_space<vmem>> -> memref<1x128xf32, #tpu.memory_space<vmem>>
        %dma_wait3A_1021 = tpu.memref_squeeze %dma_wait3A_1020 : memref<1x128xf32, #tpu.memory_space<vmem>> -> memref<128xf32, #tpu.memory_space<vmem>>
        %dma_wait3A_1022 = arith.constant 256 : i32
        %dma_wait3A_1023 = tpu.memref_slice %arg17[%dma_wait3A_1022] : memref<1064960xf32, #tpu.memory_space<vmem_shared>> -> memref<1064064xf32, #tpu.memory_space<vmem_shared>>
        %dma_wait3A_1024 = arith.constant 0 : i32
        %dma_wait3A_1025 = tpu.memref_slice %dma_wait3A_1023[%dma_wait3A_1024] : memref<1064064xf32, #tpu.memory_space<vmem_shared>> -> memref<1064064xf32, #tpu.memory_space<vmem_shared>>
        tpu.wait_indirect_dma semaphore(%arg19 : memref<!tpu.dma_semaphore, #tpu.memory_space<semaphore_mem>>) src(%dma_wait3A_1021 : memref<128xf32, #tpu.memory_space<vmem>>) dst(%dma_wait3A_1025 : memref<1064064xf32, #tpu.memory_space<vmem_shared>>)
        %dma_wait3A_1026 = arith.constant 3 : i32
        %dma_wait3A_1027 = arith.constant 0 : i32
        %dma_wait3A_1028 = tpu.memref_slice %arg15[%dma_wait3A_1026, %dma_wait3A_1027] : memref<8x128xf32, #tpu.memory_space<vmem>> -> memref<1x128xf32, #tpu.memory_space<vmem>>
        %dma_wait3A_1029 = tpu.memref_squeeze %dma_wait3A_1028 : memref<1x128xf32, #tpu.memory_space<vmem>> -> memref<128xf32, #tpu.memory_space<vmem>>
        %dma_wait3A_1030 = arith.constant 384 : i32
        %dma_wait3A_1031 = tpu.memref_slice %arg17[%dma_wait3A_1030] : memref<1064960xf32, #tpu.memory_space<vmem_shared>> -> memref<1064064xf32, #tpu.memory_space<vmem_shared>>
        %dma_wait3A_1032 = arith.constant 0 : i32
        %dma_wait3A_1033 = tpu.memref_slice %dma_wait3A_1031[%dma_wait3A_1032] : memref<1064064xf32, #tpu.memory_space<vmem_shared>> -> memref<1064064xf32, #tpu.memory_space<vmem_shared>>
        tpu.wait_indirect_dma semaphore(%arg19 : memref<!tpu.dma_semaphore, #tpu.memory_space<semaphore_mem>>) src(%dma_wait3A_1029 : memref<128xf32, #tpu.memory_space<vmem>>) dst(%dma_wait3A_1033 : memref<1064064xf32, #tpu.memory_space<vmem_shared>>)
        %dma_wait3A_1034 = arith.constant 4 : i32
        %dma_wait3A_1035 = arith.constant 0 : i32
        %dma_wait3A_1036 = tpu.memref_slice %arg15[%dma_wait3A_1034, %dma_wait3A_1035] : memref<8x128xf32, #tpu.memory_space<vmem>> -> memref<1x128xf32, #tpu.memory_space<vmem>>
        %dma_wait3A_1037 = tpu.memref_squeeze %dma_wait3A_1036 : memref<1x128xf32, #tpu.memory_space<vmem>> -> memref<128xf32, #tpu.memory_space<vmem>>
        %dma_wait3A_1038 = arith.constant 512 : i32
        %dma_wait3A_1039 = tpu.memref_slice %arg17[%dma_wait3A_1038] : memref<1064960xf32, #tpu.memory_space<vmem_shared>> -> memref<1064064xf32, #tpu.memory_space<vmem_shared>>
        %dma_wait3A_1040 = arith.constant 0 : i32
        %dma_wait3A_1041 = tpu.memref_slice %dma_wait3A_1039[%dma_wait3A_1040] : memref<1064064xf32, #tpu.memory_space<vmem_shared>> -> memref<1064064xf32, #tpu.memory_space<vmem_shared>>
        tpu.wait_indirect_dma semaphore(%arg19 : memref<!tpu.dma_semaphore, #tpu.memory_space<semaphore_mem>>) src(%dma_wait3A_1037 : memref<128xf32, #tpu.memory_space<vmem>>) dst(%dma_wait3A_1041 : memref<1064064xf32, #tpu.memory_space<vmem_shared>>)
        %dma_wait3A_1042 = arith.constant 5 : i32
        %dma_wait3A_1043 = arith.constant 0 : i32
        %dma_wait3A_1044 = tpu.memref_slice %arg15[%dma_wait3A_1042, %dma_wait3A_1043] : memref<8x128xf32, #tpu.memory_space<vmem>> -> memref<1x128xf32, #tpu.memory_space<vmem>>
        %dma_wait3A_1045 = tpu.memref_squeeze %dma_wait3A_1044 : memref<1x128xf32, #tpu.memory_space<vmem>> -> memref<128xf32, #tpu.memory_space<vmem>>
        %dma_wait3A_1046 = arith.constant 640 : i32
        %dma_wait3A_1047 = tpu.memref_slice %arg17[%dma_wait3A_1046] : memref<1064960xf32, #tpu.memory_space<vmem_shared>> -> memref<1064064xf32, #tpu.memory_space<vmem_shared>>
        %dma_wait3A_1048 = arith.constant 0 : i32
        %dma_wait3A_1049 = tpu.memref_slice %dma_wait3A_1047[%dma_wait3A_1048] : memref<1064064xf32, #tpu.memory_space<vmem_shared>> -> memref<1064064xf32, #tpu.memory_space<vmem_shared>>
        tpu.wait_indirect_dma semaphore(%arg19 : memref<!tpu.dma_semaphore, #tpu.memory_space<semaphore_mem>>) src(%dma_wait3A_1045 : memref<128xf32, #tpu.memory_space<vmem>>) dst(%dma_wait3A_1049 : memref<1064064xf32, #tpu.memory_space<vmem_shared>>)
        %dma_wait3A_1050 = arith.constant 6 : i32
        %dma_wait3A_1051 = arith.constant 0 : i32
        %dma_wait3A_1052 = tpu.memref_slice %arg15[%dma_wait3A_1050, %dma_wait3A_1051] : memref<8x128xf32, #tpu.memory_space<vmem>> -> memref<1x128xf32, #tpu.memory_space<vmem>>
        %dma_wait3A_1053 = tpu.memref_squeeze %dma_wait3A_1052 : memref<1x128xf32, #tpu.memory_space<vmem>> -> memref<128xf32, #tpu.memory_space<vmem>>
        %dma_wait3A_1054 = arith.constant 768 : i32
        %dma_wait3A_1055 = tpu.memref_slice %arg17[%dma_wait3A_1054] : memref<1064960xf32, #tpu.memory_space<vmem_shared>> -> memref<1064064xf32, #tpu.memory_space<vmem_shared>>
        %dma_wait3A_1056 = arith.constant 0 : i32
        %dma_wait3A_1057 = tpu.memref_slice %dma_wait3A_1055[%dma_wait3A_1056] : memref<1064064xf32, #tpu.memory_space<vmem_shared>> -> memref<1064064xf32, #tpu.memory_space<vmem_shared>>
        tpu.wait_indirect_dma semaphore(%arg19 : memref<!tpu.dma_semaphore, #tpu.memory_space<semaphore_mem>>) src(%dma_wait3A_1053 : memref<128xf32, #tpu.memory_space<vmem>>) dst(%dma_wait3A_1057 : memref<1064064xf32, #tpu.memory_space<vmem_shared>>)
        %dma_wait3A_1058 = arith.constant 7 : i32
        %dma_wait3A_1059 = arith.constant 0 : i32
        %dma_wait3A_1060 = tpu.memref_slice %arg15[%dma_wait3A_1058, %dma_wait3A_1059] : memref<8x128xf32, #tpu.memory_space<vmem>> -> memref<1x128xf32, #tpu.memory_space<vmem>>
        %dma_wait3A_1061 = tpu.memref_squeeze %dma_wait3A_1060 : memref<1x128xf32, #tpu.memory_space<vmem>> -> memref<128xf32, #tpu.memory_space<vmem>>
        %dma_wait3A_1062 = arith.constant 896 : i32
        %dma_wait3A_1063 = tpu.memref_slice %arg17[%dma_wait3A_1062] : memref<1064960xf32, #tpu.memory_space<vmem_shared>> -> memref<1064064xf32, #tpu.memory_space<vmem_shared>>
        %dma_wait3A_1064 = arith.constant 0 : i32
        %dma_wait3A_1065 = tpu.memref_slice %dma_wait3A_1063[%dma_wait3A_1064] : memref<1064064xf32, #tpu.memory_space<vmem_shared>> -> memref<1064064xf32, #tpu.memory_space<vmem_shared>>
        tpu.wait_indirect_dma semaphore(%arg19 : memref<!tpu.dma_semaphore, #tpu.memory_space<semaphore_mem>>) src(%dma_wait3A_1061 : memref<128xf32, #tpu.memory_space<vmem>>) dst(%dma_wait3A_1065 : memref<1064064xf32, #tpu.memory_space<vmem_shared>>)
        %while3A_1066 = arith.constant 0 : i32
        scf.yield %while3A_1066 : i32
      }
      %while3A_558 = arith.constant 1 : i32
      %while3A_559 = scf.for %while3A_569 = %while3A_555 to %while3A_551 step %while3A_558 iter_args(%while3A_570 = %while3A_557) -> (i32)  : i32 {
        %mul3A_571 = arith.constant 128 : i32
        %mul3A_572 = arith.muli %while3A_569, %mul3A_571 : i32
        %add3A_573 = arith.addi %squeeze3A_497, %mul3A_572 : i32
        %add3A_574 = arith.constant 0 : i32
        %add3A_575 = arith.addi %add3A_573, %add3A_574 : i32
        %add3A_576 = vector.broadcast %add3A_575 : i32 to vector<16xi32>
        %add3A_577 = arith.addi %add3A_576, %iota3A : vector<16xi32>
        %lt3A = vector.broadcast %squeeze3A_499 : i32 to vector<16xi32>
        %lt3A_578 = arith.cmpi slt, %add3A_577, %lt3A : vector<16xi32>
        %gather3A_579 = tpu.vector_load_idx %arg10[%add3A_577] masked %lt3A_578 : memref<4096xi32, #tpu.memory_space<vmem>>[vector<16xi32>], vector<16xi32>, vector<16xi1>
        %gather3A_580 = tpu.vector_load_idx %arg8[%gather3A_579] masked %lt3A_578 : memref<4096xi32, #tpu.memory_space<vmem>>[vector<16xi32>], vector<16xi32>, vector<16xi1>
        %sub3A_581 = vector.broadcast %add3A_486 : i32 to vector<16xi32>
        %sub3A_582 = arith.subi %gather3A_580, %sub3A_581 : vector<16xi32>
        %gather3A_583 = tpu.vector_load_idx %arg9[%gather3A_579] masked %lt3A_578 : memref<4096xi32, #tpu.memory_space<vmem>>[vector<16xi32>], vector<16xi32>, vector<16xi1>
        %mul3A_584 = arith.constant 1024 : i32
        %mul3A_585 = arith.muli %arg1, %mul3A_584 : i32
        %add3A_586 = arith.constant 1048576 : i32
        %add3A_587 = arith.addi %add3A_586, %mul3A_585 : i32
        %broadcast_in_dim3A_588 = vector.broadcast %add3A_587 : i32 to vector<16xi32>
        %select_n3A_589 = arith.select %lt3A_578, %sub3A_582, %broadcast_in_dim3A_588 : vector<16xi1>, vector<16xi32>
        %mul3A_590 = arith.constant 32768 : i32
        %mul3A_591 = arith.muli %arg1, %mul3A_590 : i32
        %broadcast_in_dim3A_592 = vector.broadcast %mul3A_591 : i32 to vector<16xi32>
        %select_n3A_593 = arith.select %lt3A_578, %gather3A_583, %broadcast_in_dim3A_592 : vector<16xi1>, vector<16xi32>
        %add3A_594 = arith.constant 0 : i32
        %add3A_595 = vector.broadcast %add3A_594 : i32 to vector<16xi32>
        %add3A_596 = arith.addi %add3A_595, %iota3A : vector<16xi32>
        tpu.vector_store_idx %arg13[%add3A_596], %select_n3A_589 : memref<128xi32, #tpu.memory_space<vmem>>[vector<16xi32>], vector<16xi32>,
        %add3A_597 = arith.constant 0 : i32
        %add3A_598 = vector.broadcast %add3A_597 : i32 to vector<16xi32>
        %add3A_599 = arith.addi %add3A_598, %iota3A : vector<16xi32>
        tpu.vector_store_idx %arg14[%add3A_599], %select_n3A_593 : memref<128xi32, #tpu.memory_space<vmem>>[vector<16xi32>], vector<16xi32>,
        %mul3A_600 = arith.constant 128 : i32
        %mul3A_601 = arith.muli %while3A_569, %mul3A_600 : i32
        %add3A_602 = arith.addi %squeeze3A_497, %mul3A_601 : i32
        %add3A_603 = arith.constant 16 : i32
        %add3A_604 = arith.addi %add3A_602, %add3A_603 : i32
        %add3A_605 = vector.broadcast %add3A_604 : i32 to vector<16xi32>
        %add3A_606 = arith.addi %add3A_605, %iota3A : vector<16xi32>
        %lt3A_607 = vector.broadcast %squeeze3A_499 : i32 to vector<16xi32>
        %lt3A_608 = arith.cmpi slt, %add3A_606, %lt3A_607 : vector<16xi32>
        %gather3A_609 = tpu.vector_load_idx %arg10[%add3A_606] masked %lt3A_608 : memref<4096xi32, #tpu.memory_space<vmem>>[vector<16xi32>], vector<16xi32>, vector<16xi1>
        %gather3A_610 = tpu.vector_load_idx %arg8[%gather3A_609] masked %lt3A_608 : memref<4096xi32, #tpu.memory_space<vmem>>[vector<16xi32>], vector<16xi32>, vector<16xi1>
        %sub3A_611 = vector.broadcast %add3A_486 : i32 to vector<16xi32>
        %sub3A_612 = arith.subi %gather3A_610, %sub3A_611 : vector<16xi32>
        %gather3A_613 = tpu.vector_load_idx %arg9[%gather3A_609] masked %lt3A_608 : memref<4096xi32, #tpu.memory_space<vmem>>[vector<16xi32>], vector<16xi32>, vector<16xi1>
        %mul3A_614 = arith.constant 1024 : i32
        %mul3A_615 = arith.muli %arg1, %mul3A_614 : i32
        %add3A_616 = arith.constant 1048576 : i32
        %add3A_617 = arith.addi %add3A_616, %mul3A_615 : i32
        %broadcast_in_dim3A_618 = vector.broadcast %add3A_617 : i32 to vector<16xi32>
        %select_n3A_619 = arith.select %lt3A_608, %sub3A_612, %broadcast_in_dim3A_618 : vector<16xi1>, vector<16xi32>
        %mul3A_620 = arith.constant 32768 : i32
        %mul3A_621 = arith.muli %arg1, %mul3A_620 : i32
        %broadcast_in_dim3A_622 = vector.broadcast %mul3A_621 : i32 to vector<16xi32>
        %select_n3A_623 = arith.select %lt3A_608, %gather3A_613, %broadcast_in_dim3A_622 : vector<16xi1>, vector<16xi32>
        %add3A_624 = arith.constant 16 : i32
        %add3A_625 = vector.broadcast %add3A_624 : i32 to vector<16xi32>
        %add3A_626 = arith.addi %add3A_625, %iota3A : vector<16xi32>
        tpu.vector_store_idx %arg13[%add3A_626], %select_n3A_619 : memref<128xi32, #tpu.memory_space<vmem>>[vector<16xi32>], vector<16xi32>,
        %add3A_627 = arith.constant 16 : i32
        %add3A_628 = vector.broadcast %add3A_627 : i32 to vector<16xi32>
        %add3A_629 = arith.addi %add3A_628, %iota3A : vector<16xi32>
        tpu.vector_store_idx %arg14[%add3A_629], %select_n3A_623 : memref<128xi32, #tpu.memory_space<vmem>>[vector<16xi32>], vector<16xi32>,
        %mul3A_630 = arith.constant 128 : i32
        %mul3A_631 = arith.muli %while3A_569, %mul3A_630 : i32
        %add3A_632 = arith.addi %squeeze3A_497, %mul3A_631 : i32
        %add3A_633 = arith.constant 32 : i32
        %add3A_634 = arith.addi %add3A_632, %add3A_633 : i32
        %add3A_635 = vector.broadcast %add3A_634 : i32 to vector<16xi32>
        %add3A_636 = arith.addi %add3A_635, %iota3A : vector<16xi32>
        %lt3A_637 = vector.broadcast %squeeze3A_499 : i32 to vector<16xi32>
        %lt3A_638 = arith.cmpi slt, %add3A_636, %lt3A_637 : vector<16xi32>
        %gather3A_639 = tpu.vector_load_idx %arg10[%add3A_636] masked %lt3A_638 : memref<4096xi32, #tpu.memory_space<vmem>>[vector<16xi32>], vector<16xi32>, vector<16xi1>
        %gather3A_640 = tpu.vector_load_idx %arg8[%gather3A_639] masked %lt3A_638 : memref<4096xi32, #tpu.memory_space<vmem>>[vector<16xi32>], vector<16xi32>, vector<16xi1>
        %sub3A_641 = vector.broadcast %add3A_486 : i32 to vector<16xi32>
        %sub3A_642 = arith.subi %gather3A_640, %sub3A_641 : vector<16xi32>
        %gather3A_643 = tpu.vector_load_idx %arg9[%gather3A_639] masked %lt3A_638 : memref<4096xi32, #tpu.memory_space<vmem>>[vector<16xi32>], vector<16xi32>, vector<16xi1>
        %mul3A_644 = arith.constant 1024 : i32
        %mul3A_645 = arith.muli %arg1, %mul3A_644 : i32
        %add3A_646 = arith.constant 1048576 : i32
        %add3A_647 = arith.addi %add3A_646, %mul3A_645 : i32
        %broadcast_in_dim3A_648 = vector.broadcast %add3A_647 : i32 to vector<16xi32>
        %select_n3A_649 = arith.select %lt3A_638, %sub3A_642, %broadcast_in_dim3A_648 : vector<16xi1>, vector<16xi32>
        %mul3A_650 = arith.constant 32768 : i32
        %mul3A_651 = arith.muli %arg1, %mul3A_650 : i32
        %broadcast_in_dim3A_652 = vector.broadcast %mul3A_651 : i32 to vector<16xi32>
        %select_n3A_653 = arith.select %lt3A_638, %gather3A_643, %broadcast_in_dim3A_652 : vector<16xi1>, vector<16xi32>
        %add3A_654 = arith.constant 32 : i32
        %add3A_655 = vector.broadcast %add3A_654 : i32 to vector<16xi32>
        %add3A_656 = arith.addi %add3A_655, %iota3A : vector<16xi32>
        tpu.vector_store_idx %arg13[%add3A_656], %select_n3A_649 : memref<128xi32, #tpu.memory_space<vmem>>[vector<16xi32>], vector<16xi32>,
        %add3A_657 = arith.constant 32 : i32
        %add3A_658 = vector.broadcast %add3A_657 : i32 to vector<16xi32>
        %add3A_659 = arith.addi %add3A_658, %iota3A : vector<16xi32>
        tpu.vector_store_idx %arg14[%add3A_659], %select_n3A_653 : memref<128xi32, #tpu.memory_space<vmem>>[vector<16xi32>], vector<16xi32>,
        %mul3A_660 = arith.constant 128 : i32
        %mul3A_661 = arith.muli %while3A_569, %mul3A_660 : i32
        %add3A_662 = arith.addi %squeeze3A_497, %mul3A_661 : i32
        %add3A_663 = arith.constant 48 : i32
        %add3A_664 = arith.addi %add3A_662, %add3A_663 : i32
        %add3A_665 = vector.broadcast %add3A_664 : i32 to vector<16xi32>
        %add3A_666 = arith.addi %add3A_665, %iota3A : vector<16xi32>
        %lt3A_667 = vector.broadcast %squeeze3A_499 : i32 to vector<16xi32>
        %lt3A_668 = arith.cmpi slt, %add3A_666, %lt3A_667 : vector<16xi32>
        %gather3A_669 = tpu.vector_load_idx %arg10[%add3A_666] masked %lt3A_668 : memref<4096xi32, #tpu.memory_space<vmem>>[vector<16xi32>], vector<16xi32>, vector<16xi1>
        %gather3A_670 = tpu.vector_load_idx %arg8[%gather3A_669] masked %lt3A_668 : memref<4096xi32, #tpu.memory_space<vmem>>[vector<16xi32>], vector<16xi32>, vector<16xi1>
        %sub3A_671 = vector.broadcast %add3A_486 : i32 to vector<16xi32>
        %sub3A_672 = arith.subi %gather3A_670, %sub3A_671 : vector<16xi32>
        %gather3A_673 = tpu.vector_load_idx %arg9[%gather3A_669] masked %lt3A_668 : memref<4096xi32, #tpu.memory_space<vmem>>[vector<16xi32>], vector<16xi32>, vector<16xi1>
        %mul3A_674 = arith.constant 1024 : i32
        %mul3A_675 = arith.muli %arg1, %mul3A_674 : i32
        %add3A_676 = arith.constant 1048576 : i32
        %add3A_677 = arith.addi %add3A_676, %mul3A_675 : i32
        %broadcast_in_dim3A_678 = vector.broadcast %add3A_677 : i32 to vector<16xi32>
        %select_n3A_679 = arith.select %lt3A_668, %sub3A_672, %broadcast_in_dim3A_678 : vector<16xi1>, vector<16xi32>
        %mul3A_680 = arith.constant 32768 : i32
        %mul3A_681 = arith.muli %arg1, %mul3A_680 : i32
        %broadcast_in_dim3A_682 = vector.broadcast %mul3A_681 : i32 to vector<16xi32>
        %select_n3A_683 = arith.select %lt3A_668, %gather3A_673, %broadcast_in_dim3A_682 : vector<16xi1>, vector<16xi32>
        %add3A_684 = arith.constant 48 : i32
        %add3A_685 = vector.broadcast %add3A_684 : i32 to vector<16xi32>
        %add3A_686 = arith.addi %add3A_685, %iota3A : vector<16xi32>
        tpu.vector_store_idx %arg13[%add3A_686], %select_n3A_679 : memref<128xi32, #tpu.memory_space<vmem>>[vector<16xi32>], vector<16xi32>,
        %add3A_687 = arith.constant 48 : i32
        %add3A_688 = vector.broadcast %add3A_687 : i32 to vector<16xi32>
        %add3A_689 = arith.addi %add3A_688, %iota3A : vector<16xi32>
        tpu.vector_store_idx %arg14[%add3A_689], %select_n3A_683 : memref<128xi32, #tpu.memory_space<vmem>>[vector<16xi32>], vector<16xi32>,
        %mul3A_690 = arith.constant 128 : i32
        %mul3A_691 = arith.muli %while3A_569, %mul3A_690 : i32
        %add3A_692 = arith.addi %squeeze3A_497, %mul3A_691 : i32
        %add3A_693 = arith.constant 64 : i32
        %add3A_694 = arith.addi %add3A_692, %add3A_693 : i32
        %add3A_695 = vector.broadcast %add3A_694 : i32 to vector<16xi32>
        %add3A_696 = arith.addi %add3A_695, %iota3A : vector<16xi32>
        %lt3A_697 = vector.broadcast %squeeze3A_499 : i32 to vector<16xi32>
        %lt3A_698 = arith.cmpi slt, %add3A_696, %lt3A_697 : vector<16xi32>
        %gather3A_699 = tpu.vector_load_idx %arg10[%add3A_696] masked %lt3A_698 : memref<4096xi32, #tpu.memory_space<vmem>>[vector<16xi32>], vector<16xi32>, vector<16xi1>
        %gather3A_700 = tpu.vector_load_idx %arg8[%gather3A_699] masked %lt3A_698 : memref<4096xi32, #tpu.memory_space<vmem>>[vector<16xi32>], vector<16xi32>, vector<16xi1>
        %sub3A_701 = vector.broadcast %add3A_486 : i32 to vector<16xi32>
        %sub3A_702 = arith.subi %gather3A_700, %sub3A_701 : vector<16xi32>
        %gather3A_703 = tpu.vector_load_idx %arg9[%gather3A_699] masked %lt3A_698 : memref<4096xi32, #tpu.memory_space<vmem>>[vector<16xi32>], vector<16xi32>, vector<16xi1>
        %mul3A_704 = arith.constant 1024 : i32
        %mul3A_705 = arith.muli %arg1, %mul3A_704 : i32
        %add3A_706 = arith.constant 1048576 : i32
        %add3A_707 = arith.addi %add3A_706, %mul3A_705 : i32
        %broadcast_in_dim3A_708 = vector.broadcast %add3A_707 : i32 to vector<16xi32>
        %select_n3A_709 = arith.select %lt3A_698, %sub3A_702, %broadcast_in_dim3A_708 : vector<16xi1>, vector<16xi32>
        %mul3A_710 = arith.constant 32768 : i32
        %mul3A_711 = arith.muli %arg1, %mul3A_710 : i32
        %broadcast_in_dim3A_712 = vector.broadcast %mul3A_711 : i32 to vector<16xi32>
        %select_n3A_713 = arith.select %lt3A_698, %gather3A_703, %broadcast_in_dim3A_712 : vector<16xi1>, vector<16xi32>
        %add3A_714 = arith.constant 64 : i32
        %add3A_715 = vector.broadcast %add3A_714 : i32 to vector<16xi32>
        %add3A_716 = arith.addi %add3A_715, %iota3A : vector<16xi32>
        tpu.vector_store_idx %arg13[%add3A_716], %select_n3A_709 : memref<128xi32, #tpu.memory_space<vmem>>[vector<16xi32>], vector<16xi32>,
        %add3A_717 = arith.constant 64 : i32
        %add3A_718 = vector.broadcast %add3A_717 : i32 to vector<16xi32>
        %add3A_719 = arith.addi %add3A_718, %iota3A : vector<16xi32>
        tpu.vector_store_idx %arg14[%add3A_719], %select_n3A_713 : memref<128xi32, #tpu.memory_space<vmem>>[vector<16xi32>], vector<16xi32>,
        %mul3A_720 = arith.constant 128 : i32
        %mul3A_721 = arith.muli %while3A_569, %mul3A_720 : i32
        %add3A_722 = arith.addi %squeeze3A_497, %mul3A_721 : i32
        %add3A_723 = arith.constant 80 : i32
        %add3A_724 = arith.addi %add3A_722, %add3A_723 : i32
        %add3A_725 = vector.broadcast %add3A_724 : i32 to vector<16xi32>
        %add3A_726 = arith.addi %add3A_725, %iota3A : vector<16xi32>
        %lt3A_727 = vector.broadcast %squeeze3A_499 : i32 to vector<16xi32>
        %lt3A_728 = arith.cmpi slt, %add3A_726, %lt3A_727 : vector<16xi32>
        %gather3A_729 = tpu.vector_load_idx %arg10[%add3A_726] masked %lt3A_728 : memref<4096xi32, #tpu.memory_space<vmem>>[vector<16xi32>], vector<16xi32>, vector<16xi1>
        %gather3A_730 = tpu.vector_load_idx %arg8[%gather3A_729] masked %lt3A_728 : memref<4096xi32, #tpu.memory_space<vmem>>[vector<16xi32>], vector<16xi32>, vector<16xi1>
        %sub3A_731 = vector.broadcast %add3A_486 : i32 to vector<16xi32>
        %sub3A_732 = arith.subi %gather3A_730, %sub3A_731 : vector<16xi32>
        %gather3A_733 = tpu.vector_load_idx %arg9[%gather3A_729] masked %lt3A_728 : memref<4096xi32, #tpu.memory_space<vmem>>[vector<16xi32>], vector<16xi32>, vector<16xi1>
        %mul3A_734 = arith.constant 1024 : i32
        %mul3A_735 = arith.muli %arg1, %mul3A_734 : i32
        %add3A_736 = arith.constant 1048576 : i32
        %add3A_737 = arith.addi %add3A_736, %mul3A_735 : i32
        %broadcast_in_dim3A_738 = vector.broadcast %add3A_737 : i32 to vector<16xi32>
        %select_n3A_739 = arith.select %lt3A_728, %sub3A_732, %broadcast_in_dim3A_738 : vector<16xi1>, vector<16xi32>
        %mul3A_740 = arith.constant 32768 : i32
        %mul3A_741 = arith.muli %arg1, %mul3A_740 : i32
        %broadcast_in_dim3A_742 = vector.broadcast %mul3A_741 : i32 to vector<16xi32>
        %select_n3A_743 = arith.select %lt3A_728, %gather3A_733, %broadcast_in_dim3A_742 : vector<16xi1>, vector<16xi32>
        %add3A_744 = arith.constant 80 : i32
        %add3A_745 = vector.broadcast %add3A_744 : i32 to vector<16xi32>
        %add3A_746 = arith.addi %add3A_745, %iota3A : vector<16xi32>
        tpu.vector_store_idx %arg13[%add3A_746], %select_n3A_739 : memref<128xi32, #tpu.memory_space<vmem>>[vector<16xi32>], vector<16xi32>,
        %add3A_747 = arith.constant 80 : i32
        %add3A_748 = vector.broadcast %add3A_747 : i32 to vector<16xi32>
        %add3A_749 = arith.addi %add3A_748, %iota3A : vector<16xi32>
        tpu.vector_store_idx %arg14[%add3A_749], %select_n3A_743 : memref<128xi32, #tpu.memory_space<vmem>>[vector<16xi32>], vector<16xi32>,
        %mul3A_750 = arith.constant 128 : i32
        %mul3A_751 = arith.muli %while3A_569, %mul3A_750 : i32
        %add3A_752 = arith.addi %squeeze3A_497, %mul3A_751 : i32
        %add3A_753 = arith.constant 96 : i32
        %add3A_754 = arith.addi %add3A_752, %add3A_753 : i32
        %add3A_755 = vector.broadcast %add3A_754 : i32 to vector<16xi32>
        %add3A_756 = arith.addi %add3A_755, %iota3A : vector<16xi32>
        %lt3A_757 = vector.broadcast %squeeze3A_499 : i32 to vector<16xi32>
        %lt3A_758 = arith.cmpi slt, %add3A_756, %lt3A_757 : vector<16xi32>
        %gather3A_759 = tpu.vector_load_idx %arg10[%add3A_756] masked %lt3A_758 : memref<4096xi32, #tpu.memory_space<vmem>>[vector<16xi32>], vector<16xi32>, vector<16xi1>
        %gather3A_760 = tpu.vector_load_idx %arg8[%gather3A_759] masked %lt3A_758 : memref<4096xi32, #tpu.memory_space<vmem>>[vector<16xi32>], vector<16xi32>, vector<16xi1>
        %sub3A_761 = vector.broadcast %add3A_486 : i32 to vector<16xi32>
        %sub3A_762 = arith.subi %gather3A_760, %sub3A_761 : vector<16xi32>
        %gather3A_763 = tpu.vector_load_idx %arg9[%gather3A_759] masked %lt3A_758 : memref<4096xi32, #tpu.memory_space<vmem>>[vector<16xi32>], vector<16xi32>, vector<16xi1>
        %mul3A_764 = arith.constant 1024 : i32
        %mul3A_765 = arith.muli %arg1, %mul3A_764 : i32
        %add3A_766 = arith.constant 1048576 : i32
        %add3A_767 = arith.addi %add3A_766, %mul3A_765 : i32
        %broadcast_in_dim3A_768 = vector.broadcast %add3A_767 : i32 to vector<16xi32>
        %select_n3A_769 = arith.select %lt3A_758, %sub3A_762, %broadcast_in_dim3A_768 : vector<16xi1>, vector<16xi32>
        %mul3A_770 = arith.constant 32768 : i32
        %mul3A_771 = arith.muli %arg1, %mul3A_770 : i32
        %broadcast_in_dim3A_772 = vector.broadcast %mul3A_771 : i32 to vector<16xi32>
        %select_n3A_773 = arith.select %lt3A_758, %gather3A_763, %broadcast_in_dim3A_772 : vector<16xi1>, vector<16xi32>
        %add3A_774 = arith.constant 96 : i32
        %add3A_775 = vector.broadcast %add3A_774 : i32 to vector<16xi32>
        %add3A_776 = arith.addi %add3A_775, %iota3A : vector<16xi32>
        tpu.vector_store_idx %arg13[%add3A_776], %select_n3A_769 : memref<128xi32, #tpu.memory_space<vmem>>[vector<16xi32>], vector<16xi32>,
        %add3A_777 = arith.constant 96 : i32
        %add3A_778 = vector.broadcast %add3A_777 : i32 to vector<16xi32>
        %add3A_779 = arith.addi %add3A_778, %iota3A : vector<16xi32>
        tpu.vector_store_idx %arg14[%add3A_779], %select_n3A_773 : memref<128xi32, #tpu.memory_space<vmem>>[vector<16xi32>], vector<16xi32>,
        %mul3A_780 = arith.constant 128 : i32
        %mul3A_781 = arith.muli %while3A_569, %mul3A_780 : i32
        %add3A_782 = arith.addi %squeeze3A_497, %mul3A_781 : i32
        %add3A_783 = arith.constant 112 : i32
        %add3A_784 = arith.addi %add3A_782, %add3A_783 : i32
        %add3A_785 = vector.broadcast %add3A_784 : i32 to vector<16xi32>
        %add3A_786 = arith.addi %add3A_785, %iota3A : vector<16xi32>
        %lt3A_787 = vector.broadcast %squeeze3A_499 : i32 to vector<16xi32>
        %lt3A_788 = arith.cmpi slt, %add3A_786, %lt3A_787 : vector<16xi32>
        %gather3A_789 = tpu.vector_load_idx %arg10[%add3A_786] masked %lt3A_788 : memref<4096xi32, #tpu.memory_space<vmem>>[vector<16xi32>], vector<16xi32>, vector<16xi1>
        %gather3A_790 = tpu.vector_load_idx %arg8[%gather3A_789] masked %lt3A_788 : memref<4096xi32, #tpu.memory_space<vmem>>[vector<16xi32>], vector<16xi32>, vector<16xi1>
        %sub3A_791 = vector.broadcast %add3A_486 : i32 to vector<16xi32>
        %sub3A_792 = arith.subi %gather3A_790, %sub3A_791 : vector<16xi32>
        %gather3A_793 = tpu.vector_load_idx %arg9[%gather3A_789] masked %lt3A_788 : memref<4096xi32, #tpu.memory_space<vmem>>[vector<16xi32>], vector<16xi32>, vector<16xi1>
        %mul3A_794 = arith.constant 1024 : i32
        %mul3A_795 = arith.muli %arg1, %mul3A_794 : i32
        %add3A_796 = arith.constant 1048576 : i32
        %add3A_797 = arith.addi %add3A_796, %mul3A_795 : i32
        %broadcast_in_dim3A_798 = vector.broadcast %add3A_797 : i32 to vector<16xi32>
        %select_n3A_799 = arith.select %lt3A_788, %sub3A_792, %broadcast_in_dim3A_798 : vector<16xi1>, vector<16xi32>
        %mul3A_800 = arith.constant 32768 : i32
        %mul3A_801 = arith.muli %arg1, %mul3A_800 : i32
        %broadcast_in_dim3A_802 = vector.broadcast %mul3A_801 : i32 to vector<16xi32>
        %select_n3A_803 = arith.select %lt3A_788, %gather3A_793, %broadcast_in_dim3A_802 : vector<16xi1>, vector<16xi32>
        %add3A_804 = arith.constant 112 : i32
        %add3A_805 = vector.broadcast %add3A_804 : i32 to vector<16xi32>
        %add3A_806 = arith.addi %add3A_805, %iota3A : vector<16xi32>
        tpu.vector_store_idx %arg13[%add3A_806], %select_n3A_799 : memref<128xi32, #tpu.memory_space<vmem>>[vector<16xi32>], vector<16xi32>,
        %add3A_807 = arith.constant 112 : i32
        %add3A_808 = vector.broadcast %add3A_807 : i32 to vector<16xi32>
        %add3A_809 = arith.addi %add3A_808, %iota3A : vector<16xi32>
        tpu.vector_store_idx %arg14[%add3A_809], %select_n3A_803 : memref<128xi32, #tpu.memory_space<vmem>>[vector<16xi32>], vector<16xi32>,
        %dma_start3A_810 = arith.constant 0 : i32
        %dma_start3A_811 = arith.constant 0 : i32
        %dma_start3A_812 = tpu.memref_slice %arg15[%dma_start3A_810, %dma_start3A_811] : memref<8x128xf32, #tpu.memory_space<vmem>> -> memref<1x128xf32, #tpu.memory_space<vmem>>
        %dma_start3A_813 = tpu.memref_squeeze %dma_start3A_812 : memref<1x128xf32, #tpu.memory_space<vmem>> -> memref<128xf32, #tpu.memory_space<vmem>>
        %dma_start3A_814 = arith.constant 0 : i32
        %dma_start3A_815 = tpu.memref_slice %arg4[%dma_start3A_814] : memref<524288xf32, #tpu.memory_space<hbm>> -> memref<523392xf32, #tpu.memory_space<hbm>>
        %dma_start3A_816 = arith.constant 0 : i32
        %dma_start3A_817 = tpu.memref_slice %dma_start3A_815[%dma_start3A_816] : memref<523392xf32, #tpu.memory_space<hbm>> -> memref<523392xf32, #tpu.memory_space<hbm>>
        tpu.enqueue_indirect_dma source(%dma_start3A_817 : memref<523392xf32, #tpu.memory_space<hbm>>) target(%dma_start3A_813 : memref<128xf32, #tpu.memory_space<vmem>>) offsets(%arg14 : memref<128xi32, #tpu.memory_space<vmem>>) semaphore(%arg18 : memref<!tpu.dma_semaphore, #tpu.memory_space<semaphore_mem>>)
        %dma_start3A_818 = arith.constant 1 : i32
        %dma_start3A_819 = arith.constant 0 : i32
        %dma_start3A_820 = tpu.memref_slice %arg15[%dma_start3A_818, %dma_start3A_819] : memref<8x128xf32, #tpu.memory_space<vmem>> -> memref<1x128xf32, #tpu.memory_space<vmem>>
        %dma_start3A_821 = tpu.memref_squeeze %dma_start3A_820 : memref<1x128xf32, #tpu.memory_space<vmem>> -> memref<128xf32, #tpu.memory_space<vmem>>
        %dma_start3A_822 = arith.constant 128 : i32
        %dma_start3A_823 = tpu.memref_slice %arg4[%dma_start3A_822] : memref<524288xf32, #tpu.memory_space<hbm>> -> memref<523392xf32, #tpu.memory_space<hbm>>
        %dma_start3A_824 = arith.constant 0 : i32
        %dma_start3A_825 = tpu.memref_slice %dma_start3A_823[%dma_start3A_824] : memref<523392xf32, #tpu.memory_space<hbm>> -> memref<523392xf32, #tpu.memory_space<hbm>>
        tpu.enqueue_indirect_dma source(%dma_start3A_825 : memref<523392xf32, #tpu.memory_space<hbm>>) target(%dma_start3A_821 : memref<128xf32, #tpu.memory_space<vmem>>) offsets(%arg14 : memref<128xi32, #tpu.memory_space<vmem>>) semaphore(%arg18 : memref<!tpu.dma_semaphore, #tpu.memory_space<semaphore_mem>>)
        %dma_start3A_826 = arith.constant 2 : i32
        %dma_start3A_827 = arith.constant 0 : i32
        %dma_start3A_828 = tpu.memref_slice %arg15[%dma_start3A_826, %dma_start3A_827] : memref<8x128xf32, #tpu.memory_space<vmem>> -> memref<1x128xf32, #tpu.memory_space<vmem>>
        %dma_start3A_829 = tpu.memref_squeeze %dma_start3A_828 : memref<1x128xf32, #tpu.memory_space<vmem>> -> memref<128xf32, #tpu.memory_space<vmem>>
        %dma_start3A_830 = arith.constant 256 : i32
        %dma_start3A_831 = tpu.memref_slice %arg4[%dma_start3A_830] : memref<524288xf32, #tpu.memory_space<hbm>> -> memref<523392xf32, #tpu.memory_space<hbm>>
        %dma_start3A_832 = arith.constant 0 : i32
        %dma_start3A_833 = tpu.memref_slice %dma_start3A_831[%dma_start3A_832] : memref<523392xf32, #tpu.memory_space<hbm>> -> memref<523392xf32, #tpu.memory_space<hbm>>
        tpu.enqueue_indirect_dma source(%dma_start3A_833 : memref<523392xf32, #tpu.memory_space<hbm>>) target(%dma_start3A_829 : memref<128xf32, #tpu.memory_space<vmem>>) offsets(%arg14 : memref<128xi32, #tpu.memory_space<vmem>>) semaphore(%arg18 : memref<!tpu.dma_semaphore, #tpu.memory_space<semaphore_mem>>)
        %dma_start3A_834 = arith.constant 3 : i32
        %dma_start3A_835 = arith.constant 0 : i32
        %dma_start3A_836 = tpu.memref_slice %arg15[%dma_start3A_834, %dma_start3A_835] : memref<8x128xf32, #tpu.memory_space<vmem>> -> memref<1x128xf32, #tpu.memory_space<vmem>>
        %dma_start3A_837 = tpu.memref_squeeze %dma_start3A_836 : memref<1x128xf32, #tpu.memory_space<vmem>> -> memref<128xf32, #tpu.memory_space<vmem>>
        %dma_start3A_838 = arith.constant 384 : i32
        %dma_start3A_839 = tpu.memref_slice %arg4[%dma_start3A_838] : memref<524288xf32, #tpu.memory_space<hbm>> -> memref<523392xf32, #tpu.memory_space<hbm>>
        %dma_start3A_840 = arith.constant 0 : i32
        %dma_start3A_841 = tpu.memref_slice %dma_start3A_839[%dma_start3A_840] : memref<523392xf32, #tpu.memory_space<hbm>> -> memref<523392xf32, #tpu.memory_space<hbm>>
        tpu.enqueue_indirect_dma source(%dma_start3A_841 : memref<523392xf32, #tpu.memory_space<hbm>>) target(%dma_start3A_837 : memref<128xf32, #tpu.memory_space<vmem>>) offsets(%arg14 : memref<128xi32, #tpu.memory_space<vmem>>) semaphore(%arg18 : memref<!tpu.dma_semaphore, #tpu.memory_space<semaphore_mem>>)
        %dma_start3A_842 = arith.constant 4 : i32
        %dma_start3A_843 = arith.constant 0 : i32
        %dma_start3A_844 = tpu.memref_slice %arg15[%dma_start3A_842, %dma_start3A_843] : memref<8x128xf32, #tpu.memory_space<vmem>> -> memref<1x128xf32, #tpu.memory_space<vmem>>
        %dma_start3A_845 = tpu.memref_squeeze %dma_start3A_844 : memref<1x128xf32, #tpu.memory_space<vmem>> -> memref<128xf32, #tpu.memory_space<vmem>>
        %dma_start3A_846 = arith.constant 512 : i32
        %dma_start3A_847 = tpu.memref_slice %arg4[%dma_start3A_846] : memref<524288xf32, #tpu.memory_space<hbm>> -> memref<523392xf32, #tpu.memory_space<hbm>>
        %dma_start3A_848 = arith.constant 0 : i32
        %dma_start3A_849 = tpu.memref_slice %dma_start3A_847[%dma_start3A_848] : memref<523392xf32, #tpu.memory_space<hbm>> -> memref<523392xf32, #tpu.memory_space<hbm>>
        tpu.enqueue_indirect_dma source(%dma_start3A_849 : memref<523392xf32, #tpu.memory_space<hbm>>) target(%dma_start3A_845 : memref<128xf32, #tpu.memory_space<vmem>>) offsets(%arg14 : memref<128xi32, #tpu.memory_space<vmem>>) semaphore(%arg18 : memref<!tpu.dma_semaphore, #tpu.memory_space<semaphore_mem>>)
        %dma_start3A_850 = arith.constant 5 : i32
        %dma_start3A_851 = arith.constant 0 : i32
        %dma_start3A_852 = tpu.memref_slice %arg15[%dma_start3A_850, %dma_start3A_851] : memref<8x128xf32, #tpu.memory_space<vmem>> -> memref<1x128xf32, #tpu.memory_space<vmem>>
        %dma_start3A_853 = tpu.memref_squeeze %dma_start3A_852 : memref<1x128xf32, #tpu.memory_space<vmem>> -> memref<128xf32, #tpu.memory_space<vmem>>
        %dma_start3A_854 = arith.constant 640 : i32
        %dma_start3A_855 = tpu.memref_slice %arg4[%dma_start3A_854] : memref<524288xf32, #tpu.memory_space<hbm>> -> memref<523392xf32, #tpu.memory_space<hbm>>
        %dma_start3A_856 = arith.constant 0 : i32
        %dma_start3A_857 = tpu.memref_slice %dma_start3A_855[%dma_start3A_856] : memref<523392xf32, #tpu.memory_space<hbm>> -> memref<523392xf32, #tpu.memory_space<hbm>>
        tpu.enqueue_indirect_dma source(%dma_start3A_857 : memref<523392xf32, #tpu.memory_space<hbm>>) target(%dma_start3A_853 : memref<128xf32, #tpu.memory_space<vmem>>) offsets(%arg14 : memref<128xi32, #tpu.memory_space<vmem>>) semaphore(%arg18 : memref<!tpu.dma_semaphore, #tpu.memory_space<semaphore_mem>>)
        %dma_start3A_858 = arith.constant 6 : i32
        %dma_start3A_859 = arith.constant 0 : i32
        %dma_start3A_860 = tpu.memref_slice %arg15[%dma_start3A_858, %dma_start3A_859] : memref<8x128xf32, #tpu.memory_space<vmem>> -> memref<1x128xf32, #tpu.memory_space<vmem>>
        %dma_start3A_861 = tpu.memref_squeeze %dma_start3A_860 : memref<1x128xf32, #tpu.memory_space<vmem>> -> memref<128xf32, #tpu.memory_space<vmem>>
        %dma_start3A_862 = arith.constant 768 : i32
        %dma_start3A_863 = tpu.memref_slice %arg4[%dma_start3A_862] : memref<524288xf32, #tpu.memory_space<hbm>> -> memref<523392xf32, #tpu.memory_space<hbm>>
        %dma_start3A_864 = arith.constant 0 : i32
        %dma_start3A_865 = tpu.memref_slice %dma_start3A_863[%dma_start3A_864] : memref<523392xf32, #tpu.memory_space<hbm>> -> memref<523392xf32, #tpu.memory_space<hbm>>
        tpu.enqueue_indirect_dma source(%dma_start3A_865 : memref<523392xf32, #tpu.memory_space<hbm>>) target(%dma_start3A_861 : memref<128xf32, #tpu.memory_space<vmem>>) offsets(%arg14 : memref<128xi32, #tpu.memory_space<vmem>>) semaphore(%arg18 : memref<!tpu.dma_semaphore, #tpu.memory_space<semaphore_mem>>)
        %dma_start3A_866 = arith.constant 7 : i32
        %dma_start3A_867 = arith.constant 0 : i32
        %dma_start3A_868 = tpu.memref_slice %arg15[%dma_start3A_866, %dma_start3A_867] : memref<8x128xf32, #tpu.memory_space<vmem>> -> memref<1x128xf32, #tpu.memory_space<vmem>>
        %dma_start3A_869 = tpu.memref_squeeze %dma_start3A_868 : memref<1x128xf32, #tpu.memory_space<vmem>> -> memref<128xf32, #tpu.memory_space<vmem>>
        %dma_start3A_870 = arith.constant 896 : i32
        %dma_start3A_871 = tpu.memref_slice %arg4[%dma_start3A_870] : memref<524288xf32, #tpu.memory_space<hbm>> -> memref<523392xf32, #tpu.memory_space<hbm>>
        %dma_start3A_872 = arith.constant 0 : i32
        %dma_start3A_873 = tpu.memref_slice %dma_start3A_871[%dma_start3A_872] : memref<523392xf32, #tpu.memory_space<hbm>> -> memref<523392xf32, #tpu.memory_space<hbm>>
        tpu.enqueue_indirect_dma source(%dma_start3A_873 : memref<523392xf32, #tpu.memory_space<hbm>>) target(%dma_start3A_869 : memref<128xf32, #tpu.memory_space<vmem>>) offsets(%arg14 : memref<128xi32, #tpu.memory_space<vmem>>) semaphore(%arg18 : memref<!tpu.dma_semaphore, #tpu.memory_space<semaphore_mem>>)
        %dma_wait3A_874 = arith.constant 0 : i32
        %dma_wait3A_875 = arith.constant 0 : i32
        %dma_wait3A_876 = tpu.memref_slice %arg15[%dma_wait3A_874, %dma_wait3A_875] : memref<8x128xf32, #tpu.memory_space<vmem>> -> memref<1x128xf32, #tpu.memory_space<vmem>>
        %dma_wait3A_877 = tpu.memref_squeeze %dma_wait3A_876 : memref<1x128xf32, #tpu.memory_space<vmem>> -> memref<128xf32, #tpu.memory_space<vmem>>
        %dma_wait3A_878 = arith.constant 0 : i32
        %dma_wait3A_879 = tpu.memref_slice %arg4[%dma_wait3A_878] : memref<524288xf32, #tpu.memory_space<hbm>> -> memref<523392xf32, #tpu.memory_space<hbm>>
        %dma_wait3A_880 = arith.constant 0 : i32
        %dma_wait3A_881 = tpu.memref_slice %dma_wait3A_879[%dma_wait3A_880] : memref<523392xf32, #tpu.memory_space<hbm>> -> memref<523392xf32, #tpu.memory_space<hbm>>
        tpu.wait_indirect_dma semaphore(%arg18 : memref<!tpu.dma_semaphore, #tpu.memory_space<semaphore_mem>>) src(%dma_wait3A_881 : memref<523392xf32, #tpu.memory_space<hbm>>) dst(%dma_wait3A_877 : memref<128xf32, #tpu.memory_space<vmem>>)
        %dma_wait3A_882 = arith.constant 1 : i32
        %dma_wait3A_883 = arith.constant 0 : i32
        %dma_wait3A_884 = tpu.memref_slice %arg15[%dma_wait3A_882, %dma_wait3A_883] : memref<8x128xf32, #tpu.memory_space<vmem>> -> memref<1x128xf32, #tpu.memory_space<vmem>>
        %dma_wait3A_885 = tpu.memref_squeeze %dma_wait3A_884 : memref<1x128xf32, #tpu.memory_space<vmem>> -> memref<128xf32, #tpu.memory_space<vmem>>
        %dma_wait3A_886 = arith.constant 128 : i32
        %dma_wait3A_887 = tpu.memref_slice %arg4[%dma_wait3A_886] : memref<524288xf32, #tpu.memory_space<hbm>> -> memref<523392xf32, #tpu.memory_space<hbm>>
        %dma_wait3A_888 = arith.constant 0 : i32
        %dma_wait3A_889 = tpu.memref_slice %dma_wait3A_887[%dma_wait3A_888] : memref<523392xf32, #tpu.memory_space<hbm>> -> memref<523392xf32, #tpu.memory_space<hbm>>
        tpu.wait_indirect_dma semaphore(%arg18 : memref<!tpu.dma_semaphore, #tpu.memory_space<semaphore_mem>>) src(%dma_wait3A_889 : memref<523392xf32, #tpu.memory_space<hbm>>) dst(%dma_wait3A_885 : memref<128xf32, #tpu.memory_space<vmem>>)
        %dma_wait3A_890 = arith.constant 2 : i32
        %dma_wait3A_891 = arith.constant 0 : i32
        %dma_wait3A_892 = tpu.memref_slice %arg15[%dma_wait3A_890, %dma_wait3A_891] : memref<8x128xf32, #tpu.memory_space<vmem>> -> memref<1x128xf32, #tpu.memory_space<vmem>>
        %dma_wait3A_893 = tpu.memref_squeeze %dma_wait3A_892 : memref<1x128xf32, #tpu.memory_space<vmem>> -> memref<128xf32, #tpu.memory_space<vmem>>
        %dma_wait3A_894 = arith.constant 256 : i32
        %dma_wait3A_895 = tpu.memref_slice %arg4[%dma_wait3A_894] : memref<524288xf32, #tpu.memory_space<hbm>> -> memref<523392xf32, #tpu.memory_space<hbm>>
        %dma_wait3A_896 = arith.constant 0 : i32
        %dma_wait3A_897 = tpu.memref_slice %dma_wait3A_895[%dma_wait3A_896] : memref<523392xf32, #tpu.memory_space<hbm>> -> memref<523392xf32, #tpu.memory_space<hbm>>
        tpu.wait_indirect_dma semaphore(%arg18 : memref<!tpu.dma_semaphore, #tpu.memory_space<semaphore_mem>>) src(%dma_wait3A_897 : memref<523392xf32, #tpu.memory_space<hbm>>) dst(%dma_wait3A_893 : memref<128xf32, #tpu.memory_space<vmem>>)
        %dma_wait3A_898 = arith.constant 3 : i32
        %dma_wait3A_899 = arith.constant 0 : i32
        %dma_wait3A_900 = tpu.memref_slice %arg15[%dma_wait3A_898, %dma_wait3A_899] : memref<8x128xf32, #tpu.memory_space<vmem>> -> memref<1x128xf32, #tpu.memory_space<vmem>>
        %dma_wait3A_901 = tpu.memref_squeeze %dma_wait3A_900 : memref<1x128xf32, #tpu.memory_space<vmem>> -> memref<128xf32, #tpu.memory_space<vmem>>
        %dma_wait3A_902 = arith.constant 384 : i32
        %dma_wait3A_903 = tpu.memref_slice %arg4[%dma_wait3A_902] : memref<524288xf32, #tpu.memory_space<hbm>> -> memref<523392xf32, #tpu.memory_space<hbm>>
        %dma_wait3A_904 = arith.constant 0 : i32
        %dma_wait3A_905 = tpu.memref_slice %dma_wait3A_903[%dma_wait3A_904] : memref<523392xf32, #tpu.memory_space<hbm>> -> memref<523392xf32, #tpu.memory_space<hbm>>
        tpu.wait_indirect_dma semaphore(%arg18 : memref<!tpu.dma_semaphore, #tpu.memory_space<semaphore_mem>>) src(%dma_wait3A_905 : memref<523392xf32, #tpu.memory_space<hbm>>) dst(%dma_wait3A_901 : memref<128xf32, #tpu.memory_space<vmem>>)
        %dma_wait3A_906 = arith.constant 4 : i32
        %dma_wait3A_907 = arith.constant 0 : i32
        %dma_wait3A_908 = tpu.memref_slice %arg15[%dma_wait3A_906, %dma_wait3A_907] : memref<8x128xf32, #tpu.memory_space<vmem>> -> memref<1x128xf32, #tpu.memory_space<vmem>>
        %dma_wait3A_909 = tpu.memref_squeeze %dma_wait3A_908 : memref<1x128xf32, #tpu.memory_space<vmem>> -> memref<128xf32, #tpu.memory_space<vmem>>
        %dma_wait3A_910 = arith.constant 512 : i32
        %dma_wait3A_911 = tpu.memref_slice %arg4[%dma_wait3A_910] : memref<524288xf32, #tpu.memory_space<hbm>> -> memref<523392xf32, #tpu.memory_space<hbm>>
        %dma_wait3A_912 = arith.constant 0 : i32
        %dma_wait3A_913 = tpu.memref_slice %dma_wait3A_911[%dma_wait3A_912] : memref<523392xf32, #tpu.memory_space<hbm>> -> memref<523392xf32, #tpu.memory_space<hbm>>
        tpu.wait_indirect_dma semaphore(%arg18 : memref<!tpu.dma_semaphore, #tpu.memory_space<semaphore_mem>>) src(%dma_wait3A_913 : memref<523392xf32, #tpu.memory_space<hbm>>) dst(%dma_wait3A_909 : memref<128xf32, #tpu.memory_space<vmem>>)
        %dma_wait3A_914 = arith.constant 5 : i32
        %dma_wait3A_915 = arith.constant 0 : i32
        %dma_wait3A_916 = tpu.memref_slice %arg15[%dma_wait3A_914, %dma_wait3A_915] : memref<8x128xf32, #tpu.memory_space<vmem>> -> memref<1x128xf32, #tpu.memory_space<vmem>>
        %dma_wait3A_917 = tpu.memref_squeeze %dma_wait3A_916 : memref<1x128xf32, #tpu.memory_space<vmem>> -> memref<128xf32, #tpu.memory_space<vmem>>
        %dma_wait3A_918 = arith.constant 640 : i32
        %dma_wait3A_919 = tpu.memref_slice %arg4[%dma_wait3A_918] : memref<524288xf32, #tpu.memory_space<hbm>> -> memref<523392xf32, #tpu.memory_space<hbm>>
        %dma_wait3A_920 = arith.constant 0 : i32
        %dma_wait3A_921 = tpu.memref_slice %dma_wait3A_919[%dma_wait3A_920] : memref<523392xf32, #tpu.memory_space<hbm>> -> memref<523392xf32, #tpu.memory_space<hbm>>
        tpu.wait_indirect_dma semaphore(%arg18 : memref<!tpu.dma_semaphore, #tpu.memory_space<semaphore_mem>>) src(%dma_wait3A_921 : memref<523392xf32, #tpu.memory_space<hbm>>) dst(%dma_wait3A_917 : memref<128xf32, #tpu.memory_space<vmem>>)
        %dma_wait3A_922 = arith.constant 6 : i32
        %dma_wait3A_923 = arith.constant 0 : i32
        %dma_wait3A_924 = tpu.memref_slice %arg15[%dma_wait3A_922, %dma_wait3A_923] : memref<8x128xf32, #tpu.memory_space<vmem>> -> memref<1x128xf32, #tpu.memory_space<vmem>>
        %dma_wait3A_925 = tpu.memref_squeeze %dma_wait3A_924 : memref<1x128xf32, #tpu.memory_space<vmem>> -> memref<128xf32, #tpu.memory_space<vmem>>
        %dma_wait3A_926 = arith.constant 768 : i32
        %dma_wait3A_927 = tpu.memref_slice %arg4[%dma_wait3A_926] : memref<524288xf32, #tpu.memory_space<hbm>> -> memref<523392xf32, #tpu.memory_space<hbm>>
        %dma_wait3A_928 = arith.constant 0 : i32
        %dma_wait3A_929 = tpu.memref_slice %dma_wait3A_927[%dma_wait3A_928] : memref<523392xf32, #tpu.memory_space<hbm>> -> memref<523392xf32, #tpu.memory_space<hbm>>
        tpu.wait_indirect_dma semaphore(%arg18 : memref<!tpu.dma_semaphore, #tpu.memory_space<semaphore_mem>>) src(%dma_wait3A_929 : memref<523392xf32, #tpu.memory_space<hbm>>) dst(%dma_wait3A_925 : memref<128xf32, #tpu.memory_space<vmem>>)
        %dma_wait3A_930 = arith.constant 7 : i32
        %dma_wait3A_931 = arith.constant 0 : i32
        %dma_wait3A_932 = tpu.memref_slice %arg15[%dma_wait3A_930, %dma_wait3A_931] : memref<8x128xf32, #tpu.memory_space<vmem>> -> memref<1x128xf32, #tpu.memory_space<vmem>>
        %dma_wait3A_933 = tpu.memref_squeeze %dma_wait3A_932 : memref<1x128xf32, #tpu.memory_space<vmem>> -> memref<128xf32, #tpu.memory_space<vmem>>
        %dma_wait3A_934 = arith.constant 896 : i32
        %dma_wait3A_935 = tpu.memref_slice %arg4[%dma_wait3A_934] : memref<524288xf32, #tpu.memory_space<hbm>> -> memref<523392xf32, #tpu.memory_space<hbm>>
        %dma_wait3A_936 = arith.constant 0 : i32
        %dma_wait3A_937 = tpu.memref_slice %dma_wait3A_935[%dma_wait3A_936] : memref<523392xf32, #tpu.memory_space<hbm>> -> memref<523392xf32, #tpu.memory_space<hbm>>
        tpu.wait_indirect_dma semaphore(%arg18 : memref<!tpu.dma_semaphore, #tpu.memory_space<semaphore_mem>>) src(%dma_wait3A_937 : memref<523392xf32, #tpu.memory_space<hbm>>) dst(%dma_wait3A_933 : memref<128xf32, #tpu.memory_space<vmem>>)
        %dma_start3A_938 = arith.constant 0 : i32
        %dma_start3A_939 = arith.constant 0 : i32
        %dma_start3A_940 = tpu.memref_slice %arg15[%dma_start3A_938, %dma_start3A_939] : memref<8x128xf32, #tpu.memory_space<vmem>> -> memref<1x128xf32, #tpu.memory_space<vmem>>
        %dma_start3A_941 = tpu.memref_squeeze %dma_start3A_940 : memref<1x128xf32, #tpu.memory_space<vmem>> -> memref<128xf32, #tpu.memory_space<vmem>>
        %dma_start3A_942 = arith.constant 0 : i32
        %dma_start3A_943 = tpu.memref_slice %arg17[%dma_start3A_942] : memref<1064960xf32, #tpu.memory_space<vmem_shared>> -> memref<1064064xf32, #tpu.memory_space<vmem_shared>>
        %dma_start3A_944 = arith.constant 0 : i32
        %dma_start3A_945 = tpu.memref_slice %dma_start3A_943[%dma_start3A_944] : memref<1064064xf32, #tpu.memory_space<vmem_shared>> -> memref<1064064xf32, #tpu.memory_space<vmem_shared>>
        tpu.enqueue_indirect_dma source(%dma_start3A_941 : memref<128xf32, #tpu.memory_space<vmem>>) target(%dma_start3A_945 : memref<1064064xf32, #tpu.memory_space<vmem_shared>>) offsets(%arg13 : memref<128xi32, #tpu.memory_space<vmem>>) semaphore(%arg19 : memref<!tpu.dma_semaphore, #tpu.memory_space<semaphore_mem>>) {add = true}
        %dma_start3A_946 = arith.constant 1 : i32
        %dma_start3A_947 = arith.constant 0 : i32
        %dma_start3A_948 = tpu.memref_slice %arg15[%dma_start3A_946, %dma_start3A_947] : memref<8x128xf32, #tpu.memory_space<vmem>> -> memref<1x128xf32, #tpu.memory_space<vmem>>
        %dma_start3A_949 = tpu.memref_squeeze %dma_start3A_948 : memref<1x128xf32, #tpu.memory_space<vmem>> -> memref<128xf32, #tpu.memory_space<vmem>>
        %dma_start3A_950 = arith.constant 128 : i32
        %dma_start3A_951 = tpu.memref_slice %arg17[%dma_start3A_950] : memref<1064960xf32, #tpu.memory_space<vmem_shared>> -> memref<1064064xf32, #tpu.memory_space<vmem_shared>>
        %dma_start3A_952 = arith.constant 0 : i32
        %dma_start3A_953 = tpu.memref_slice %dma_start3A_951[%dma_start3A_952] : memref<1064064xf32, #tpu.memory_space<vmem_shared>> -> memref<1064064xf32, #tpu.memory_space<vmem_shared>>
        tpu.enqueue_indirect_dma source(%dma_start3A_949 : memref<128xf32, #tpu.memory_space<vmem>>) target(%dma_start3A_953 : memref<1064064xf32, #tpu.memory_space<vmem_shared>>) offsets(%arg13 : memref<128xi32, #tpu.memory_space<vmem>>) semaphore(%arg19 : memref<!tpu.dma_semaphore, #tpu.memory_space<semaphore_mem>>) {add = true}
        %dma_start3A_954 = arith.constant 2 : i32
        %dma_start3A_955 = arith.constant 0 : i32
        %dma_start3A_956 = tpu.memref_slice %arg15[%dma_start3A_954, %dma_start3A_955] : memref<8x128xf32, #tpu.memory_space<vmem>> -> memref<1x128xf32, #tpu.memory_space<vmem>>
        %dma_start3A_957 = tpu.memref_squeeze %dma_start3A_956 : memref<1x128xf32, #tpu.memory_space<vmem>> -> memref<128xf32, #tpu.memory_space<vmem>>
        %dma_start3A_958 = arith.constant 256 : i32
        %dma_start3A_959 = tpu.memref_slice %arg17[%dma_start3A_958] : memref<1064960xf32, #tpu.memory_space<vmem_shared>> -> memref<1064064xf32, #tpu.memory_space<vmem_shared>>
        %dma_start3A_960 = arith.constant 0 : i32
        %dma_start3A_961 = tpu.memref_slice %dma_start3A_959[%dma_start3A_960] : memref<1064064xf32, #tpu.memory_space<vmem_shared>> -> memref<1064064xf32, #tpu.memory_space<vmem_shared>>
        tpu.enqueue_indirect_dma source(%dma_start3A_957 : memref<128xf32, #tpu.memory_space<vmem>>) target(%dma_start3A_961 : memref<1064064xf32, #tpu.memory_space<vmem_shared>>) offsets(%arg13 : memref<128xi32, #tpu.memory_space<vmem>>) semaphore(%arg19 : memref<!tpu.dma_semaphore, #tpu.memory_space<semaphore_mem>>) {add = true}
        %dma_start3A_962 = arith.constant 3 : i32
        %dma_start3A_963 = arith.constant 0 : i32
        %dma_start3A_964 = tpu.memref_slice %arg15[%dma_start3A_962, %dma_start3A_963] : memref<8x128xf32, #tpu.memory_space<vmem>> -> memref<1x128xf32, #tpu.memory_space<vmem>>
        %dma_start3A_965 = tpu.memref_squeeze %dma_start3A_964 : memref<1x128xf32, #tpu.memory_space<vmem>> -> memref<128xf32, #tpu.memory_space<vmem>>
        %dma_start3A_966 = arith.constant 384 : i32
        %dma_start3A_967 = tpu.memref_slice %arg17[%dma_start3A_966] : memref<1064960xf32, #tpu.memory_space<vmem_shared>> -> memref<1064064xf32, #tpu.memory_space<vmem_shared>>
        %dma_start3A_968 = arith.constant 0 : i32
        %dma_start3A_969 = tpu.memref_slice %dma_start3A_967[%dma_start3A_968] : memref<1064064xf32, #tpu.memory_space<vmem_shared>> -> memref<1064064xf32, #tpu.memory_space<vmem_shared>>
        tpu.enqueue_indirect_dma source(%dma_start3A_965 : memref<128xf32, #tpu.memory_space<vmem>>) target(%dma_start3A_969 : memref<1064064xf32, #tpu.memory_space<vmem_shared>>) offsets(%arg13 : memref<128xi32, #tpu.memory_space<vmem>>) semaphore(%arg19 : memref<!tpu.dma_semaphore, #tpu.memory_space<semaphore_mem>>) {add = true}
        %dma_start3A_970 = arith.constant 4 : i32
        %dma_start3A_971 = arith.constant 0 : i32
        %dma_start3A_972 = tpu.memref_slice %arg15[%dma_start3A_970, %dma_start3A_971] : memref<8x128xf32, #tpu.memory_space<vmem>> -> memref<1x128xf32, #tpu.memory_space<vmem>>
        %dma_start3A_973 = tpu.memref_squeeze %dma_start3A_972 : memref<1x128xf32, #tpu.memory_space<vmem>> -> memref<128xf32, #tpu.memory_space<vmem>>
        %dma_start3A_974 = arith.constant 512 : i32
        %dma_start3A_975 = tpu.memref_slice %arg17[%dma_start3A_974] : memref<1064960xf32, #tpu.memory_space<vmem_shared>> -> memref<1064064xf32, #tpu.memory_space<vmem_shared>>
        %dma_start3A_976 = arith.constant 0 : i32
        %dma_start3A_977 = tpu.memref_slice %dma_start3A_975[%dma_start3A_976] : memref<1064064xf32, #tpu.memory_space<vmem_shared>> -> memref<1064064xf32, #tpu.memory_space<vmem_shared>>
        tpu.enqueue_indirect_dma source(%dma_start3A_973 : memref<128xf32, #tpu.memory_space<vmem>>) target(%dma_start3A_977 : memref<1064064xf32, #tpu.memory_space<vmem_shared>>) offsets(%arg13 : memref<128xi32, #tpu.memory_space<vmem>>) semaphore(%arg19 : memref<!tpu.dma_semaphore, #tpu.memory_space<semaphore_mem>>) {add = true}
        %dma_start3A_978 = arith.constant 5 : i32
        %dma_start3A_979 = arith.constant 0 : i32
        %dma_start3A_980 = tpu.memref_slice %arg15[%dma_start3A_978, %dma_start3A_979] : memref<8x128xf32, #tpu.memory_space<vmem>> -> memref<1x128xf32, #tpu.memory_space<vmem>>
        %dma_start3A_981 = tpu.memref_squeeze %dma_start3A_980 : memref<1x128xf32, #tpu.memory_space<vmem>> -> memref<128xf32, #tpu.memory_space<vmem>>
        %dma_start3A_982 = arith.constant 640 : i32
        %dma_start3A_983 = tpu.memref_slice %arg17[%dma_start3A_982] : memref<1064960xf32, #tpu.memory_space<vmem_shared>> -> memref<1064064xf32, #tpu.memory_space<vmem_shared>>
        %dma_start3A_984 = arith.constant 0 : i32
        %dma_start3A_985 = tpu.memref_slice %dma_start3A_983[%dma_start3A_984] : memref<1064064xf32, #tpu.memory_space<vmem_shared>> -> memref<1064064xf32, #tpu.memory_space<vmem_shared>>
        tpu.enqueue_indirect_dma source(%dma_start3A_981 : memref<128xf32, #tpu.memory_space<vmem>>) target(%dma_start3A_985 : memref<1064064xf32, #tpu.memory_space<vmem_shared>>) offsets(%arg13 : memref<128xi32, #tpu.memory_space<vmem>>) semaphore(%arg19 : memref<!tpu.dma_semaphore, #tpu.memory_space<semaphore_mem>>) {add = true}
        %dma_start3A_986 = arith.constant 6 : i32
        %dma_start3A_987 = arith.constant 0 : i32
        %dma_start3A_988 = tpu.memref_slice %arg15[%dma_start3A_986, %dma_start3A_987] : memref<8x128xf32, #tpu.memory_space<vmem>> -> memref<1x128xf32, #tpu.memory_space<vmem>>
        %dma_start3A_989 = tpu.memref_squeeze %dma_start3A_988 : memref<1x128xf32, #tpu.memory_space<vmem>> -> memref<128xf32, #tpu.memory_space<vmem>>
        %dma_start3A_990 = arith.constant 768 : i32
        %dma_start3A_991 = tpu.memref_slice %arg17[%dma_start3A_990] : memref<1064960xf32, #tpu.memory_space<vmem_shared>> -> memref<1064064xf32, #tpu.memory_space<vmem_shared>>
        %dma_start3A_992 = arith.constant 0 : i32
        %dma_start3A_993 = tpu.memref_slice %dma_start3A_991[%dma_start3A_992] : memref<1064064xf32, #tpu.memory_space<vmem_shared>> -> memref<1064064xf32, #tpu.memory_space<vmem_shared>>
        tpu.enqueue_indirect_dma source(%dma_start3A_989 : memref<128xf32, #tpu.memory_space<vmem>>) target(%dma_start3A_993 : memref<1064064xf32, #tpu.memory_space<vmem_shared>>) offsets(%arg13 : memref<128xi32, #tpu.memory_space<vmem>>) semaphore(%arg19 : memref<!tpu.dma_semaphore, #tpu.memory_space<semaphore_mem>>) {add = true}
        %dma_start3A_994 = arith.constant 7 : i32
        %dma_start3A_995 = arith.constant 0 : i32
        %dma_start3A_996 = tpu.memref_slice %arg15[%dma_start3A_994, %dma_start3A_995] : memref<8x128xf32, #tpu.memory_space<vmem>> -> memref<1x128xf32, #tpu.memory_space<vmem>>
        %dma_start3A_997 = tpu.memref_squeeze %dma_start3A_996 : memref<1x128xf32, #tpu.memory_space<vmem>> -> memref<128xf32, #tpu.memory_space<vmem>>
        %dma_start3A_998 = arith.constant 896 : i32
        %dma_start3A_999 = tpu.memref_slice %arg17[%dma_start3A_998] : memref<1064960xf32, #tpu.memory_space<vmem_shared>> -> memref<1064064xf32, #tpu.memory_space<vmem_shared>>
        %dma_start3A_1000 = arith.constant 0 : i32
        %dma_start3A_1001 = tpu.memref_slice %dma_start3A_999[%dma_start3A_1000] : memref<1064064xf32, #tpu.memory_space<vmem_shared>> -> memref<1064064xf32, #tpu.memory_space<vmem_shared>>
        tpu.enqueue_indirect_dma source(%dma_start3A_997 : memref<128xf32, #tpu.memory_space<vmem>>) target(%dma_start3A_1001 : memref<1064064xf32, #tpu.memory_space<vmem_shared>>) offsets(%arg13 : memref<128xi32, #tpu.memory_space<vmem>>) semaphore(%arg19 : memref<!tpu.dma_semaphore, #tpu.memory_space<semaphore_mem>>) {add = true}
        %dma_wait3A_1002 = arith.constant 0 : i32
        %dma_wait3A_1003 = arith.constant 0 : i32
        %dma_wait3A_1004 = tpu.memref_slice %arg15[%dma_wait3A_1002, %dma_wait3A_1003] : memref<8x128xf32, #tpu.memory_space<vmem>> -> memref<1x128xf32, #tpu.memory_space<vmem>>
        %dma_wait3A_1005 = tpu.memref_squeeze %dma_wait3A_1004 : memref<1x128xf32, #tpu.memory_space<vmem>> -> memref<128xf32, #tpu.memory_space<vmem>>
        %dma_wait3A_1006 = arith.constant 0 : i32
        %dma_wait3A_1007 = tpu.memref_slice %arg17[%dma_wait3A_1006] : memref<1064960xf32, #tpu.memory_space<vmem_shared>> -> memref<1064064xf32, #tpu.memory_space<vmem_shared>>
        %dma_wait3A_1008 = arith.constant 0 : i32
        %dma_wait3A_1009 = tpu.memref_slice %dma_wait3A_1007[%dma_wait3A_1008] : memref<1064064xf32, #tpu.memory_space<vmem_shared>> -> memref<1064064xf32, #tpu.memory_space<vmem_shared>>
        tpu.wait_indirect_dma semaphore(%arg19 : memref<!tpu.dma_semaphore, #tpu.memory_space<semaphore_mem>>) src(%dma_wait3A_1005 : memref<128xf32, #tpu.memory_space<vmem>>) dst(%dma_wait3A_1009 : memref<1064064xf32, #tpu.memory_space<vmem_shared>>)
        %dma_wait3A_1010 = arith.constant 1 : i32
        %dma_wait3A_1011 = arith.constant 0 : i32
        %dma_wait3A_1012 = tpu.memref_slice %arg15[%dma_wait3A_1010, %dma_wait3A_1011] : memref<8x128xf32, #tpu.memory_space<vmem>> -> memref<1x128xf32, #tpu.memory_space<vmem>>
        %dma_wait3A_1013 = tpu.memref_squeeze %dma_wait3A_1012 : memref<1x128xf32, #tpu.memory_space<vmem>> -> memref<128xf32, #tpu.memory_space<vmem>>
        %dma_wait3A_1014 = arith.constant 128 : i32
        %dma_wait3A_1015 = tpu.memref_slice %arg17[%dma_wait3A_1014] : memref<1064960xf32, #tpu.memory_space<vmem_shared>> -> memref<1064064xf32, #tpu.memory_space<vmem_shared>>
        %dma_wait3A_1016 = arith.constant 0 : i32
        %dma_wait3A_1017 = tpu.memref_slice %dma_wait3A_1015[%dma_wait3A_1016] : memref<1064064xf32, #tpu.memory_space<vmem_shared>> -> memref<1064064xf32, #tpu.memory_space<vmem_shared>>
        tpu.wait_indirect_dma semaphore(%arg19 : memref<!tpu.dma_semaphore, #tpu.memory_space<semaphore_mem>>) src(%dma_wait3A_1013 : memref<128xf32, #tpu.memory_space<vmem>>) dst(%dma_wait3A_1017 : memref<1064064xf32, #tpu.memory_space<vmem_shared>>)
        %dma_wait3A_1018 = arith.constant 2 : i32
        %dma_wait3A_1019 = arith.constant 0 : i32
        %dma_wait3A_1020 = tpu.memref_slice %arg15[%dma_wait3A_1018, %dma_wait3A_1019] : memref<8x128xf32, #tpu.memory_space<vmem>> -> memref<1x128xf32, #tpu.memory_space<vmem>>
        %dma_wait3A_1021 = tpu.memref_squeeze %dma_wait3A_1020 : memref<1x128xf32, #tpu.memory_space<vmem>> -> memref<128xf32, #tpu.memory_space<vmem>>
        %dma_wait3A_1022 = arith.constant 256 : i32
        %dma_wait3A_1023 = tpu.memref_slice %arg17[%dma_wait3A_1022] : memref<1064960xf32, #tpu.memory_space<vmem_shared>> -> memref<1064064xf32, #tpu.memory_space<vmem_shared>>
        %dma_wait3A_1024 = arith.constant 0 : i32
        %dma_wait3A_1025 = tpu.memref_slice %dma_wait3A_1023[%dma_wait3A_1024] : memref<1064064xf32, #tpu.memory_space<vmem_shared>> -> memref<1064064xf32, #tpu.memory_space<vmem_shared>>
        tpu.wait_indirect_dma semaphore(%arg19 : memref<!tpu.dma_semaphore, #tpu.memory_space<semaphore_mem>>) src(%dma_wait3A_1021 : memref<128xf32, #tpu.memory_space<vmem>>) dst(%dma_wait3A_1025 : memref<1064064xf32, #tpu.memory_space<vmem_shared>>)
        %dma_wait3A_1026 = arith.constant 3 : i32
        %dma_wait3A_1027 = arith.constant 0 : i32
        %dma_wait3A_1028 = tpu.memref_slice %arg15[%dma_wait3A_1026, %dma_wait3A_1027] : memref<8x128xf32, #tpu.memory_space<vmem>> -> memref<1x128xf32, #tpu.memory_space<vmem>>
        %dma_wait3A_1029 = tpu.memref_squeeze %dma_wait3A_1028 : memref<1x128xf32, #tpu.memory_space<vmem>> -> memref<128xf32, #tpu.memory_space<vmem>>
        %dma_wait3A_1030 = arith.constant 384 : i32
        %dma_wait3A_1031 = tpu.memref_slice %arg17[%dma_wait3A_1030] : memref<1064960xf32, #tpu.memory_space<vmem_shared>> -> memref<1064064xf32, #tpu.memory_space<vmem_shared>>
        %dma_wait3A_1032 = arith.constant 0 : i32
        %dma_wait3A_1033 = tpu.memref_slice %dma_wait3A_1031[%dma_wait3A_1032] : memref<1064064xf32, #tpu.memory_space<vmem_shared>> -> memref<1064064xf32, #tpu.memory_space<vmem_shared>>
        tpu.wait_indirect_dma semaphore(%arg19 : memref<!tpu.dma_semaphore, #tpu.memory_space<semaphore_mem>>) src(%dma_wait3A_1029 : memref<128xf32, #tpu.memory_space<vmem>>) dst(%dma_wait3A_1033 : memref<1064064xf32, #tpu.memory_space<vmem_shared>>)
        %dma_wait3A_1034 = arith.constant 4 : i32
        %dma_wait3A_1035 = arith.constant 0 : i32
        %dma_wait3A_1036 = tpu.memref_slice %arg15[%dma_wait3A_1034, %dma_wait3A_1035] : memref<8x128xf32, #tpu.memory_space<vmem>> -> memref<1x128xf32, #tpu.memory_space<vmem>>
        %dma_wait3A_1037 = tpu.memref_squeeze %dma_wait3A_1036 : memref<1x128xf32, #tpu.memory_space<vmem>> -> memref<128xf32, #tpu.memory_space<vmem>>
        %dma_wait3A_1038 = arith.constant 512 : i32
        %dma_wait3A_1039 = tpu.memref_slice %arg17[%dma_wait3A_1038] : memref<1064960xf32, #tpu.memory_space<vmem_shared>> -> memref<1064064xf32, #tpu.memory_space<vmem_shared>>
        %dma_wait3A_1040 = arith.constant 0 : i32
        %dma_wait3A_1041 = tpu.memref_slice %dma_wait3A_1039[%dma_wait3A_1040] : memref<1064064xf32, #tpu.memory_space<vmem_shared>> -> memref<1064064xf32, #tpu.memory_space<vmem_shared>>
        tpu.wait_indirect_dma semaphore(%arg19 : memref<!tpu.dma_semaphore, #tpu.memory_space<semaphore_mem>>) src(%dma_wait3A_1037 : memref<128xf32, #tpu.memory_space<vmem>>) dst(%dma_wait3A_1041 : memref<1064064xf32, #tpu.memory_space<vmem_shared>>)
        %dma_wait3A_1042 = arith.constant 5 : i32
        %dma_wait3A_1043 = arith.constant 0 : i32
        %dma_wait3A_1044 = tpu.memref_slice %arg15[%dma_wait3A_1042, %dma_wait3A_1043] : memref<8x128xf32, #tpu.memory_space<vmem>> -> memref<1x128xf32, #tpu.memory_space<vmem>>
        %dma_wait3A_1045 = tpu.memref_squeeze %dma_wait3A_1044 : memref<1x128xf32, #tpu.memory_space<vmem>> -> memref<128xf32, #tpu.memory_space<vmem>>
        %dma_wait3A_1046 = arith.constant 640 : i32
        %dma_wait3A_1047 = tpu.memref_slice %arg17[%dma_wait3A_1046] : memref<1064960xf32, #tpu.memory_space<vmem_shared>> -> memref<1064064xf32, #tpu.memory_space<vmem_shared>>
        %dma_wait3A_1048 = arith.constant 0 : i32
        %dma_wait3A_1049 = tpu.memref_slice %dma_wait3A_1047[%dma_wait3A_1048] : memref<1064064xf32, #tpu.memory_space<vmem_shared>> -> memref<1064064xf32, #tpu.memory_space<vmem_shared>>
        tpu.wait_indirect_dma semaphore(%arg19 : memref<!tpu.dma_semaphore, #tpu.memory_space<semaphore_mem>>) src(%dma_wait3A_1045 : memref<128xf32, #tpu.memory_space<vmem>>) dst(%dma_wait3A_1049 : memref<1064064xf32, #tpu.memory_space<vmem_shared>>)
        %dma_wait3A_1050 = arith.constant 6 : i32
        %dma_wait3A_1051 = arith.constant 0 : i32
        %dma_wait3A_1052 = tpu.memref_slice %arg15[%dma_wait3A_1050, %dma_wait3A_1051] : memref<8x128xf32, #tpu.memory_space<vmem>> -> memref<1x128xf32, #tpu.memory_space<vmem>>
        %dma_wait3A_1053 = tpu.memref_squeeze %dma_wait3A_1052 : memref<1x128xf32, #tpu.memory_space<vmem>> -> memref<128xf32, #tpu.memory_space<vmem>>
        %dma_wait3A_1054 = arith.constant 768 : i32
        %dma_wait3A_1055 = tpu.memref_slice %arg17[%dma_wait3A_1054] : memref<1064960xf32, #tpu.memory_space<vmem_shared>> -> memref<1064064xf32, #tpu.memory_space<vmem_shared>>
        %dma_wait3A_1056 = arith.constant 0 : i32
        %dma_wait3A_1057 = tpu.memref_slice %dma_wait3A_1055[%dma_wait3A_1056] : memref<1064064xf32, #tpu.memory_space<vmem_shared>> -> memref<1064064xf32, #tpu.memory_space<vmem_shared>>
        tpu.wait_indirect_dma semaphore(%arg19 : memref<!tpu.dma_semaphore, #tpu.memory_space<semaphore_mem>>) src(%dma_wait3A_1053 : memref<128xf32, #tpu.memory_space<vmem>>) dst(%dma_wait3A_1057 : memref<1064064xf32, #tpu.memory_space<vmem_shared>>)
        %dma_wait3A_1058 = arith.constant 7 : i32
        %dma_wait3A_1059 = arith.constant 0 : i32
        %dma_wait3A_1060 = tpu.memref_slice %arg15[%dma_wait3A_1058, %dma_wait3A_1059] : memref<8x128xf32, #tpu.memory_space<vmem>> -> memref<1x128xf32, #tpu.memory_space<vmem>>
        %dma_wait3A_1061 = tpu.memref_squeeze %dma_wait3A_1060 : memref<1x128xf32, #tpu.memory_space<vmem>> -> memref<128xf32, #tpu.memory_space<vmem>>
        %dma_wait3A_1062 = arith.constant 896 : i32
        %dma_wait3A_1063 = tpu.memref_slice %arg17[%dma_wait3A_1062] : memref<1064960xf32, #tpu.memory_space<vmem_shared>> -> memref<1064064xf32, #tpu.memory_space<vmem_shared>>
        %dma_wait3A_1064 = arith.constant 0 : i32
        %dma_wait3A_1065 = tpu.memref_slice %dma_wait3A_1063[%dma_wait3A_1064] : memref<1064064xf32, #tpu.memory_space<vmem_shared>> -> memref<1064064xf32, #tpu.memory_space<vmem_shared>>
        tpu.wait_indirect_dma semaphore(%arg19 : memref<!tpu.dma_semaphore, #tpu.memory_space<semaphore_mem>>) src(%dma_wait3A_1061 : memref<128xf32, #tpu.memory_space<vmem>>) dst(%dma_wait3A_1065 : memref<1064064xf32, #tpu.memory_space<vmem_shared>>)
        %while3A_1066 = arith.constant 0 : i32
        scf.yield %while3A_1066 : i32
      }
      %barrier3A_560 = arith.constant 0 : index
      tpu.barrier barrier_id(%barrier3A_560)
      %mul3A_561 = arith.constant 65536 : i32
      %mul3A_562 = arith.muli %arg1, %mul3A_561 : i32
      %mul3A_563 = arith.constant 65536 : i32
      %mul3A_564 = arith.muli %arg1, %mul3A_563 : i32
      %add3A_565 = arith.addi %add3A_486, %mul3A_564 : i32
      %dma_start3A_566 = tpu.memref_slice %arg5[%add3A_565] : memref<33554432xf32, #tpu.memory_space<hbm>> -> memref<65536xf32, #tpu.memory_space<hbm>>
      %dma_start3A_567 = tpu.memref_slice %arg17[%mul3A_562] : memref<1064960xf32, #tpu.memory_space<vmem_shared>> -> memref<65536xf32, #tpu.memory_space<vmem_shared>>
      tpu.enqueue_dma source(%dma_start3A_567 : memref<65536xf32, #tpu.memory_space<vmem_shared>>) target(%dma_start3A_566 : memref<65536xf32, #tpu.memory_space<hbm>>) target_semaphore(%arg21 : memref<!tpu.dma_semaphore, #tpu.memory_space<semaphore_mem>>)
      %scan3A_568 = arith.constant 0 : i32
      scf.yield %scan3A_568 : i32
    }
    %scan3A_476 = arith.constant 16 : i32
    %mul3A_477 = arith.constant 65536 : i32
    %mul3A_478 = arith.muli %arg1, %mul3A_477 : i32
    %mul3A_479 = arith.constant 65536 : i32
    %mul3A_480 = arith.muli %arg1, %mul3A_479 : i32
    %dma_wait3A = tpu.memref_slice %arg5[%mul3A_480] : memref<33554432xf32, #tpu.memory_space<hbm>> -> memref<65536xf32, #tpu.memory_space<hbm>>
    %dma_wait3A_481 = tpu.memref_slice %arg17[%mul3A_478] : memref<1064960xf32, #tpu.memory_space<vmem_shared>> -> memref<65536xf32, #tpu.memory_space<vmem_shared>>
    tpu.wait_dma2 semaphore(%arg21 : memref<!tpu.dma_semaphore, #tpu.memory_space<semaphore_mem>>) src(%dma_wait3A_481 : memref<65536xf32, #tpu.memory_space<vmem_shared>>) dst(%dma_wait3A : memref<65536xf32, #tpu.memory_space<hbm>>)
    return
  }
}

</mosaic_0001>

<sc_bundles>
// kernel: kernel.3.cloned.1.call-start
scs
__scs_entry_jumppad:
0x0: {  	(pc) =	sbr.rel $0x88, $3  }
0x1: {  	(tag) =	ssettag $0x0;
	lr =	simm.s32 $0x1  }
0x2: {  	[smem:$0x3F9F] =	sst lr;
	_ =	strace $0xD0000000  }
0x3: {  	_ = 	snop  }
0x4: {  	_ = 	snop  }
0x5: {  	_ = 	snop  }
0x6: {  	_ = 	snop  }
0x7: {  	_ = 	snop  }
__scs_overlays_trampoline_lowered:
0x8: {  	[smem:$0x3FAE] =	sst s0  }
0x9: {  	[smem:$0x3FAF] =	sst s1  }
0xa: {  	[smem:$0x3FB0] =	sst s2  }
0xb: {  	[smem:$0x3FB1] =	sst s3  }
0xc: {  	[smem:$0x3FB2] =	sst s4  }
0xd: {  	[smem:$0x3FB3] =	sst s5  }
0xe: {  	[smem:$0x3FB4] =	sst s6  }
0xf: {  	[smem:$0x3FB5] =	sst s7  }
0x10: {  	[smem:$0x3FB6] =	sst s8  }
0x11: {  	[smem:$0x3FB7] =	sst s9;
	s0 =	simm.s32 @!p0 $0x0  }
0x12: {  	s1 =	sld [smem:$0x3F9D];
	s0 =	simm.s32 @p0 $0x1  }
0x13: {  	[smem:$0x3FB8] =	sst s0;
	s0 =	simm.s32 @!p1 $0x0  }
0x14: {  	s2 =	sld [smem:$0x3F9C];
	s0 =	simm.s32 @p1 $0x1  }
0x15: {  	[smem:$0x3FB9] =	sst s0;
	s0 =	simm.s32 @!p2 $0x0  }
0x16: {  	s3 =	sld [smem:$0x3FDB];
	s0 =	simm.s32 @p2 $0x1  }
0x17: {  	s4 =	simm.s32 $0x1BF5;
	[smem:$0x3FBB] =	sst s0  }
0x18: {  	s0 =	sld [smem:$0x3F9E];
	_ =	swait.ge [sflag:s4], $0x0  }
0x19: {  	s7 =	sld [smem:$0x3F9F]  }
0x1a: {  	s8 =	sadd.s32 $0xFFFFE003, lr  }
0x1b: {  	s9 =	sadd.s32 $0xFFFFFEF7, lr;
	s5 =	simm.s32 $0xFFFFFFFF;
	p2 =	slt.u32 s8, $0xFFFFF086  }
0x1c: {  	p1 =	slt.u32 s9, $0xF7A;
	s5 =	simm.s32 @!p2 $0x0  }
0x1d: {  	s5 =	simm.s32 @p1 $0x1;
	p0 =	seq.s32 s7, s2  }
0x1e: {  	s7 =	smul.u32 @!p0 $0xF7A, s2;
	p2 =	seq.s32 @!p0 s5, $0x0  }
0x1f: {  	s9 =	smul.u32 $0xF7A, s1;
	s8 =	simm.s32 @!p0 $0x1BF5;
	p2 =	por !p2, p0  }
0x20: {  	[sflag:s8] =	ssyncset.s32 @!p0 $0xFFFFF086;
	s6 =	sadd.s32 @!p0 s3, s7;
	s7 =	simm.s32 @!p0 $0x108  }
0x21: {  	s3 =	sadd.s32 s3, s9;
	s6 =	sadd.s32 @!p0 $0x88, s6;
	s7 =	simm.s32 @p2 $0x1082  }
0x22: {  	[simem:s7], [sflag:s8] =	dma.local @!p0 [hbm:s6], $0xF7A  }
0x23: {  	s9 =	sor.u32 $0xD0000000, s2;
	s6 =	simm.s32 $0x108;
	_ =	swait.ge @!p0 [sflag:s8], $0x0  }
0x24: {  	s3 =	sadd.s32 $0x88, s3;
	s6 =	simm.s32 @!p1 $0x1082;
	[sflag:s4] =	ssyncset.s32 $0xFFFFF086  }
0x25: {  	[simem:s6], [sflag:s4] =	dma.local [hbm:s3], $0xF7A  }
0x26: {  	[smem:$0x3F9F] =	sst s1;
	(tag) =	ssettag s2;
	_ =	strace s9  }
0x27: {  	s1 =	sld [smem:$0x3FAF]  }
0x28: {  	s2 =	sld [smem:$0x3FB0]  }
0x29: {  	s4 =	sld [smem:$0x3FB2]  }
0x2a: {  	p0 =	seq.s32 s5, $0x0;
	s5 =	sld [smem:$0x3FB3]  }
0x2b: {  	s6 =	sld [smem:$0x3FB4]  }
0x2c: {  	s7 =	sld [smem:$0x3FB5]  }
0x2d: {  	s3 =	simm.s32 $0x108;
	s8 =	sld [smem:$0x3FB6]  }
0x2e: {  	s3 =	simm.s32 @!p0 $0x1082;
	s9 =	sld [smem:$0x3FB7]  }
0x2f: {  	lr =	sadd.s32 s0, s3;
	s0 =	sld [smem:$0x3FAE]  }
0x30: {  	s3 =	sld [smem:$0x3FB1]  }
0x31: {  	[smem:$0x3FBA] =	sst s10  }
0x32: {  	s10 =	sld [smem:$0x3FB8];
	_ =	sdelay $0x3  }
0x33: {  	p0 =	seq.s32 s10, $0x1;
	s10 =	sld [smem:$0x3FBA];
	_ =	sdelay $0x3  }
0x34: {  	[smem:$0x3FBA] =	sst s10  }
0x35: {  	s10 =	sld [smem:$0x3FB9];
	_ =	sdelay $0x3  }
0x36: {  	p1 =	seq.s32 s10, $0x1;
	s10 =	sld [smem:$0x3FBA];
	_ =	sdelay $0x3  }
0x37: {  	[smem:$0x3FBA] =	sst s10  }
0x38: {  	s10 =	sld [smem:$0x3FBB]  }
0x39: {  	_ = 	snop;
	(pc) =	sbr.ind lr, $3  }
0x3a: {  	_ = 	snop  }
0x3b: {  	_ = 	snop  }
0x3c: {  	p2 =	seq.s32 s10, $0x1;
	s10 =	sld [smem:$0x3FBA]  }
0x3d: {  	_ =	shalt  }
0x3e: {  	_ =	shalt  }
0x3f: {  	_ =	shalt  }
0x40: {  	_ =	shalt  }
0x41: {  	_ =	shalt  }
0x42: {  	_ =	shalt  }
0x43: {  	_ =	shalt  }
0x44: {  	_ =	shalt  }
0x45: {  	_ =	shalt  }
0x46: {  	_ =	shalt  }
0x47: {  	_ =	shalt  }
0x48: {  	_ =	shalt  }
0x49: {  	_ =	shalt  }
0x4a: {  	_ =	shalt  }
0x4b: {  	_ =	shalt  }
0x4c: {  	_ =	shalt  }
0x4d: {  	_ =	shalt  }
0x4e: {  	_ =	shalt  }
0x4f: {  	_ =	shalt  }
0x50: {  	_ =	shalt  }
0x51: {  	_ =	shalt  }
0x52: {  	_ =	shalt  }
0x53: {  	_ =	shalt  }
0x54: {  	_ =	shalt  }
0x55: {  	_ =	shalt  }
0x56: {  	_ =	shalt  }
0x57: {  	_ =	shalt  }
0x58: {  	_ =	shalt  }
0x59: {  	_ =	shalt  }
0x5a: {  	_ =	shalt  }
0x5b: {  	_ =	shalt  }
0x5c: {  	_ =	shalt  }
0x5d: {  	_ =	shalt  }
0x5e: {  	_ =	shalt  }
0x5f: {  	_ =	shalt  }
0x60: {  	_ =	shalt  }
0x61: {  	_ =	shalt  }
0x62: {  	_ =	shalt  }
0x63: {  	_ =	shalt  }
0x64: {  	_ =	shalt  }
0x65: {  	_ =	shalt  }
0x66: {  	_ =	shalt  }
0x67: {  	_ =	shalt  }
0x68: {  	_ =	shalt  }
0x69: {  	_ =	shalt  }
0x6a: {  	_ =	shalt  }
0x6b: {  	_ =	shalt  }
0x6c: {  	_ =	shalt  }
0x6d: {  	_ =	shalt  }
0x6e: {  	_ =	shalt  }
0x6f: {  	_ =	shalt  }
0x70: {  	_ =	shalt  }
0x71: {  	_ =	shalt  }
0x72: {  	_ =	shalt  }
0x73: {  	_ =	shalt  }
0x74: {  	_ =	shalt  }
0x75: {  	_ =	shalt  }
0x76: {  	_ =	shalt  }
0x77: {  	_ =	shalt  }
0x78: {  	_ =	shalt  }
0x79: {  	_ =	shalt  }
0x7a: {  	_ =	shalt  }
0x7b: {  	_ =	shalt  }
0x7c: {  	_ =	shalt  }
0x7d: {  	_ =	shalt  }
0x7e: {  	_ =	shalt  }
0x7f: {  	_ =	shalt  }
0x80: {  	_ =	shalt  }
0x81: {  	_ =	shalt  }
0x82: {  	_ =	shalt  }
0x83: {  	_ =	shalt  }
0x84: {  	_ =	shalt  }
0x85: {  	_ =	shalt  }
0x86: {  	_ =	shalt  }
0x87: {  	_ =	shalt  }
.Lfunc_end0:
.L_simem_size_0:
called_computation_lowered:
.L_overlay_start_0:
0x88: {  	s2 =	sld [smem:$0x3FD9]  }
0x89: {  	s3 =	sld [smem:$0x3FFE];
	_ =	sdelay $0x1  }
0x8a: {  	s1 =	srdreg.scid  }
0x8b: {  	s0 =	sand.u32 $0x1, s1  }
0x8c: {  	s17 =	sshll.u32 s0, $0xA;
	s2 =	sadd.s32 s3, s2  }
0x8d: {  	s2 =	sadd.s32 s2, s17  }
0x8e: {  	[smem:$0x3FC6] =	sst s2  }
0x8f: {  	_ = 	snop  }
0x90: {  	s2 =	sld [smem:$0x3FC8]  }
0x91: {  	s18 =	sld [smem:$0x3FD0];
	(tm) =	ssettm $0x1  }
0x92: {  	s4 =	sld [smem:$0x3FFB];
	_ =	sdelay $0x3  }
0x93: {  	_ =	strace s4  }
0x94: {  	s4 =	sld [smem:$0x3FFC];
	_ =	sdelay $0x3  }
0x95: {  	_ =	strace s4  }
0x96: {  	s4 =	sld [smem:$0x3FFD];
	_ =	sdelay $0x3  }
0x97: {  	_ =	strace s4  }
0x98: {  	_ =	strace $0x8FFFFFFF  }
0x99: {  	s19 =	sld [smem:$0x3FDB];
	_ =	sdelay $0x1  }
0x9a: {  	s5 =	simm.s32 $_scs_section_size  }
0x9b: {  	s6 =	simm.s32 $_size__tile_overlayer_lowered;
	s7 =	simm.s32 $_tile_overlayer_lowered  }
0x9c: {  	s22 =	simm.s32 $0x1BFF;
	s21 =	sshll.u32 s7, $0x1;
	s4 =	sadd.s32 s5, s19  }
0x9d: {  	s8 =	simm.s32 $0x0;
	s20 =	sshll.u32 s6, $0x1;
	s6 =	sadd.s32 s21, s4  }
0x9e: {  	[timem:s8], [sflag:s22] =	dma.local [hbm:s6], s20  }
0x9f: {  	_ =	swait.ge [sflag:s22], s20  }
0xa0: {  	s5 =	ssub.s32 $0x0, s20;
	[sflag:s22] =	ssyncset.done $0x0  }
0xa1: {  	[sflag:s22] =	ssyncadd.s32 s5;
	_ =	sdelay $0x1  }
0xa2: {  	s23 =	simm.s32 $0x1B8B  }
0xa3: {  	_ =	swait.ge [sflag:s23], $0x1  }
0xa4: {  	[sflag:s23] =	ssyncset.done $0x0  }
0xa5: {  	s25 =	simm.s32 $0x1B8E;
	s24 =	sld [smem:$0x3FFE];
	[sflag:s23] =	ssyncadd.s32 $0xFFFFFFFF  }
0xa6: {  	s26 =	simm.s32 $execute0_lowered;
	[smem:$0x3FD2] =	sst s25  }
0xa7: {  	s6 =	sshll.u32 s26, $0x1;
	_ =	strace $0x80000046;
	[dreg:$0x1] =	wrdreg $0xFFFFFFFF  }
0xa8: {  	s28 =	simm.s32 $_size_execute0_lowered;
	s4 =	sadd.s32 s4, s6;
	[dreg:$0x0] =	wrdreg $0x0  }
0xa9: {  	s6 =	sshll.u32 s28, $0x1;
	[dreg:$0x2] =	wrdreg s4  }
0xaa: {  	[dreg:$0x3] =	wrdreg s6  }
0xab: {  	[dreg:$0x4] =	wrdreg $0xC0  }
0xac: {  	_ =	task [dreg:s8], $0x5FFFF  }
0xad: {  	[dreg:$0x1] =	wrdreg $0xFFFFFFFF  }
0xae: {  	[dreg:$0x0] =	wrdreg $0x60  }
0xaf: {  	[dreg:$0x2] =	wrdreg s24  }
0xb0: {  	[dreg:$0x3] =	wrdreg s2  }
0xb1: {  	[dreg:$0x4] =	wrdreg s18  }
0xb2: {  	[dreg:$0x5] =	wrdreg $0x76800  }
0xb3: {  	[dreg:$0x6] =	wrdreg $0x9  }
0xb4: {  	_ =	task.clear_ibuf [dreg:s8], $0x7FFFF;
	_ =	strace $0x90000046  }
0xb5: {  	s29 =	simm.s32 $0x9;
	_ =	strace $0x80000048  }
0xb6: {  	_ =	swait.ge [sflag:s29], $0x1  }
0xb7: {  	[sflag:s29] =	ssyncadd.s32 $0xFFFFFFFF  }
0xb8: {  	_ =	strace $0x90000048  }
0xb9: {  	_ =	sfence  }
0xba: {  	s30 =	sld [smem:$0x0];
	_ =	sdelay $0x2  }
0xbb: {  	s31 =	sshll.u32 s1, $0xD;
	s1 =	sshrl.u32 s1, $0x2  }
0xbc: {  	s3 =	sand.u32 $0x4000, s31;
	s1 =	sadd.s32 s1, s30  }
0xbd: {  	s0 =	sor.u32 s3, s0;
	s1 =	sshll.u32 s1, $0x11  }
0xbe: {  	s0 =	sor.u32 s1, s0  }
0xbf: {  	s0 =	sadd.s32 $0x8F2B, s0  }
0xc0: {  	[sflag:s0] =	ssyncadd.remote.s32 $0x1  }
0xc1: {  	_ =	sfence.sel $0xFFFF  }
0xc2: {  	[dreg:$0x0] =	wrdreg $0xFFFFFFFF;
	(pc) =	sbr.abs _section_cstart, $3  }
0xc3: {  	[dreg:$0x1] =	wrdreg $0xFFFFFFFF  }
0xc4: {  	_ =	task.clear_ibuf [dreg:s8], $0x2FFFF;
	_ =	strace $0x9FFFFFFF  }
0xc5: {  	(tm) =	ssettm $0x7FFFFFFF  }
tec
execute0_lowered:
.L_overlay_start_1:
0x0: {  	(tag) =	ssettag $0x1  }
0x1: {  	s0 =	rddreg [dreg:$0x0]  }
0x2: {  	s4 =	rddreg [dreg:$0x1]  }
0x3: {  	s5 =	rddreg [dreg:$0x2]  }
0x4: {  	s26 =	rddreg [dreg:$0x3];
	s1 =	srdreg.scid  }
0x5: {  	s25 =	simm.s32 $0x0;
	s6 =	stileid.u32;
	s28 =	simm.s32 $0x5  }
0x6: {  	s30 =	simm.s32 $0x1000;
	s31 =	simm.s32 $0x5000;
	s29 =	simm.s32 $0x5400  }
0x7: {  	s1 =	sand.u32 $0x1, s1;
	[smem:$0x7FF] =	sst s25;
	s14 =	sshll.u32 s6, $0x10  }
0x8: {  	s21 =	sadd.s32 $0x10, s4;
	_ =	strace $0x80000047;
	[dreg:$0xd] =	wrdreg s14  }
0x9: {  	s2 =	sshll.u32 s6, $0x9;
	s22 =	sadd.s32 $0x20, s4;
	[dreg:$0x5] =	wrdreg s21  }
0xa: {  	s8 =	sshll.u32 s6, $0xC;
	s23 =	sadd.s32 $0x30, s4;
	[dreg:$0x6] =	wrdreg s22  }
0xb: {  	s18 =	sshll.u32 s6, $0xA;
	s24 =	sadd.s32 $0x40, s4;
	[dreg:$0x7] =	wrdreg s23  }
0xc: {  	s20 =	sshll.u32 s6, $0xF;
	s6 =	sadd.s32 $0x60, s4;
	[dreg:$0x8] =	wrdreg s24  }
0xd: {  	s3 =	ssub.s32 $0x2, s1;
	s0 =	sadd.s32 s2, s0;
	[dreg:$0xa] =	wrdreg s6  }
0xe: {  	s7 =	sshll.u32 s1, $0x18;
	s9 =	sadd.s32 s14, s26;
	[dreg:$0x1a] =	wrdreg s8  }
0xf: {  	s19 =	sor.u32 $0x100000, s18;
	s18 =	sadd.s32 $0x300, s26;
	[dreg:$0xc] =	wrdreg s7  }
0x10: {  	s13 =	sshrl.u32 s3, $0x1;
	s15 =	sadd.s32 $0x2600, s0;
	[dreg:$0x10] =	wrdreg s9  }
0x11: {  	s16 =	sor.u32 s14, s7;
	s0 =	sadd.s32 $0x600, s0;
	[dreg:$0xe] =	wrdreg s15  }
0x12: {  	s14 =	sadd.s32 $0x100, s26;
	v0 =	vmov s7;
	s7 =	sadd.s32 $0x70, s4;
	[dreg:$0xf] =	wrdreg s0  }
0x13: {  	v1 =	vmov s19;
	s19 =	sadd.s32 $0x380, s26;
	s11 =	sadd.s32 $0x2000, s9;
	[dreg:$0xb] =	wrdreg s7  }
0x14: {  	v2 =	vmov s20;
	s12 =	sadd.s32 $0x4000, s9;
	s20 =	sadd.s32 $0x6000, s9;
	[dreg:$0x13] =	wrdreg s11  }
0x15: {  	v3 =	vlaneseq.u32;
	s21 =	sadd.s32 $0x8000, s9;
	s22 =	sadd.s32 $0xA000, s9;
	[dreg:$0x14] =	wrdreg s12  }
0x16: {  	v4 =	vimm.s32 $0x0;
	v5 =	vimm.s32 $0x1;
	v7 =	vimm.s32 $0x2;
	s23 =	sadd.s32 $0xC000, s9;
	s24 =	sadd.s32 $0xE000, s9;
	[dreg:$0x15] =	wrdreg s20  }
0x17: {  	v9 =	vimm.s32 $0x3;
	v11 =	vimm.s32 $0x4;
	v13 =	vimm.s32 $0x5;
	s9 =	simm.s32 $0x2;
	s2 =	ssub.s32 s3, s13;
	[dreg:$0x16] =	wrdreg s21  }
0x18: {  	v15 =	vimm.s32 $0x6;
	v17 =	vimm.s32 $0x7;
	v19 =	vimm.s32 $0x8;
	s17 =	sshrl.u32 s16, $0x3;
	s13 =	sadd.s32 $0x80, s26;
	[dreg:$0x17] =	wrdreg s22  }
0x19: {  	v21 =	vimm.s32 $0x9;
	v23 =	vimm.s32 $0xA;
	v25 =	vimm.s32 $0xB;
	s15 =	sadd.s32 $0x180, s26;
	s16 =	sadd.s32 $0x200, s26;
	[dreg:$0x18] =	wrdreg s23  }
0x1a: {  	v27 =	vimm.s32 $0xC;
	v29 =	vimm.s32 $0xD;
	v31 =	vimm.s32 $0xE;
	[dreg:$0x19] =	wrdreg s24;
	s3 =	simm.s32 $0x3000;
	s12 =	simm.s32 $0x5680  }
0x1b: {  	v33 =	vimm.s32 $0xF;
	v35 =	vimm.s32 $0x10;
	v36 =	vimm.f32 $0.0e+00;
	s21 =	simm.s32 $0x5180;
	s22 =	simm.s32 $0x5200;
	s23 =	simm.s32 $0x80  }
.Ltmp0:
0x1c: {  	v6 =	vor.u32 $0x10, v3;
	v8 =	vor.u32 $0x20, v3;
	v10 =	vor.u32 $0x30, v3;
	s24 =	simm.s32 $0x3;
	s20 =	simm.s32 $0x1;
	(pc) =	sbr.rel .LBB2_1-.Ltmp0, $4  }
0x1d: {  	v12 =	vor.u32 $0x40, v3;
	v14 =	vor.u32 $0x50, v3;
	v16 =	vor.u32 $0x60, v3;
	s11 =	simm.s32 $0x5300;
	s7 =	simm.s32 $0x5500;
	s0 =	sadd.s32 s5, s17  }
0x1e: {  	v18 =	vor.u32 $0x70, v3;
	v20 =	vor.u32 $0x80, v3;
	v22 =	vor.u32 $0x90, v3;
	s17 =	sadd.s32 $0x280, s26;
	s5 =	sadd.s32 $0x50, s4;
	[dreg:$0x11] =	wrdreg s0  }
0x1f: {  	v24 =	vor.u32 $0xA0, v3;
	v26 =	vor.u32 $0xB0, v3;
	v28 =	vor.u32 $0xC0, v3;
	s10 =	smax.u32 s2, $0x1;
	s2 =	simm.s32 $0x0;
	[dreg:$0x9] =	wrdreg s5  }
0x20: {  	v30 =	vor.u32 $0xD0, v3;
	v32 =	vor.u32 $0xE0, v3;
	v34 =	vor.u32 $0xF0, v3;
	[dreg:$0x12] =	wrdreg s10;
	s0 =	simm.s32 $0x2000;
	s10 =	simm.s32 $0x4000  }
.LBB2_17:
0x21: {  	s4 =	simm.s32 $0x4  }
0x22: {  	_ =	swait.ge [sflag:s4], $0x2000  }
0x23: {  	s2 =	rddreg [dreg:$0x1b]  }
0x24: {  	s1 =	rddreg [dreg:$0x12];
	s2 =	sadd.s32 $0x1, s2  }
0x25: {  	p0 =	sne.s32 s2, s1  }
.Ltmp1:
0x26: {  	_ = 	snop;
	(pc) =	sbr.rel @!p0 .LBB2_18-.Ltmp1, $3  }
0x27: {  	_ =	sdelay $0x1  }
0x28: {  	s25 =	simm.s32 $0x0;
	s28 =	simm.s32 $0x5;
	[sflag:s4] =	ssyncset.done $0x0  }
0x29: {  	s30 =	simm.s32 $0x1000;
	s8 =	rddreg [dreg:$0x1a];
	[sflag:s4] =	ssyncadd.s32 $0xFFFFE000  }
.LBB2_1:
0x2a: {  	s1 =	rddreg [dreg:$0xe]  }
0x2b: {  	[tilespmem:s25], [sflag:$0x5] =	stream.linear.gather [hbm4b:s1+s25], $0x1000, $0x38;
	[tilespmem:$0x17A80] =	vst v63  }
0x2c: {  	_ =	swait.ge [sflag:s28], $0x1000  }
0x2d: {  	[sflag:s28] =	ssyncset.done $0x0  }
0x2e: {  	s6 =	rddreg [dreg:$0xf];
	[sflag:s28] =	ssyncadd.s32 $0xFFFFF000  }
0x2f: {  	[tilespmem:s30], [sflag:$0x5] =	stream.linear.gather [hbm4b:s6+s25], $0x1000, $0x38;
	[tilespmem:$0x17A80] =	vst v63  }
0x30: {  	_ =	swait.ge [sflag:s28], $0x1000  }
0x31: {  	[sflag:s28] =	ssyncset.done $0x0  }
0x32: {  	s1 =	simm.s32 $0x0;
	[sflag:s28] =	ssyncadd.s32 $0xFFFFF000  }
.LBB2_2:
0x33: {  	v37 =	vor.u32 s1, v3;
	p0 =	sne.s32 s1, $0xF0  }
.Ltmp2:
0x34: {  	_ = 	snop;
	(pc) =	sbr.rel @p0 .LBB2_2-.Ltmp2, $2  }
0x35: {  	_ =	sdelay $0x2  }
0x36: {  	s1 =	sadd.s32 $0x10, s1;
	[tilespmem:v37+s31+$0x0] =	vst.idx.msk $0xffff, v4  }
0x37: {  	s1 =	simm.s32 $0x0  }
0x38: {  	v37 =	vor.u32 s1, v3;
	_ =	sdelay $0x4  }
0x39: {  	v38 =	vld.idx.msk [tilespmem:v37+s30+$0x0], $0xffff  }
0x3a: {  	v39 =	vld.idx.msk [tilespmem:v37+s25+$0x0], $0xffff;
	_ =	sdelay $0x3  }
0x3b: {  	v40 =	vshll.u32 v38, $0x3  }
0x3c: {  	v39 =	vshll.u32 v39, $0xE;
	v40 =	vand.u32 $0xFFFFFC00, v40  }
0x3d: {  	v40 =	vadd.s32 v39, v40  }
0x3e: {  	s6 =	sadd.s32 $0x0, s8;
	v39 =	vsub.s32 v40, v0  }
0x3f: {  	v41 =	vmov s6;
	v39 =	vshra.s32 v39, $0x14  }
0x40: {  	v41 =	vshll.u32 v41, $0x3;
	vm0 =	vlt.u32 v39, $0x10;
	v39 =	vshll.u32 v39, $0x4  }
0x41: {  	v41 =	vand.u32 $0xFFFFFC00, v41;
	v39 =	vor.u32 v3, v39  }
0x42: {  	v41 =	vbroadcast v41, $0x0;
	v38 =	vand.u32 $0x7F, v38  }
0x43: {  	v61 =	vand.u32 $0x7F, v37;
	v38 =	vor.u32 v38, v40  }
0x44: {  	v62 =	vor.u32 v61, v41;
	[tilespmem:v37+s0+$0x0] =	vst.idx.msk $0xffff, v38  }
0x45: {  	[tilespmem:v37+s3+$0x0] =	vst.idx.msk $0xffff, v62  }
0x46: {  	v63 =	vld.idx.msk [tilespmem:v39+s31+$0x0], vm0  }
0x47: {  	s1 =	simm.s32 $0x10  }
0x48: {  	v37 =	vor.u32 s1, v3;
	_ =	sdelay $0x2  }
0x49: {  	s4 =	simm.s32 $0x20;
	v38 =	vand.u32 $0x7F, v37;
	v40 =	vadd.s32 $0x1, v63  }
.LBB2_4:
0x4a: {  	p0 =	sne.s32 s4, $0xFF0;
	[tilespmem:v39+s31+$0x0] =	vst.idx.msk vm0, v40;
	s5 =	smov.u32 s4;
	s4 =	sadd.s32 $0x10, s4  }
0x4b: {  	v39 =	vld.idx.msk [tilespmem:v37+s30+$0x0], $0xffff  }
0x4c: {  	v40 =	vld.idx.msk [tilespmem:v37+s25+$0x0], $0xffff;
	_ =	sdelay $0x2  }
0x4d: {  	s30 =	sadd.s32 s8, s1;
	s1 =	smov.u32 s5  }
0x4e: {  	v41 =	vmov s30;
	s30 =	simm.s32 $0x1000  }
0x4f: {  	v41 =	vshll.u32 v41, $0x3;
	v42 =	vshll.u32 v39, $0x3  }
0x50: {  	v41 =	vand.u32 $0xFFFFFC00, v41;
	v40 =	vshll.u32 v40, $0xE;
	v42 =	vand.u32 $0xFFFFFC00, v42  }
0x51: {  	v41 =	vbroadcast v41, $0x0;
	v39 =	vand.u32 $0x7F, v39;
	v40 =	vadd.s32 v40, v42  }
0x52: {  	v39 =	vor.u32 v39, v40;
	v40 =	vsub.s32 v40, v0  }
0x53: {  	v38 =	vor.u32 v38, v41;
	[tilespmem:v37+s0+$0x0] =	vst.idx.msk $0xffff, v39;
	v39 =	vshra.s32 v40, $0x14  }
0x54: {  	[tilespmem:v37+s3+$0x0] =	vst.idx.msk $0xffff, v38;
	vm0 =	vlt.u32 v39, $0x10;
	v37 =	vshll.u32 v39, $0x4  }
0x55: {  	v39 =	vor.u32 v3, v37;
	_ =	sdelay $0x4  }
0x56: {  	v40 =	vld.idx.msk [tilespmem:v39+s31+$0x0], vm0;
	_ =	sdelay $0x1  }
.Ltmp3:
0x57: {  	(pc) =	sbr.rel @p0 .LBB2_4-.Ltmp3, $3  }
0x58: {  	v37 =	vor.u32 s1, v3  }
0x59: {  	v38 =	vand.u32 $0x7F, v37;
	_ =	sdelay $0x1  }
0x5a: {  	v40 =	vadd.s32 $0x1, v40  }
0x5b: {  	_ =	sdelay $0x4  }
0x5c: {  	[tilespmem:v39+s31+$0x0] =	vst.idx.msk vm0, v40  }
0x5d: {  	v39 =	vld.idx.msk [tilespmem:v37+s30+$0x0], $0xffff  }
0x5e: {  	v40 =	vld.idx.msk [tilespmem:v37+s25+$0x0], $0xffff;
	_ =	sdelay $0x3  }
0x5f: {  	v41 =	vshll.u32 v39, $0x3  }
0x60: {  	v40 =	vshll.u32 v40, $0xE;
	v41 =	vand.u32 $0xFFFFFC00, v41  }
0x61: {  	v40 =	vadd.s32 v40, v41  }
0x62: {  	s1 =	sadd.s32 s8, s1;
	v41 =	vsub.s32 v40, v0  }
0x63: {  	v42 =	vmov s1;
	v41 =	vshra.s32 v41, $0x14  }
0x64: {  	v42 =	vshll.u32 v42, $0x3;
	vm0 =	vlt.u32 v41, $0x10;
	v41 =	vshll.u32 v41, $0x4  }
0x65: {  	v42 =	vand.u32 $0xFFFFFC00, v42;
	v41 =	vor.u32 v3, v41  }
0x66: {  	v42 =	vbroadcast v42, $0x0;
	v39 =	vand.u32 $0x7F, v39  }
0x67: {  	v39 =	vor.u32 v39, v40  }
0x68: {  	v38 =	vor.u32 v38, v42;
	[tilespmem:v37+s0+$0x0] =	vst.idx.msk $0xffff, v39  }
0x69: {  	[tilespmem:v37+s3+$0x0] =	vst.idx.msk $0xffff, v38  }
0x6a: {  	v37 =	vld.idx.msk [tilespmem:v41+s31+$0x0], vm0;
	_ =	sdelay $0x4  }
0x6b: {  	v37 =	vadd.s32 $0x1, v37  }
0x6c: {  	s25 =	simm.s32 $0x5100;
	[tilespmem:v41+s31+$0x0] =	vst.idx.msk vm0, v37  }
0x6d: {  	[tilespmem:v4+s25+$0x0] =	vst.idx.msk $0x1, v4  }
0x6e: {  	v37 =	vld.idx.msk [tilespmem:v3+s31+$0x0], $0xffff;
	_ =	sdelay $0x4  }
0x6f: {  	(xrf0) =	vadd.scan.msk.s32 $0xffff, v37;
	_ =	sdelay $0x5  }
0x70: {  	v55, _, _ =	vpop (xrf0)  }
0x71: {  	v37 =	vsub.s32 v55, v37;
	v56 =	vbroadcast v55, $0xF  }
0x72: {  	[tilespmem:v3+s31+$0x0] =	vst.idx.msk $0xffff, v37  }
0x73: {  	[tilespmem:v5+s25+$0x0] =	vst.idx.msk $0x1, v56  }
0x74: {  	v37 =	vld.idx.msk [tilespmem:v6+s31+$0x0], $0xffff;
	_ =	sdelay $0x4  }
0x75: {  	(xrf0) =	vadd.scan.msk.s32 $0xffff, v37;
	_ =	sdelay $0x5  }
0x76: {  	(v2sf) =	vpush v55, $0xF;
	v57, _, _ =	vpop (xrf0)  }
0x77: {  	(v2sf) =	vpush v57, $0xF;
	_ =	sdelay $0xd  }
0x78: {  	s8 =	spop (v2sf)  }
0x79: {  	v37 =	vsub.s32 v56, v37;
	s4 =	spop (v2sf)  }
0x7a: {  	v37 =	vadd.s32 v57, v37;
	s1 =	sadd.s32 s8, s4  }
0x7b: {  	[tilespmem:v6+s31+$0x0] =	vst.idx.msk $0xffff, v37;
	v58 =	vmov s1  }
0x7c: {  	[tilespmem:v7+s25+$0x0] =	vst.idx.msk $0x1, v58  }
0x7d: {  	v37 =	vld.idx.msk [tilespmem:v8+s31+$0x0], $0xffff;
	_ =	sdelay $0x4  }
0x7e: {  	(xrf0) =	vadd.scan.msk.s32 $0xffff, v37;
	_ =	sdelay $0x5  }
0x7f: {  	v59, _, _ =	vpop (xrf0)  }
0x80: {  	(v2sf) =	vpush v59, $0xF;
	_ =	sdelay $0xe  }
0x81: {  	v37 =	vsub.s32 v59, v37;
	s30 =	spop (v2sf)  }
0x82: {  	v37 =	vadd.s32 s1, v37;
	s1 =	sadd.s32 s1, s30  }
0x83: {  	[tilespmem:v8+s31+$0x0] =	vst.idx.msk $0xffff, v37;
	v60 =	vmov s1  }
0x84: {  	[tilespmem:v9+s25+$0x0] =	vst.idx.msk $0x1, v60  }
0x85: {  	v37 =	vld.idx.msk [tilespmem:v10+s31+$0x0], $0xffff;
	_ =	sdelay $0x4  }
0x86: {  	(xrf0) =	vadd.scan.msk.s32 $0xffff, v37;
	_ =	sdelay $0x5  }
0x87: {  	v61, _, _ =	vpop (xrf0)  }
0x88: {  	(v2sf) =	vpush v61, $0xF;
	_ =	sdelay $0xe  }
0x89: {  	v37 =	vsub.s32 v61, v37;
	s5 =	spop (v2sf)  }
0x8a: {  	v37 =	vadd.s32 s1, v37;
	s1 =	sadd.s32 s1, s5  }
0x8b: {  	[tilespmem:v10+s31+$0x0] =	vst.idx.msk $0xffff, v37;
	v62 =	vmov s1  }
0x8c: {  	[tilespmem:v11+s25+$0x0] =	vst.idx.msk $0x1, v62  }
0x8d: {  	v37 =	vld.idx.msk [tilespmem:v12+s31+$0x0], $0xffff;
	_ =	sdelay $0x4  }
0x8e: {  	(xrf0) =	vadd.scan.msk.s32 $0xffff, v37;
	_ =	sdelay $0x5  }
0x8f: {  	v63, _, _ =	vpop (xrf0)  }
0x90: {  	(v2sf) =	vpush v63, $0xF;
	_ =	sdelay $0xe  }
0x91: {  	v37 =	vsub.s32 v63, v37;
	s6 =	spop (v2sf)  }
0x92: {  	v37 =	vadd.s32 s1, v37;
	s1 =	sadd.s32 s1, s6  }
0x93: {  	[tilespmem:v12+s31+$0x0] =	vst.idx.msk $0xffff, v37;
	v40 =	vmov s1  }
0x94: {  	[tilespmem:v13+s25+$0x0] =	vst.idx.msk $0x1, v40  }
0x95: {  	v37 =	vld.idx.msk [tilespmem:v14+s31+$0x0], $0xffff;
	_ =	sdelay $0x4  }
0x96: {  	(xrf0) =	vadd.scan.msk.s32 $0xffff, v37;
	_ =	sdelay $0x5  }
0x97: {  	v41, _, _ =	vpop (xrf0)  }
0x98: {  	(v2sf) =	vpush v41, $0xF;
	_ =	sdelay $0xe  }
0x99: {  	v37 =	vsub.s32 v41, v37;
	s8 =	spop (v2sf)  }
0x9a: {  	v37 =	vadd.s32 s1, v37;
	s1 =	sadd.s32 s1, s8  }
0x9b: {  	[tilespmem:v14+s31+$0x0] =	vst.idx.msk $0xffff, v37;
	v42 =	vmov s1  }
0x9c: {  	[tilespmem:v15+s25+$0x0] =	vst.idx.msk $0x1, v42  }
0x9d: {  	v37 =	vld.idx.msk [tilespmem:v16+s31+$0x0], $0xffff;
	_ =	sdelay $0x4  }
0x9e: {  	(xrf0) =	vadd.scan.msk.s32 $0xffff, v37;
	_ =	sdelay $0x5  }
0x9f: {  	v43, _, _ =	vpop (xrf0)  }
0xa0: {  	(v2sf) =	vpush v43, $0xF;
	_ =	sdelay $0xe  }
0xa1: {  	v37 =	vsub.s32 v43, v37;
	s30 =	spop (v2sf)  }
0xa2: {  	v37 =	vadd.s32 s1, v37;
	s1 =	sadd.s32 s1, s30  }
0xa3: {  	[tilespmem:v16+s31+$0x0] =	vst.idx.msk $0xffff, v37;
	v44 =	vmov s1  }
0xa4: {  	[tilespmem:v17+s25+$0x0] =	vst.idx.msk $0x1, v44  }
0xa5: {  	v37 =	vld.idx.msk [tilespmem:v18+s31+$0x0], $0xffff;
	_ =	sdelay $0x4  }
0xa6: {  	(xrf0) =	vadd.scan.msk.s32 $0xffff, v37;
	_ =	sdelay $0x5  }
0xa7: {  	v45, _, _ =	vpop (xrf0)  }
0xa8: {  	(v2sf) =	vpush v45, $0xF;
	_ =	sdelay $0xe  }
0xa9: {  	v37 =	vsub.s32 v45, v37;
	s5 =	spop (v2sf)  }
0xaa: {  	v37 =	vadd.s32 s1, v37;
	s1 =	sadd.s32 s1, s5  }
0xab: {  	[tilespmem:v18+s31+$0x0] =	vst.idx.msk $0xffff, v37;
	v46 =	vmov s1  }
0xac: {  	[tilespmem:v19+s25+$0x0] =	vst.idx.msk $0x1, v46  }
0xad: {  	v37 =	vld.idx.msk [tilespmem:v20+s31+$0x0], $0xffff;
	_ =	sdelay $0x4  }
0xae: {  	(xrf0) =	vadd.scan.msk.s32 $0xffff, v37;
	_ =	sdelay $0x5  }
0xaf: {  	v47, _, _ =	vpop (xrf0)  }
0xb0: {  	(v2sf) =	vpush v47, $0xF;
	_ =	sdelay $0xe  }
0xb1: {  	v37 =	vsub.s32 v47, v37;
	s6 =	spop (v2sf)  }
0xb2: {  	v37 =	vadd.s32 s1, v37;
	s1 =	sadd.s32 s1, s6  }
0xb3: {  	[tilespmem:v20+s31+$0x0] =	vst.idx.msk $0xffff, v37;
	v48 =	vmov s1  }
0xb4: {  	[tilespmem:v21+s25+$0x0] =	vst.idx.msk $0x1, v48  }
0xb5: {  	v37 =	vld.idx.msk [tilespmem:v22+s31+$0x0], $0xffff;
	_ =	sdelay $0x4  }
0xb6: {  	(xrf0) =	vadd.scan.msk.s32 $0xffff, v37;
	_ =	sdelay $0x5  }
0xb7: {  	v49, _, _ =	vpop (xrf0)  }
0xb8: {  	(v2sf) =	vpush v49, $0xF;
	_ =	sdelay $0xe  }
0xb9: {  	v37 =	vsub.s32 v49, v37;
	s8 =	spop (v2sf)  }
0xba: {  	v37 =	vadd.s32 s1, v37;
	s1 =	sadd.s32 s1, s8  }
0xbb: {  	[tilespmem:v22+s31+$0x0] =	vst.idx.msk $0xffff, v37;
	v50 =	vmov s1  }
0xbc: {  	[tilespmem:v23+s25+$0x0] =	vst.idx.msk $0x1, v50  }
0xbd: {  	v37 =	vld.idx.msk [tilespmem:v24+s31+$0x0], $0xffff;
	_ =	sdelay $0x4  }
0xbe: {  	(xrf0) =	vadd.scan.msk.s32 $0xffff, v37;
	_ =	sdelay $0x5  }
0xbf: {  	v51, _, _ =	vpop (xrf0)  }
0xc0: {  	(v2sf) =	vpush v51, $0xF;
	_ =	sdelay $0xe  }
0xc1: {  	v37 =	vsub.s32 v51, v37;
	s30 =	spop (v2sf)  }
0xc2: {  	v37 =	vadd.s32 s1, v37;
	s1 =	sadd.s32 s1, s30  }
0xc3: {  	[tilespmem:v24+s31+$0x0] =	vst.idx.msk $0xffff, v37;
	v52 =	vmov s1  }
0xc4: {  	[tilespmem:v25+s25+$0x0] =	vst.idx.msk $0x1, v52  }
0xc5: {  	v37 =	vld.idx.msk [tilespmem:v26+s31+$0x0], $0xffff;
	_ =	sdelay $0x4  }
0xc6: {  	(xrf0) =	vadd.scan.msk.s32 $0xffff, v37;
	_ =	sdelay $0x5  }
0xc7: {  	v53, _, _ =	vpop (xrf0)  }
0xc8: {  	(v2sf) =	vpush v53, $0xF;
	_ =	sdelay $0xe  }
0xc9: {  	v37 =	vsub.s32 v53, v37;
	s5 =	spop (v2sf)  }
0xca: {  	v37 =	vadd.s32 s1, v37;
	s1 =	sadd.s32 s1, s5  }
0xcb: {  	[tilespmem:v26+s31+$0x0] =	vst.idx.msk $0xffff, v37;
	v54 =	vmov s1  }
0xcc: {  	[tilespmem:v27+s25+$0x0] =	vst.idx.msk $0x1, v54  }
0xcd: {  	v37 =	vld.idx.msk [tilespmem:v28+s31+$0x0], $0xffff;
	_ =	sdelay $0x4  }
0xce: {  	(xrf0) =	vadd.scan.msk.s32 $0xffff, v37;
	_ =	sdelay $0x5  }
0xcf: {  	v55, _, _ =	vpop (xrf0)  }
0xd0: {  	(v2sf) =	vpush v55, $0xF;
	_ =	sdelay $0xe  }
0xd1: {  	v37 =	vsub.s32 v55, v37;
	s6 =	spop (v2sf)  }
0xd2: {  	v37 =	vadd.s32 s1, v37;
	s1 =	sadd.s32 s1, s6  }
0xd3: {  	[tilespmem:v28+s31+$0x0] =	vst.idx.msk $0xffff, v37;
	v56 =	vmov s1  }
0xd4: {  	[tilespmem:v29+s25+$0x0] =	vst.idx.msk $0x1, v56  }
0xd5: {  	v37 =	vld.idx.msk [tilespmem:v30+s31+$0x0], $0xffff;
	_ =	sdelay $0x4  }
0xd6: {  	(xrf0) =	vadd.scan.msk.s32 $0xffff, v37;
	_ =	sdelay $0x5  }
0xd7: {  	v57, _, _ =	vpop (xrf0)  }
0xd8: {  	(v2sf) =	vpush v57, $0xF;
	_ =	sdelay $0xe  }
0xd9: {  	v37 =	vsub.s32 v57, v37;
	s8 =	spop (v2sf)  }
0xda: {  	v37 =	vadd.s32 s1, v37;
	s1 =	sadd.s32 s1, s8  }
0xdb: {  	[tilespmem:v30+s31+$0x0] =	vst.idx.msk $0xffff, v37;
	v58 =	vmov s1  }
0xdc: {  	[tilespmem:v31+s25+$0x0] =	vst.idx.msk $0x1, v58  }
0xdd: {  	v37 =	vld.idx.msk [tilespmem:v32+s31+$0x0], $0xffff;
	_ =	sdelay $0x4  }
0xde: {  	(xrf0) =	vadd.scan.msk.s32 $0xffff, v37;
	_ =	sdelay $0x5  }
0xdf: {  	v59, _, _ =	vpop (xrf0)  }
0xe0: {  	(v2sf) =	vpush v59, $0xF;
	_ =	sdelay $0xe  }
0xe1: {  	v37 =	vsub.s32 v59, v37;
	s30 =	spop (v2sf)  }
0xe2: {  	v37 =	vadd.s32 s1, v37;
	s4 =	sadd.s32 s1, s30  }
0xe3: {  	[tilespmem:v32+s31+$0x0] =	vst.idx.msk $0xffff, v37;
	v60 =	vmov s4  }
0xe4: {  	[tilespmem:v33+s25+$0x0] =	vst.idx.msk $0x1, v60  }
0xe5: {  	v61 =	vld.idx.msk [tilespmem:v34+s31+$0x0], $0xffff;
	_ =	sdelay $0x4  }
0xe6: {  	(xrf0) =	vadd.scan.msk.s32 $0xffff, v61;
	_ =	sdelay $0x5  }
0xe7: {  	v62, _, _ =	vpop (xrf0)  }
0xe8: {  	(v2sf) =	vpush v62, $0xF;
	_ =	sdelay $0xc  }
0xe9: {  	s1 =	simm.s32 $0x0  }
0xea: {  	v37 =	vor.u32 s1, v3  }
0xeb: {  	v38 =	vsub.s32 v62, v61;
	s5 =	spop (v2sf)  }
0xec: {  	v38 =	vadd.s32 s4, v38;
	s4 =	sadd.s32 s4, s5  }
0xed: {  	[tilespmem:v34+s31+$0x0] =	vst.idx.msk $0xffff, v38;
	v63 =	vmov s4  }
0xee: {  	[tilespmem:v35+s25+$0x0] =	vst.idx.msk $0x1, v63  }
0xef: {  	v38 =	vld.idx.msk [tilespmem:v37+s0+$0x0], $0xffff;
	_ =	sdelay $0x4  }
0xf0: {  	v38 =	vsub.s32 v38, v0  }
0xf1: {  	v38 =	vshra.s32 v38, $0x14  }
0xf2: {  	vm0 =	vlt.u32 v38, $0x10;
	v38 =	vshll.u32 v38, $0x4  }
0xf3: {  	v39 =	vor.u32 v3, v38;
	_ =	sdelay $0x4  }
0xf4: {  	v40 =	vld.idx.msk [tilespmem:v39+s31+$0x0], vm0;
	_ =	sdelay $0x1  }
0xf5: {  	s4 =	simm.s32 $0x10  }
0xf6: {  	s5 =	simm.s32 $0x20;
	v38 =	vor.u32 s4, v3  }
.LBB2_6:
0xf7: {  	p0 =	sne.s32 s5, $0xFF0  }
0xf8: {  	v41 =	vadd.s32 $0x1, v40  }
0xf9: {  	[tilespmem:v39+s31+$0x0] =	vst.idx.msk vm0, v41  }
0xfa: {  	[tilespmem:v40+s10+$0x0] =	vst.idx.msk vm0, v37;
	v37 =	vmov v38  }
0xfb: {  	v38 =	vld.idx.msk [tilespmem:v38+s0+$0x0], $0xffff;
	_ =	sdelay $0x5  }
0xfc: {  	v38 =	vsub.s32 v38, v0  }
0xfd: {  	v38 =	vshra.s32 v38, $0x14  }
0xfe: {  	vm0 =	vlt.u32 v38, $0x10;
	v38 =	vshll.u32 v38, $0x4  }
0xff: {  	v39 =	vor.u32 v3, v38;
	_ =	sdelay $0x4  }
.Ltmp4:
0x100: {  	v40 =	vld.idx.msk [tilespmem:v39+s31+$0x0], vm0;
	(pc) =	sbr.rel @p0 .LBB2_6-.Ltmp4, $2  }
0x101: {  	_ =	sdelay $0x2  }
0x102: {  	v38 =	vor.u32 s5, v3;
	s5 =	sadd.s32 $0x10, s5  }
0x103: {  	_ =	sdelay $0x3  }
0x104: {  	v41 =	vadd.s32 $0x1, v40  }
0x105: {  	[tilespmem:v39+s31+$0x0] =	vst.idx.msk vm0, v41  }
0x106: {  	[tilespmem:v40+s10+$0x0] =	vst.idx.msk vm0, v37  }
0x107: {  	v37 =	vld.idx.msk [tilespmem:v38+s0+$0x0], $0xffff;
	_ =	sdelay $0x4  }
0x108: {  	v37 =	vsub.s32 v37, v0  }
0x109: {  	v37 =	vshra.s32 v37, $0x14  }
0x10a: {  	vm15 =	vlt.u32 v37, $0x10;
	v37 =	vshll.u32 v37, $0x4  }
0x10b: {  	v37 =	vor.u32 v3, v37;
	_ =	sdelay $0x4  }
0x10c: {  	v39 =	vld.idx.msk [tilespmem:v37+s31+$0x0], vm15;
	_ =	sdelay $0x5  }
0x10d: {  	v63 =	vadd.s32 $0x1, v39  }
0x10e: {  	[tilespmem:v37+s31+$0x0] =	vst.idx.msk vm15, v63  }
0x10f: {  	[dreg:$0x1b] =	wrdreg s2;
	v37 =	vor.u32 s1, v3;
	[tilespmem:v39+s10+$0x0] =	vst.idx.msk vm15, v38  }
.LBB2_8:
0x110: {  	p0 =	sne.s32 s4, $0x1FF0  }
.Ltmp5:
0x111: {  	_ = 	snop;
	(pc) =	sbr.rel @p0 .LBB2_8-.Ltmp5, $3  }
0x112: {  	_ =	sdelay $0x1  }
0x113: {  	[tilespmem:v37+s12+$0x0] =	vst.idx.msk $0xffff, v36;
	s1 =	smov.u32 s4;
	s4 =	sadd.s32 $0x10, s4  }
0x114: {  	v37 =	vor.u32 s1, v3  }
0x115: {  	_ =	sdelay $0x3  }
0x116: {  	[tilespmem:v37+s12+$0x0] =	vst.idx.msk $0xffff, v36;
	s4 =	rddreg [dreg:$0x10]  }
0x117: {  	[spmem:s4] =	stream.linear.scatter [tilespmem:s12], [sflag:$0x5], $0x2000, $0x38;
	[tilespmem:$0x17A80] =	vst v63  }
0x118: {  	_ =	swait.ge [sflag:s28], $0x2000  }
0x119: {  	[sflag:s28] =	ssyncset.done $0x0  }
0x11a: {  	s1 =	rddreg [dreg:$0x13];
	[sflag:s28] =	ssyncadd.s32 $0xFFFFE000  }
0x11b: {  	[spmem:s1] =	stream.linear.scatter [tilespmem:s12], [sflag:$0x5], $0x2000, $0x38;
	[tilespmem:$0x17A80] =	vst v63  }
0x11c: {  	_ =	swait.ge [sflag:s28], $0x2000  }
0x11d: {  	[sflag:s28] =	ssyncset.done $0x0  }
0x11e: {  	s25 =	rddreg [dreg:$0x14];
	[sflag:s28] =	ssyncadd.s32 $0xFFFFE000  }
0x11f: {  	[spmem:s25] =	stream.linear.scatter [tilespmem:s12], [sflag:$0x5], $0x2000, $0x38;
	[tilespmem:$0x17A80] =	vst v63  }
0x120: {  	_ =	swait.ge [sflag:s28], $0x2000  }
0x121: {  	[sflag:s28] =	ssyncset.done $0x0  }
0x122: {  	s30 =	rddreg [dreg:$0x15];
	[sflag:s28] =	ssyncadd.s32 $0xFFFFE000  }
0x123: {  	[spmem:s30] =	stream.linear.scatter [tilespmem:s12], [sflag:$0x5], $0x2000, $0x38;
	[tilespmem:$0x17A80] =	vst v63  }
0x124: {  	_ =	swait.ge [sflag:s28], $0x2000  }
0x125: {  	[sflag:s28] =	ssyncset.done $0x0  }
0x126: {  	s2 =	rddreg [dreg:$0x16];
	[sflag:s28] =	ssyncadd.s32 $0xFFFFE000  }
0x127: {  	[spmem:s2] =	stream.linear.scatter [tilespmem:s12], [sflag:$0x5], $0x2000, $0x38;
	[tilespmem:$0x17A80] =	vst v63  }
0x128: {  	_ =	swait.ge [sflag:s28], $0x2000  }
0x129: {  	[sflag:s28] =	ssyncset.done $0x0  }
0x12a: {  	s5 =	rddreg [dreg:$0x17];
	[sflag:s28] =	ssyncadd.s32 $0xFFFFE000  }
0x12b: {  	[spmem:s5] =	stream.linear.scatter [tilespmem:s12], [sflag:$0x5], $0x2000, $0x38;
	[tilespmem:$0x17A80] =	vst v63  }
0x12c: {  	_ =	swait.ge [sflag:s28], $0x2000  }
0x12d: {  	[sflag:s28] =	ssyncset.done $0x0  }
0x12e: {  	s6 =	rddreg [dreg:$0x18];
	[sflag:s28] =	ssyncadd.s32 $0xFFFFE000  }
0x12f: {  	[spmem:s6] =	stream.linear.scatter [tilespmem:s12], [sflag:$0x5], $0x2000, $0x38;
	[tilespmem:$0x17A80] =	vst v63  }
0x130: {  	_ =	swait.ge [sflag:s28], $0x2000  }
0x131: {  	s25 =	stileid.u32;
	[sflag:s28] =	ssyncset.done $0x0  }
0x132: {  	s1 =	sshll.u32 s25, $0x6;
	s8 =	rddreg [dreg:$0x19];
	[sflag:s28] =	ssyncadd.s32 $0xFFFFE000  }
0x133: {  	[spmem:s8] =	stream.linear.scatter [tilespmem:s12], [sflag:$0x5], $0x2000, $0x38;
	[tilespmem:$0x17A80] =	vst v63  }
.Ltmp6:
0x134: {  	s2 =	sor.u32 $0x1C04, s1;
	(pc) =	sbr.rel .LBB2_10-.Ltmp6, $4  }
0x135: {  	s4 =	sshrl.u32 s4, $0x3;
	_ =	swait.ge [sflag:s28], $0x2000;
	[dreg:$0x1c] =	wrdreg s2  }
0x136: {  	[dreg:$0x1d] =	wrdreg s4;
	[sflag:s28] =	ssyncset.done $0x0  }
0x137: {  	s1 =	simm.s32 $0x0;
	s30 =	rddreg [dreg:$0x11];
	[sflag:s28] =	ssyncadd.s32 $0xFFFFE000  }
0x138: {  	[hbm:s30], [sflag:s2] =	dma.local [spmem:s4], $0x2000  }
.LBB2_16:
0x139: {  	s4 =	rddreg [dreg:$0xd]  }
0x13a: {  	s1 =	rddreg [dreg:$0x1f];
	[bflag:$0x0] =	sbarrier.arrive $0xFFFF  }
0x13b: {  	s4 =	sor.u32 s4, s1;
	s5 =	rddreg [dreg:$0x2]  }
0x13c: {  	s30 =	rddreg [dreg:$0x1c];
	s4 =	sshrl.u32 s4, $0x3  }
0x13d: {  	s2 =	rddreg [dreg:$0x1d];
	s4 =	sadd.s32 s5, s4  }
0x13e: {  	[hbm:s4], [sflag:s30] =	dma.local [spmem:s2], $0x2000  }
0x13f: {  	s1 =	rddreg [dreg:$0x1e]  }
0x140: {  	s1 =	sadd.s32 $0x1, s1  }
0x141: {  	p0 =	sne.s32 s1, $0x10  }
.Ltmp7:
0x142: {  	_ = 	snop;
	(pc) =	sbr.rel @!p0 .LBB2_17-.Ltmp7, $2  }
0x143: {  	_ =	sdelay $0x2  }
0x144: {  	s26 =	smov.u32 s28  }
.LBB2_10:
0x145: {  	v37 =	vmov s1;
	s4 =	smax.u32 s1, $0x1  }
0x146: {  	v38 =	vadd.s32 $0x1, v37;
	s4 =	sadd.s32 $0xFFFFFFFF, s4  }
0x147: {  	v39 =	vmov s4  }
0x148: {  	v40 =	vadd.s32 $0x1, v39  }
0x149: {  	s25 =	simm.s32 $0x5100  }
0x14a: {  	v41 =	vld.idx.msk [tilespmem:v37+s25+$0x0], $0xffff  }
0x14b: {  	v37 =	vld.idx.msk [tilespmem:v38+s25+$0x0], $0xffff  }
0x14c: {  	v39 =	vld.idx.msk [tilespmem:v39+s25+$0x0], $0xffff  }
0x14d: {  	v38 =	vld.idx.msk [tilespmem:v40+s25+$0x0], $0xffff;
	_ =	sdelay $0x1  }
0x14e: {  	(v2sf) =	vpush v41, $0x0  }
0x14f: {  	(v2sf) =	vpush v37, $0x0  }
0x150: {  	(v2sf) =	vpush v39, $0x0  }
0x151: {  	(v2sf) =	vpush v38, $0x0;
	_ =	sdelay $0xb  }
0x152: {  	s2 =	spop (v2sf)  }
0x153: {  	s6 =	spop (v2sf)  }
0x154: {  	s4 =	spop (v2sf)  }
0x155: {  	s5 =	spop (v2sf)  }
0x156: {  	s5 =	ssub.s32 s5, s4  }
0x157: {  	s5 =	sadd.s32 $0x7F, s5  }
0x158: {  	p0 =	seq.s32 s1, $0x0;
	s5 =	sshra.s32 s5, $0x7  }
0x159: {  	p1 =	slt.s32 @!p0 s5, $0x1  }
0x15a: {  	s25 =	simm.s32 $0x4;
	p0 =	por p0, p1  }
.Ltmp8:
0x15b: {  	_ =	swait.ge [sflag:s25], $0x2000;
	(pc) =	sbr.rel @p0 .LBB2_13-.Ltmp8, $4  }
0x15c: {  	[sflag:s25] =	ssyncset.done $0x0  }
0x15d: {  	[dreg:$0x1e] =	wrdreg s1;
	[sflag:s25] =	ssyncadd.s32 $0xFFFFE000  }
0x15e: {  	s30 =	sshll.u32 s1, $0x14;
	s28 =	rddreg [dreg:$0xc];
	[bflag:$0x0] =	sbarrier.arrive $0xFFFF  }
0x15f: {  	s1 =	sadd.s32 s28, s30  }
0x160: {  	s30 =	sadd.s32 $0xFFF00000, s1  }
0x161: {  	v38 =	vbroadcast v38, $0x0;
	v39 =	vmov s30;
	s30 =	sadd.s32 $0x70, s4;
	s4 =	simm.s32 $0x0  }
.LBB2_12:
0x162: {  	s25 =	sadd.s32 $0xFFFFFF90, s30  }
0x163: {  	v40 =	vadd.s32 s25, v3  }
0x164: {  	vm0 =	vlt.s32 v40, v38;
	_ =	sdelay $0x5  }
0x165: {  	v40 =	vld.idx.msk [tilespmem:v40+s10+$0x0], vm0;
	_ =	sdelay $0x7  }
0x166: {  	v41 =	vld.idx.msk [tilespmem:v40+s0+$0x0], vm0  }
0x167: {  	s8 =	sadd.s32 $0xFFFFFFA0, s30  }
0x168: {  	v42 =	vadd.s32 s8, v3;
	v40 =	vld.idx.msk [tilespmem:v40+s3+$0x0], vm0  }
0x169: {  	vm1 =	vlt.s32 v42, v38;
	_ =	sdelay $0x1  }
0x16a: {  	v41 =	vsub.s32 v41, v39  }
0x16b: {  	v41 =	vsel vm0, v41, v1  }
0x16c: {  	v40 =	vsel vm0, v40, v2;
	[tilespmem:v3+s21+$0x0] =	vst.idx.msk $0xffff, v41  }
0x16d: {  	[tilespmem:v3+s22+$0x0] =	vst.idx.msk $0xffff, v40  }
0x16e: {  	v40 =	vld.idx.msk [tilespmem:v42+s10+$0x0], vm1;
	_ =	sdelay $0x7  }
0x16f: {  	v41 =	vld.idx.msk [tilespmem:v40+s0+$0x0], vm1  }
0x170: {  	s28 =	sadd.s32 $0xFFFFFFB0, s30  }
0x171: {  	v58 =	vadd.s32 s28, v3;
	v40 =	vld.idx.msk [tilespmem:v40+s3+$0x0], vm1  }
0x172: {  	vm10 =	vlt.s32 v58, v38;
	_ =	sdelay $0x1  }
0x173: {  	v41 =	vsub.s32 v41, v39  }
0x174: {  	v41 =	vsel vm1, v41, v1  }
0x175: {  	v40 =	vsel vm1, v40, v2;
	[tilespmem:v6+s21+$0x0] =	vst.idx.msk $0xffff, v41  }
0x176: {  	[tilespmem:v6+s22+$0x0] =	vst.idx.msk $0xffff, v40  }
0x177: {  	v40 =	vld.idx.msk [tilespmem:v58+s10+$0x0], vm10;
	_ =	sdelay $0x7  }
0x178: {  	v41 =	vld.idx.msk [tilespmem:v40+s0+$0x0], vm10  }
0x179: {  	s8 =	sadd.s32 $0xFFFFFFC0, s30  }
0x17a: {  	v59 =	vadd.s32 s8, v3;
	v40 =	vld.idx.msk [tilespmem:v40+s3+$0x0], vm10  }
0x17b: {  	vm11 =	vlt.s32 v59, v38;
	_ =	sdelay $0x1  }
0x17c: {  	v41 =	vsub.s32 v41, v39  }
0x17d: {  	v41 =	vsel vm10, v41, v1  }
0x17e: {  	v40 =	vsel vm10, v40, v2;
	[tilespmem:v8+s21+$0x0] =	vst.idx.msk $0xffff, v41  }
0x17f: {  	[tilespmem:v8+s22+$0x0] =	vst.idx.msk $0xffff, v40  }
0x180: {  	v40 =	vld.idx.msk [tilespmem:v59+s10+$0x0], vm11;
	_ =	sdelay $0x7  }
0x181: {  	v41 =	vld.idx.msk [tilespmem:v40+s0+$0x0], vm11  }
0x182: {  	s28 =	sadd.s32 $0xFFFFFFD0, s30  }
0x183: {  	v60 =	vadd.s32 s28, v3;
	v40 =	vld.idx.msk [tilespmem:v40+s3+$0x0], vm11  }
0x184: {  	vm12 =	vlt.s32 v60, v38;
	_ =	sdelay $0x1  }
0x185: {  	v41 =	vsub.s32 v41, v39  }
0x186: {  	v41 =	vsel vm11, v41, v1  }
0x187: {  	v40 =	vsel vm11, v40, v2;
	[tilespmem:v10+s21+$0x0] =	vst.idx.msk $0xffff, v41  }
0x188: {  	[tilespmem:v10+s22+$0x0] =	vst.idx.msk $0xffff, v40  }
0x189: {  	v40 =	vld.idx.msk [tilespmem:v60+s10+$0x0], vm12;
	_ =	sdelay $0x7  }
0x18a: {  	v41 =	vld.idx.msk [tilespmem:v40+s0+$0x0], vm12  }
0x18b: {  	s8 =	sadd.s32 $0xFFFFFFE0, s30  }
0x18c: {  	v61 =	vadd.s32 s8, v3;
	v40 =	vld.idx.msk [tilespmem:v40+s3+$0x0], vm12  }
0x18d: {  	vm13 =	vlt.s32 v61, v38;
	_ =	sdelay $0x1  }
0x18e: {  	v41 =	vsub.s32 v41, v39  }
0x18f: {  	v41 =	vsel vm12, v41, v1  }
0x190: {  	v40 =	vsel vm12, v40, v2;
	[tilespmem:v12+s21+$0x0] =	vst.idx.msk $0xffff, v41  }
0x191: {  	[tilespmem:v12+s22+$0x0] =	vst.idx.msk $0xffff, v40  }
0x192: {  	v40 =	vld.idx.msk [tilespmem:v61+s10+$0x0], vm13;
	_ =	sdelay $0x7  }
0x193: {  	v41 =	vld.idx.msk [tilespmem:v40+s0+$0x0], vm13  }
0x194: {  	s28 =	sadd.s32 $0xFFFFFFF0, s30  }
0x195: {  	v62 =	vadd.s32 s28, v3;
	v40 =	vld.idx.msk [tilespmem:v40+s3+$0x0], vm13  }
0x196: {  	vm14 =	vlt.s32 v62, v38;
	_ =	sdelay $0x1  }
0x197: {  	v41 =	vsub.s32 v41, v39  }
0x198: {  	v41 =	vsel vm13, v41, v1  }
0x199: {  	v40 =	vsel vm13, v40, v2;
	[tilespmem:v14+s21+$0x0] =	vst.idx.msk $0xffff, v41  }
0x19a: {  	[tilespmem:v14+s22+$0x0] =	vst.idx.msk $0xffff, v40  }
0x19b: {  	v40 =	vld.idx.msk [tilespmem:v62+s10+$0x0], vm14;
	_ =	sdelay $0x7  }
0x19c: {  	v41 =	vld.idx.msk [tilespmem:v40+s0+$0x0], vm14;
	_ =	sdelay $0x1  }
0x19d: {  	v63 =	vadd.s32 s30, v3;
	v40 =	vld.idx.msk [tilespmem:v40+s3+$0x0], vm14  }
0x19e: {  	vm15 =	vlt.s32 v63, v38;
	_ =	sdelay $0x1  }
0x19f: {  	v41 =	vsub.s32 v41, v39  }
0x1a0: {  	v41 =	vsel vm14, v41, v1  }
0x1a1: {  	v40 =	vsel vm14, v40, v2;
	[tilespmem:v16+s21+$0x0] =	vst.idx.msk $0xffff, v41  }
0x1a2: {  	[tilespmem:v16+s22+$0x0] =	vst.idx.msk $0xffff, v40  }
0x1a3: {  	v40 =	vld.idx.msk [tilespmem:v63+s10+$0x0], vm15;
	_ =	sdelay $0x7  }
0x1a4: {  	v41 =	vld.idx.msk [tilespmem:v40+s0+$0x0], vm15;
	_ =	sdelay $0x1  }
0x1a5: {  	v40 =	vld.idx.msk [tilespmem:v40+s3+$0x0], vm15;
	_ =	sdelay $0x2  }
0x1a6: {  	v41 =	vsub.s32 v41, v39  }
0x1a7: {  	v41 =	vsel vm15, v41, v1  }
0x1a8: {  	v40 =	vsel vm15, v40, v2;
	[tilespmem:v18+s21+$0x0] =	vst.idx.msk $0xffff, v41  }
0x1a9: {  	[tilespmem:v18+s22+$0x0] =	vst.idx.msk $0xffff, v40  }
0x1aa: {  	[spmem:s26] =	stream.indirect.scatter [tilespmem:s12], [sflag:$0x3], $0x1, s21, s23, $0xb8;
	[tilespmem:$0x17A80] =	vst v63  }
0x1ab: {  	_ = 	snop  }
0x1ac: {  	[spmem:s13] =	stream.indirect.scatter [tilespmem:s12], [sflag:$0x3], $0x1, s21, s23, $0xb8;
	[tilespmem:$0x17A80] =	vst v63  }
0x1ad: {  	_ = 	snop  }
0x1ae: {  	[spmem:s14] =	stream.indirect.scatter [tilespmem:s12], [sflag:$0x3], $0x1, s21, s23, $0xb8;
	[tilespmem:$0x17A80] =	vst v63  }
0x1af: {  	_ = 	snop  }
0x1b0: {  	[spmem:s15] =	stream.indirect.scatter [tilespmem:s12], [sflag:$0x3], $0x1, s21, s23, $0xb8;
	[tilespmem:$0x17A80] =	vst v63  }
0x1b1: {  	_ = 	snop  }
0x1b2: {  	[spmem:s16] =	stream.indirect.scatter [tilespmem:s12], [sflag:$0x3], $0x1, s21, s23, $0xb8;
	[tilespmem:$0x17A80] =	vst v63  }
0x1b3: {  	_ = 	snop  }
0x1b4: {  	[spmem:s17] =	stream.indirect.scatter [tilespmem:s12], [sflag:$0x3], $0x1, s21, s23, $0xb8;
	[tilespmem:$0x17A80] =	vst v63  }
0x1b5: {  	_ = 	snop  }
0x1b6: {  	[spmem:s18] =	stream.indirect.scatter [tilespmem:s12], [sflag:$0x3], $0x1, s21, s23, $0xb8;
	[tilespmem:$0x17A80] =	vst v63  }
0x1b7: {  	_ = 	snop  }
0x1b8: {  	[spmem:s19] =	stream.indirect.scatter [tilespmem:s12], [sflag:$0x3], $0x1, s21, s23, $0xb8;
	[tilespmem:$0x17A80] =	vst v63  }
0x1b9: {  	_ =	swait.ge [sflag:s24], $0x80  }
0x1ba: {  	[sflag:s24] =	ssyncset.done $0x0  }
0x1bb: {  	[sflag:s24] =	ssyncadd.s32 $0xFFFFFF80  }
0x1bc: {  	_ =	swait.ge [sflag:s24], $0x80  }
0x1bd: {  	[sflag:s24] =	ssyncset.done $0x0  }
0x1be: {  	[sflag:s24] =	ssyncadd.s32 $0xFFFFFF80  }
0x1bf: {  	_ =	swait.ge [sflag:s24], $0x80  }
0x1c0: {  	[sflag:s24] =	ssyncset.done $0x0  }
0x1c1: {  	[sflag:s24] =	ssyncadd.s32 $0xFFFFFF80  }
0x1c2: {  	_ =	swait.ge [sflag:s24], $0x80  }
0x1c3: {  	[sflag:s24] =	ssyncset.done $0x0  }
0x1c4: {  	[sflag:s24] =	ssyncadd.s32 $0xFFFFFF80  }
0x1c5: {  	_ =	swait.ge [sflag:s24], $0x80  }
0x1c6: {  	[sflag:s24] =	ssyncset.done $0x0  }
0x1c7: {  	[sflag:s24] =	ssyncadd.s32 $0xFFFFFF80  }
0x1c8: {  	_ =	swait.ge [sflag:s24], $0x80  }
0x1c9: {  	[sflag:s24] =	ssyncset.done $0x0  }
0x1ca: {  	s4 =	sadd.s32 $0x1, s4;
	[sflag:s24] =	ssyncadd.s32 $0xFFFFFF80  }
0x1cb: {  	p0 =	sgt.s32 s5, s4;
	_ =	swait.ge [sflag:s24], $0x80  }
.Ltmp9:
0x1cc: {  	[sflag:s24] =	ssyncset.done $0x0;
	(pc) =	sbr.rel @p0 .LBB2_12-.Ltmp9, $4  }
0x1cd: {  	[sflag:s24] =	ssyncadd.s32 $0xFFFFFF80  }
0x1ce: {  	_ =	swait.ge [sflag:s24], $0x80  }
0x1cf: {  	[sflag:s24] =	ssyncset.done $0x0  }
0x1d0: {  	s30 =	sadd.s32 $0x80, s30;
	[sflag:s24] =	ssyncadd.s32 $0xFFFFFF80  }
.LBB2_13:
0x1d1: {  	s4 =	ssub.s32 s6, s2  }
0x1d2: {  	s4 =	sadd.s32 $0x7F, s4  }
0x1d3: {  	s5 =	sshra.s32 s4, $0x7  }
0x1d4: {  	p0 =	slt.s32 s5, $0x1  }
.Ltmp10:
0x1d5: {  	_ = 	snop;
	(pc) =	sbr.rel @p0 .LBB2_16-.Ltmp10, $4  }
0x1d6: {  	[dreg:$0x1f] =	wrdreg s1  }
0x1d7: {  	s28 =	smov.u32 s26;
	s25 =	simm.s32 $0x5280;
	s30 =	smov.u32 s2  }
0x1d8: {  	s2 =	simm.s32 $0x5380;
	s6 =	simm.s32 $0x5480;
	[bflag:$0x0] =	sbarrier.arrive $0xFFFF  }
0x1d9: {  	s1 =	simm.s32 $0x5580;
	s8 =	simm.s32 $0x5600;
	s26 =	rddreg [dreg:$0x1]  }
0x1da: {  	s4 =	rddreg [dreg:$0x1f]  }
0x1db: {  	v37 =	vbroadcast v37, $0x0;
	s30 =	sadd.s32 $0x70, s30;
	v38 =	vmov s4  }
.LBB2_15:
0x1dc: {  	s4 =	sadd.s32 $0xFFFFFF90, s30  }
0x1dd: {  	v39 =	vadd.s32 s4, v3  }
0x1de: {  	vm0 =	vlt.s32 v39, v37;
	_ =	sdelay $0x5  }
0x1df: {  	v39 =	vld.idx.msk [tilespmem:v39+s10+$0x0], vm0;
	_ =	sdelay $0x7  }
0x1e0: {  	v40 =	vld.idx.msk [tilespmem:v39+s0+$0x0], vm0  }
0x1e1: {  	s4 =	sadd.s32 $0xFFFFFFA0, s30  }
0x1e2: {  	v41 =	vadd.s32 s4, v3;
	v39 =	vld.idx.msk [tilespmem:v39+s3+$0x0], vm0  }
0x1e3: {  	vm1 =	vlt.s32 v41, v37;
	_ =	sdelay $0x1  }
0x1e4: {  	v40 =	vsub.s32 v40, v38  }
0x1e5: {  	v40 =	vsel vm0, v40, v1  }
0x1e6: {  	v39 =	vsel vm0, v39, v2;
	[tilespmem:v3+s21+$0x0] =	vst.idx.msk $0xffff, v40  }
0x1e7: {  	[tilespmem:v3+s22+$0x0] =	vst.idx.msk $0xffff, v39  }
0x1e8: {  	v39 =	vld.idx.msk [tilespmem:v41+s10+$0x0], vm1;
	_ =	sdelay $0x7  }
0x1e9: {  	v40 =	vld.idx.msk [tilespmem:v39+s0+$0x0], vm1  }
0x1ea: {  	s4 =	sadd.s32 $0xFFFFFFB0, s30  }
0x1eb: {  	v58 =	vadd.s32 s4, v3;
	v39 =	vld.idx.msk [tilespmem:v39+s3+$0x0], vm1  }
0x1ec: {  	vm10 =	vlt.s32 v58, v37;
	_ =	sdelay $0x1  }
0x1ed: {  	v40 =	vsub.s32 v40, v38  }
0x1ee: {  	v40 =	vsel vm1, v40, v1  }
0x1ef: {  	v39 =	vsel vm1, v39, v2;
	[tilespmem:v6+s21+$0x0] =	vst.idx.msk $0xffff, v40  }
0x1f0: {  	[tilespmem:v6+s22+$0x0] =	vst.idx.msk $0xffff, v39  }
0x1f1: {  	v39 =	vld.idx.msk [tilespmem:v58+s10+$0x0], vm10;
	_ =	sdelay $0x7  }
0x1f2: {  	v40 =	vld.idx.msk [tilespmem:v39+s0+$0x0], vm10  }
0x1f3: {  	s4 =	sadd.s32 $0xFFFFFFC0, s30  }
0x1f4: {  	v59 =	vadd.s32 s4, v3;
	v39 =	vld.idx.msk [tilespmem:v39+s3+$0x0], vm10  }
0x1f5: {  	vm11 =	vlt.s32 v59, v37;
	_ =	sdelay $0x1  }
0x1f6: {  	v40 =	vsub.s32 v40, v38  }
0x1f7: {  	v40 =	vsel vm10, v40, v1  }
0x1f8: {  	v39 =	vsel vm10, v39, v2;
	[tilespmem:v8+s21+$0x0] =	vst.idx.msk $0xffff, v40  }
0x1f9: {  	[tilespmem:v8+s22+$0x0] =	vst.idx.msk $0xffff, v39  }
0x1fa: {  	v39 =	vld.idx.msk [tilespmem:v59+s10+$0x0], vm11;
	_ =	sdelay $0x7  }
0x1fb: {  	v40 =	vld.idx.msk [tilespmem:v39+s0+$0x0], vm11  }
0x1fc: {  	s4 =	sadd.s32 $0xFFFFFFD0, s30  }
0x1fd: {  	v60 =	vadd.s32 s4, v3;
	v39 =	vld.idx.msk [tilespmem:v39+s3+$0x0], vm11  }
0x1fe: {  	vm12 =	vlt.s32 v60, v37;
	_ =	sdelay $0x1  }
0x1ff: {  	v40 =	vsub.s32 v40, v38  }
0x200: {  	v40 =	vsel vm11, v40, v1  }
0x201: {  	v39 =	vsel vm11, v39, v2;
	[tilespmem:v10+s21+$0x0] =	vst.idx.msk $0xffff, v40  }
0x202: {  	[tilespmem:v10+s22+$0x0] =	vst.idx.msk $0xffff, v39  }
0x203: {  	v39 =	vld.idx.msk [tilespmem:v60+s10+$0x0], vm12;
	_ =	sdelay $0x7  }
0x204: {  	v40 =	vld.idx.msk [tilespmem:v39+s0+$0x0], vm12  }
0x205: {  	s4 =	sadd.s32 $0xFFFFFFE0, s30  }
0x206: {  	v61 =	vadd.s32 s4, v3;
	v39 =	vld.idx.msk [tilespmem:v39+s3+$0x0], vm12  }
0x207: {  	vm13 =	vlt.s32 v61, v37;
	_ =	sdelay $0x1  }
0x208: {  	v40 =	vsub.s32 v40, v38  }
0x209: {  	v40 =	vsel vm12, v40, v1  }
0x20a: {  	v39 =	vsel vm12, v39, v2;
	[tilespmem:v12+s21+$0x0] =	vst.idx.msk $0xffff, v40  }
0x20b: {  	[tilespmem:v12+s22+$0x0] =	vst.idx.msk $0xffff, v39  }
0x20c: {  	v39 =	vld.idx.msk [tilespmem:v61+s10+$0x0], vm13;
	_ =	sdelay $0x7  }
0x20d: {  	v40 =	vld.idx.msk [tilespmem:v39+s0+$0x0], vm13  }
0x20e: {  	s4 =	sadd.s32 $0xFFFFFFF0, s30  }
0x20f: {  	v62 =	vadd.s32 s4, v3;
	v39 =	vld.idx.msk [tilespmem:v39+s3+$0x0], vm13  }
0x210: {  	vm14 =	vlt.s32 v62, v37;
	_ =	sdelay $0x1  }
0x211: {  	v40 =	vsub.s32 v40, v38  }
0x212: {  	v40 =	vsel vm13, v40, v1  }
0x213: {  	v39 =	vsel vm13, v39, v2;
	[tilespmem:v14+s21+$0x0] =	vst.idx.msk $0xffff, v40  }
0x214: {  	[tilespmem:v14+s22+$0x0] =	vst.idx.msk $0xffff, v39  }
0x215: {  	v39 =	vld.idx.msk [tilespmem:v62+s10+$0x0], vm14;
	_ =	sdelay $0x7  }
0x216: {  	v40 =	vld.idx.msk [tilespmem:v39+s0+$0x0], vm14;
	_ =	sdelay $0x1  }
0x217: {  	v63 =	vadd.s32 s30, v3;
	v39 =	vld.idx.msk [tilespmem:v39+s3+$0x0], vm14  }
0x218: {  	vm15 =	vlt.s32 v63, v37;
	_ =	sdelay $0x1  }
0x219: {  	v40 =	vsub.s32 v40, v38  }
0x21a: {  	v40 =	vsel vm14, v40, v1  }
0x21b: {  	v39 =	vsel vm14, v39, v2;
	[tilespmem:v16+s21+$0x0] =	vst.idx.msk $0xffff, v40  }
0x21c: {  	[tilespmem:v16+s22+$0x0] =	vst.idx.msk $0xffff, v39  }
0x21d: {  	v39 =	vld.idx.msk [tilespmem:v63+s10+$0x0], vm15;
	_ =	sdelay $0x7  }
0x21e: {  	v40 =	vld.idx.msk [tilespmem:v39+s0+$0x0], vm15;
	_ =	sdelay $0x1  }
0x21f: {  	v39 =	vld.idx.msk [tilespmem:v39+s3+$0x0], vm15;
	_ =	sdelay $0x2  }
0x220: {  	v40 =	vsub.s32 v40, v38  }
0x221: {  	v40 =	vsel vm15, v40, v1  }
0x222: {  	v39 =	vsel vm15, v39, v2;
	[tilespmem:v18+s21+$0x0] =	vst.idx.msk $0xffff, v40  }
0x223: {  	[tilespmem:v18+s22+$0x0] =	vst.idx.msk $0xffff, v39  }
0x224: {  	[tilespmem:s25], [sflag:$0x1] =	stream.indirect.gather [hbm4b:s26+s23], $0x1, s22, s23, $0xb8;
	[tilespmem:$0x17A80] =	vst v63  }
0x225: {  	s4 =	rddreg [dreg:$0x5]  }
0x226: {  	[tilespmem:s11], [sflag:$0x1] =	stream.indirect.gather [hbm4b:s4+s23], $0x1, s22, s23, $0xb8;
	[tilespmem:$0x17A80] =	vst v63  }
0x227: {  	s25 =	rddreg [dreg:$0x6]  }
0x228: {  	[tilespmem:s2], [sflag:$0x1] =	stream.indirect.gather [hbm4b:s25+s23], $0x1, s22, s23, $0xb8;
	[tilespmem:$0x17A80] =	vst v63  }
0x229: {  	s4 =	rddreg [dreg:$0x7]  }
0x22a: {  	[tilespmem:s29], [sflag:$0x1] =	stream.indirect.gather [hbm4b:s4+s23], $0x1, s22, s23, $0xb8;
	[tilespmem:$0x17A80] =	vst v63  }
0x22b: {  	s25 =	rddreg [dreg:$0x8]  }
0x22c: {  	[tilespmem:s6], [sflag:$0x1] =	stream.indirect.gather [hbm4b:s25+s23], $0x1, s22, s23, $0xb8;
	[tilespmem:$0x17A80] =	vst v63  }
0x22d: {  	s4 =	rddreg [dreg:$0x9]  }
0x22e: {  	[tilespmem:s7], [sflag:$0x1] =	stream.indirect.gather [hbm4b:s4+s23], $0x1, s22, s23, $0xb8;
	[tilespmem:$0x17A80] =	vst v63  }
0x22f: {  	s25 =	rddreg [dreg:$0xa]  }
0x230: {  	[tilespmem:s1], [sflag:$0x1] =	stream.indirect.gather [hbm4b:s25+s23], $0x1, s22, s23, $0xb8;
	[tilespmem:$0x17A80] =	vst v63  }
0x231: {  	s4 =	rddreg [dreg:$0xb]  }
0x232: {  	[tilespmem:s8], [sflag:$0x1] =	stream.indirect.gather [hbm4b:s4+s23], $0x1, s22, s23, $0xb8;
	[tilespmem:$0x17A80] =	vst v63  }
0x233: {  	_ =	swait.ge [sflag:s20], $0x80  }
0x234: {  	[sflag:s20] =	ssyncset.done $0x0  }
0x235: {  	[sflag:s20] =	ssyncadd.s32 $0xFFFFFF80  }
0x236: {  	_ =	swait.ge [sflag:s20], $0x80  }
0x237: {  	[sflag:s20] =	ssyncset.done $0x0  }
0x238: {  	[sflag:s20] =	ssyncadd.s32 $0xFFFFFF80  }
0x239: {  	_ =	swait.ge [sflag:s20], $0x80  }
0x23a: {  	[sflag:s20] =	ssyncset.done $0x0  }
0x23b: {  	[sflag:s20] =	ssyncadd.s32 $0xFFFFFF80  }
0x23c: {  	_ =	swait.ge [sflag:s20], $0x80  }
0x23d: {  	[sflag:s20] =	ssyncset.done $0x0  }
0x23e: {  	[sflag:s20] =	ssyncadd.s32 $0xFFFFFF80  }
0x23f: {  	_ =	swait.ge [sflag:s20], $0x80  }
0x240: {  	[sflag:s20] =	ssyncset.done $0x0  }
0x241: {  	[sflag:s20] =	ssyncadd.s32 $0xFFFFFF80  }
0x242: {  	_ =	swait.ge [sflag:s20], $0x80  }
0x243: {  	[sflag:s20] =	ssyncset.done $0x0  }
0x244: {  	[sflag:s20] =	ssyncadd.s32 $0xFFFFFF80  }
0x245: {  	_ =	swait.ge [sflag:s20], $0x80  }
0x246: {  	[sflag:s20] =	ssyncset.done $0x0  }
0x247: {  	[sflag:s20] =	ssyncadd.s32 $0xFFFFFF80  }
0x248: {  	_ =	swait.ge [sflag:s20], $0x80  }
0x249: {  	[sflag:s20] =	ssyncset.done $0x0  }
0x24a: {  	s25 =	simm.s32 $0x5280;
	[sflag:s20] =	ssyncadd.s32 $0xFFFFFF80  }
0x24b: {  	[spmem:s28] =	stream.indirect.scatter.add.f32 [tilespmem:s25], [sflag:$0x2], $0x1, s21, s23, $0xb8;
	[tilespmem:$0x17A80] =	vst v63  }
0x24c: {  	_ = 	snop  }
0x24d: {  	[spmem:s13] =	stream.indirect.scatter.add.f32 [tilespmem:s11], [sflag:$0x2], $0x1, s21, s23, $0xb8;
	[tilespmem:$0x17A80] =	vst v63  }
0x24e: {  	_ = 	snop  }
0x24f: {  	[spmem:s14] =	stream.indirect.scatter.add.f32 [tilespmem:s2], [sflag:$0x2], $0x1, s21, s23, $0xb8;
	[tilespmem:$0x17A80] =	vst v63  }
0x250: {  	_ = 	snop  }
0x251: {  	[spmem:s15] =	stream.indirect.scatter.add.f32 [tilespmem:s29], [sflag:$0x2], $0x1, s21, s23, $0xb8;
	[tilespmem:$0x17A80] =	vst v63  }
0x252: {  	_ = 	snop  }
0x253: {  	[spmem:s16] =	stream.indirect.scatter.add.f32 [tilespmem:s6], [sflag:$0x2], $0x1, s21, s23, $0xb8;
	[tilespmem:$0x17A80] =	vst v63  }
0x254: {  	_ = 	snop  }
0x255: {  	[spmem:s17] =	stream.indirect.scatter.add.f32 [tilespmem:s7], [sflag:$0x2], $0x1, s21, s23, $0xb8;
	[tilespmem:$0x17A80] =	vst v63  }
0x256: {  	_ = 	snop  }
0x257: {  	[spmem:s18] =	stream.indirect.scatter.add.f32 [tilespmem:s1], [sflag:$0x2], $0x1, s21, s23, $0xb8;
	[tilespmem:$0x17A80] =	vst v63  }
0x258: {  	_ = 	snop  }
0x259: {  	[spmem:s19] =	stream.indirect.scatter.add.f32 [tilespmem:s8], [sflag:$0x2], $0x1, s21, s23, $0xb8;
	[tilespmem:$0x17A80] =	vst v63  }
0x25a: {  	_ =	swait.ge [sflag:s9], $0x80  }
0x25b: {  	[sflag:s9] =	ssyncset.done $0x0  }
0x25c: {  	[sflag:s9] =	ssyncadd.s32 $0xFFFFFF80  }
0x25d: {  	_ =	swait.ge [sflag:s9], $0x80  }
0x25e: {  	[sflag:s9] =	ssyncset.done $0x0  }
0x25f: {  	[sflag:s9] =	ssyncadd.s32 $0xFFFFFF80  }
0x260: {  	_ =	swait.ge [sflag:s9], $0x80  }
0x261: {  	[sflag:s9] =	ssyncset.done $0x0  }
0x262: {  	[sflag:s9] =	ssyncadd.s32 $0xFFFFFF80  }
0x263: {  	_ =	swait.ge [sflag:s9], $0x80  }
0x264: {  	[sflag:s9] =	ssyncset.done $0x0  }
0x265: {  	[sflag:s9] =	ssyncadd.s32 $0xFFFFFF80  }
0x266: {  	_ =	swait.ge [sflag:s9], $0x80  }
0x267: {  	[sflag:s9] =	ssyncset.done $0x0  }
0x268: {  	[sflag:s9] =	ssyncadd.s32 $0xFFFFFF80  }
0x269: {  	_ =	swait.ge [sflag:s9], $0x80  }
0x26a: {  	[sflag:s9] =	ssyncset.done $0x0  }
0x26b: {  	[sflag:s9] =	ssyncadd.s32 $0xFFFFFF80  }
0x26c: {  	p0 =	sne.s32 s5, $0x1;
	_ =	swait.ge [sflag:s9], $0x80  }
.Ltmp11:
0x26d: {  	[sflag:s9] =	ssyncset.done $0x0;
	(pc) =	sbr.rel @p0 .LBB2_15-.Ltmp11, $4  }
0x26e: {  	[sflag:s9] =	ssyncadd.s32 $0xFFFFFF80  }
0x26f: {  	_ =	swait.ge [sflag:s9], $0x80  }
0x270: {  	[sflag:s9] =	ssyncset.done $0x0  }
0x271: {  	s5 =	sadd.s32 $0xFFFFFFFF, s5;
	s30 =	sadd.s32 $0x80, s30;
	[sflag:s9] =	ssyncadd.s32 $0xFFFFFF80  }
.Ltmp12:
0x272: {  	_ = 	snop;
	(pc) =	sbr.rel .LBB2_16-.Ltmp12, $1  }
0x273: {  	_ =	sdelay $0x3  }
.LBB2_18:
0x274: {  	_ =	sfence.sel $0x180000  }
0x275: {  	[bflag:$0x0] =	sbarrier.arrive $0xFFFF  }
0x276: {  	_ =	strace $0x90000047  }
0x277: {  	s0 =	stileid.u32;
	[bflag:$0x2] =	sbarrier.arrive $0xFFFF  }
0x278: {  	p0 =	sne.s32 s0, $0x0;
	s0 =	rddreg [dreg:$0x4]  }
0x279: {  	s0 =	sadd.s32 @!p0 $0x100000, s0  }
0x27a: {  	[sflag:s0] =	ssyncadd.tile.s32 @!p0 $0x1;
	_ =	shalt  }
.Lfunc_end2:
_tile_overlayer_lowered:
.L_overlay_start_2:
0x27b: {  	(tag) =	ssettag $0x2  }
0x27c: {  	s0 =	rddreg [dreg:$0x0];
	s2 =	stileid.u32  }
0x27d: {  	s1 =	rddreg [dreg:$0x1];
	p0 =	sne.s32 s2, $0x0  }
0x27e: {  	s3 =	rddreg [dreg:$0x2];
	[bflag:$0x3] =	sbarrier.arrive $0xFFFF;
	s2 =	simm.s32 @!p0 $0x1C05  }
0x27f: {  	[timem:s3], [sflag:s2] =	dma.local @!p0 [hbm:s0], s1  }
0x280: {  	s0 =	simm.s32 @!p0 $0x5  }
0x281: {  	_ =	swait.ge @!p0 [sflag:s0], s1  }
0x282: {  	s1 =	ssub.s32 @!p0 $0x0, s1;
	[sflag:s0] =	ssyncset.done @!p0 $0x0  }
0x283: {  	[sflag:s0] =	ssyncadd.s32 @!p0 s1  }
0x284: {  	[bflag:$0x3] =	sbarrier.arrive $0xFFFF  }
0x285: {  	_ =	shalt  }

</sc_bundles>
